<compile_context>
chip_gen: v7x
topology: tpu7x:2x2x1
jax: 0.10.2.dev20260603
libtpu: 0.0.44.dev20260713+nightly
codegen_flags: <defaults>
</compile_context>

<pallas_src>
import jax
import jax.numpy as jnp
from jax import lax
from jax.experimental import pallas as pl
from jax.experimental.pallas import tpu as pltpu
from jax.experimental.pallas import tpu_sc as plsc

N = 10000
E = 320000
D = 128
G = 64

NC = 2
NS = 16
NW = NC * NS
EPW = E // NW
K = 128
NFULL = EPW // K
KM = EPW - NFULL * K
ZR = 40

BLK = 1000
GRID = N // BLK


def _sc_mesh():
    return plsc.VectorSubcoreMesh(
        core_axis_name="c", subcore_axis_name="s", num_cores=NC, num_subcores=NS
    )


def _deg_partials_body(dst_hbm, deg_out, idx_v, deg_v):
    c = lax.axis_index("c")
    s = lax.axis_index("s")
    wid = s * NC + c

    def zero_body(t, carry):
        deg_v[0, pl.ds(t * 16, 16)] = jnp.zeros((16,), jnp.float32)
        return carry

    lax.fori_loop(0, N // 16, zero_body, 0)

    ones16 = jnp.ones((16,), jnp.float32)
    zeros16 = jnp.zeros((16,), jnp.int32)
    base = wid * EPW

    def stage_body(q, carry):
        pltpu.sync_copy(dst_hbm.at[pl.ds(base + q * 2000, 2000)], idx_v)

        def hist_body(t, c2):
            idx16 = idx_v[pl.ds(t * 16, 16)]
            plsc.addupdate_scatter(deg_v, [zeros16, idx16], ones16)
            return c2

        lax.fori_loop(0, 125, hist_body, 0)
        return carry

    lax.fori_loop(0, EPW // 2000, stage_body, 0)
    pltpu.sync_copy(deg_v, deg_out.at[wid])


def _deg_partials(dst):
    return pl.kernel(
        _deg_partials_body,
        out_type=jax.ShapeDtypeStruct((NW, 1, N), jnp.float32),
        mesh=_sc_mesh(),
        compiler_params=pltpu.CompilerParams(needs_layout_passes=False),
        scratch_types=[
            pltpu.VMEM((2000,), jnp.int32),
            pltpu.VMEM((1, N), jnp.float32),
        ],
    )(dst)


def _edge_pass_body(
    y_hbm, src_hbm, dst_hbm, out_hbm,
    sidx0, didx0, rows0, semi0, semg0,
    sidx1, didx1, rows1, semi1, semg1,
    sidxm, didxm, rowsm, semim, semgm,
    zrow, acc,
):
    c = lax.axis_index("c")
    s = lax.axis_index("s")
    wid = s * NC + c

    def zbuf_body(i, carry):
        for j in range(D // 16):
            zrow[i, pl.ds(j * 16, 16)] = jnp.zeros((16,), jnp.float32)
        return carry

    lax.fori_loop(0, ZR, zbuf_body, 0)

    @pl.when(s < NS - 1)
    def _():
        def zc(q, carry):
            pltpu.sync_copy(zrow, acc.at[pl.ds(s * 640 + q * ZR, ZR)])
            return carry

        lax.fori_loop(0, 640 // ZR, zc, 0)

    @pl.when(s == NS - 1)
    def _():
        def zc(q, carry):
            pltpu.sync_copy(zrow, acc.at[pl.ds((NS - 1) * 640 + q * ZR, ZR)])
            return carry

        lax.fori_loop(0, (N - (NS - 1) * 640) // ZR, zc, 0)

    plsc.subcore_barrier()

    base = wid * EPW
    bufs = (
        (sidx0, didx0, rows0, semi0, semg0),
        (sidx1, didx1, rows1, semi1, semg1),
    )

    def idx_start(t, buf):
        si, di, _, smi, _ = buf
        pltpu.async_copy(src_hbm.at[pl.ds(base + t * K, K)], si, smi)
        pltpu.async_copy(dst_hbm.at[pl.ds(base + t * K, K)], di, smi)

    def idx_wait(t, buf):
        si, di, _, smi, _ = buf
        pltpu.make_async_copy(src_hbm.at[pl.ds(base + t * K, K)], si, smi).wait()
        pltpu.make_async_copy(dst_hbm.at[pl.ds(base + t * K, K)], di, smi).wait()

    def gather_start(buf):
        si, _, ri, _, smg = buf
        pltpu.async_copy(y_hbm.at[si], ri, smg)

    def gather_wait(buf):
        si, _, ri, _, smg = buf
        pltpu.make_async_copy(y_hbm.at[si], ri, smg).wait()

    def scatter(buf):
        _, di, ri, _, _ = buf
        pltpu.sync_copy(ri, acc.at[di], add=True)

    mbase = base + NFULL * K

    def mini_idx_start():
        pltpu.async_copy(src_hbm.at[pl.ds(mbase, KM)], sidxm, semim)
        pltpu.async_copy(dst_hbm.at[pl.ds(mbase, KM)], didxm, semim)

    def mini_idx_wait():
        pltpu.make_async_copy(src_hbm.at[pl.ds(mbase, KM)], sidxm, semim).wait()
        pltpu.make_async_copy(dst_hbm.at[pl.ds(mbase, KM)], didxm, semim).wait()

    idx_start(0, bufs[0])
    idx_start(1, bufs[1])
    idx_wait(0, bufs[0])
    gather_start(bufs[0])

    def chunk_body(g, carry):
        for b in range(2):
            t = 2 * g + b
            cur = bufs[b]
            nxt = bufs[1 - b]
            idx_wait(t + 1, nxt)
            gather_start(nxt)
            gather_wait(cur)
            scatter(cur)

            @pl.when(t + 2 < NFULL)
            def _():
                idx_start(t + 2, cur)

        return carry

    lax.fori_loop(0, (NFULL - 2) // 2, chunk_body, 0)
    t0 = NFULL - 2
    mini_idx_start()
    idx_wait(t0 + 1, bufs[(t0 + 1) % 2])
    gather_start(bufs[(t0 + 1) % 2])
    gather_wait(bufs[t0 % 2])
    scatter(bufs[t0 % 2])
    mini_idx_wait()
    pltpu.async_copy(y_hbm.at[sidxm], rowsm, semgm)
    gather_wait(bufs[(t0 + 1) % 2])
    scatter(bufs[(t0 + 1) % 2])
    pltpu.make_async_copy(y_hbm.at[sidxm], rowsm, semgm).wait()
    pltpu.sync_copy(rowsm, acc.at[didxm], add=True)
    plsc.subcore_barrier()

    @pl.when(s < NS - 1)
    def _():
        pltpu.sync_copy(
            acc.at[pl.ds(s * 640, 640)], out_hbm.at[c, pl.ds(s * 640, 640)]
        )

    @pl.when(s == NS - 1)
    def _():
        pltpu.sync_copy(
            acc.at[pl.ds((NS - 1) * 640, N - (NS - 1) * 640)],
            out_hbm.at[c, pl.ds((NS - 1) * 640, N - (NS - 1) * 640)],
        )


def _edge_pass(y, src, dst):
    return pl.kernel(
        _edge_pass_body,
        out_type=jax.ShapeDtypeStruct((NC, N, D), jnp.float32),
        mesh=_sc_mesh(),
        compiler_params=pltpu.CompilerParams(needs_layout_passes=False),
        scratch_types=[
            pltpu.VMEM((K,), jnp.int32),
            pltpu.VMEM((K,), jnp.int32),
            pltpu.VMEM((K, D), jnp.float32),
            pltpu.SemaphoreType.DMA,
            pltpu.SemaphoreType.DMA,
            pltpu.VMEM((K,), jnp.int32),
            pltpu.VMEM((K,), jnp.int32),
            pltpu.VMEM((K, D), jnp.float32),
            pltpu.SemaphoreType.DMA,
            pltpu.SemaphoreType.DMA,
            pltpu.VMEM((KM,), jnp.int32),
            pltpu.VMEM((KM,), jnp.int32),
            pltpu.VMEM((KM, D), jnp.float32),
            pltpu.SemaphoreType.DMA,
            pltpu.SemaphoreType.DMA,
            pltpu.VMEM((ZR, D), jnp.float32),
            pltpu.VMEM_SHARED((N, D), jnp.float32),
        ],
    )(y, src, dst)


def _tc_mm_body(x_ref, w_ref, xw_ref):
    xw_ref[...] = jnp.dot(x_ref[...], w_ref[...],
                          preferred_element_type=jnp.float32)


def _tc_mm(x, w1):
    return pl.pallas_call(
        _tc_mm_body,
        grid=(GRID,),
        in_specs=[
            pl.BlockSpec((BLK, D), lambda i: (i, 0)),
            pl.BlockSpec((D, D), lambda i: (0, 0)),
        ],
        out_specs=pl.BlockSpec((BLK, D), lambda i: (i, 0)),
        out_shape=jax.ShapeDtypeStruct((N, D), jnp.float32),
    )(x, w1)


def _tc_scale_body(xw_ref, degp_ref, y_ref, dinv_ref):
    deg = 1.0 + jnp.sum(degp_ref[...], axis=1, keepdims=True)
    dinv = lax.rsqrt(jnp.maximum(deg, 1e-12))
    y_ref[...] = xw_ref[...] * dinv
    dinv_ref[...] = dinv


def _tc_scale(xw, degp_t):
    return pl.pallas_call(
        _tc_scale_body,
        grid=(GRID,),
        in_specs=[
            pl.BlockSpec((BLK, D), lambda i: (i, 0)),
            pl.BlockSpec((BLK, NW), lambda i: (i, 0)),
        ],
        out_specs=[
            pl.BlockSpec((BLK, D), lambda i: (i, 0)),
            pl.BlockSpec((BLK, 1), lambda i: (i, 0)),
        ],
        out_shape=[
            jax.ShapeDtypeStruct((N, D), jnp.float32),
            jax.ShapeDtypeStruct((N, 1), jnp.float32),
        ],
    )(xw, degp_t)


def _tc_mid_body(acc_ref, y1_ref, dinv_ref, b1_ref, w2_ref, y2_ref):
    a = acc_ref[0] + acc_ref[1] + y1_ref[...]
    dinv = dinv_ref[...]
    h = jnp.maximum(a * dinv + b1_ref[...], 0.0)
    y2_ref[...] = jnp.dot(h, w2_ref[...], preferred_element_type=jnp.float32) * dinv


def _tc_mid(acc, y1, dinv, b1_2d, w2):
    return pl.pallas_call(
        _tc_mid_body,
        grid=(GRID,),
        in_specs=[
            pl.BlockSpec((NC, BLK, D), lambda i: (0, i, 0)),
            pl.BlockSpec((BLK, D), lambda i: (i, 0)),
            pl.BlockSpec((BLK, 1), lambda i: (i, 0)),
            pl.BlockSpec((1, D), lambda i: (0, 0)),
            pl.BlockSpec((D, D), lambda i: (0, 0)),
        ],
        out_specs=pl.BlockSpec((BLK, D), lambda i: (i, 0)),
        out_shape=jax.ShapeDtypeStruct((N, D), jnp.float32),
    )(acc, y1, dinv, b1_2d, w2)


def _tc_pool_body(acc_ref, y2_ref, dinv_ref, b2_ref, batch_ref, out_ref, cnt_ref):
    i = pl.program_id(0)
    a = acc_ref[0] + acc_ref[1] + y2_ref[...]
    h = a * dinv_ref[...] + b2_ref[...]
    bt = batch_ref[0]
    oh_t = jnp.where(
        lax.broadcasted_iota(jnp.int32, (G, BLK), 0) == bt, 1.0, 0.0
    )
    sums = jnp.dot(oh_t, h, preferred_element_type=jnp.float32)
    cnts = jnp.dot(oh_t, jnp.ones((BLK, D), jnp.float32),
                   preferred_element_type=jnp.float32)

    @pl.when(i == 0)
    def _():
        out_ref[...] = jnp.zeros((G, D), jnp.float32)
        cnt_ref[...] = jnp.zeros((G, D), jnp.float32)

    out_ref[...] += sums
    cnt_ref[...] += cnts

    @pl.when(i == GRID - 1)
    def _():
        out_ref[...] = out_ref[...] / jnp.maximum(cnt_ref[...], 1.0)


def _tc_pool(acc, y2, dinv, b2_2d, batch_2d):
    return pl.pallas_call(
        _tc_pool_body,
        grid=(GRID,),
        in_specs=[
            pl.BlockSpec((NC, BLK, D), lambda i: (0, i, 0)),
            pl.BlockSpec((BLK, D), lambda i: (i, 0)),
            pl.BlockSpec((BLK, 1), lambda i: (i, 0)),
            pl.BlockSpec((1, D), lambda i: (0, 0)),
            pl.BlockSpec((1, 1, BLK), lambda i: (i, 0, 0)),
        ],
        out_specs=pl.BlockSpec((G, D), lambda i: (0, 0)),
        out_shape=jax.ShapeDtypeStruct((G, D), jnp.float32),
        scratch_shapes=[pltpu.VMEM((G, D), jnp.float32)],
    )(acc, y2, dinv, b2_2d, batch_2d)


def kernel(x, edge_index, batch, W1, b1, W2, b2):
    src = edge_index[0]
    dst = edge_index[1]

    degp = _deg_partials(dst)
    xw = _tc_mm(x, W1)
    degp_t = degp.reshape(NW, N).T

    y1, dinv = _tc_scale(xw, degp_t)
    acc1 = _edge_pass(y1, src, dst)
    y2 = _tc_mid(acc1, y1, dinv, b1.reshape(1, D), W2)
    acc2 = _edge_pass(y2, src, dst)
    return _tc_pool(acc2, y2, dinv, b2.reshape(1, D), batch.reshape(GRID, 1, BLK))

# --- scband reference (transcript-rebuilt; emitter-appended) ---
"""Pipeline reference for scband-gcn-309237645608 (READ-ONLY COPY).

The authoritative reference and input builder live on the scoring server;
editing this copy changes nothing except your own understanding.
"""

import jax, jax.numpy as jnp
import numpy as np

N = 10000
E = 320000
D_IN = 128
D_HID = 128
D_OUT = 128
NUM_GRAPHS = 64


def gcn_conv(x, edge_index, W, b, num_nodes):
    # linear transform first (PyG GCNConv default)
    x = x @ W
    src = edge_index[0]
    dst = edge_index[1]
    # add self loops
    loop = jnp.arange(num_nodes, dtype=src.dtype)
    src = jnp.concatenate([src, loop])
    dst = jnp.concatenate([dst, loop])
    # symmetric normalization D^{-1/2} (A+I) D^{-1/2}
    deg = jnp.zeros((num_nodes,), dtype=x.dtype).at[dst].add(1.0)
    dinv = jnp.where(deg > 0, jax.lax.rsqrt(jnp.maximum(deg, 1e-12)), 0.0)
    norm = dinv[src] * dinv[dst]
    msg = x[src] * norm[:, None]
    out = jnp.zeros((num_nodes, x.shape[1]), dtype=x.dtype).at[dst].add(msg)
    return out + b


def global_mean_pool(x, batch, num_graphs):
    s = jax.ops.segment_sum(x, batch, num_segments=num_graphs)
    cnt = jax.ops.segment_sum(jnp.ones((x.shape[0],), dtype=x.dtype), batch, num_segments=num_graphs)
    return s / jnp.maximum(cnt, 1.0)[:, None]


def setup_inputs(seed: int = 0):
    key = jax.random.key(seed)
    ks = jax.random.split(key, 8)
    x = jax.random.normal(ks[0], (N, D_IN), dtype=jnp.float32)
    edge_index = jax.random.randint(ks[1], (2, E), 0, N, dtype=jnp.int32)
    batch = jnp.sort(jax.random.randint(ks[2], (N,), 0, NUM_GRAPHS, dtype=jnp.int32))
    W1 = jax.random.normal(ks[3], (D_IN, D_HID), dtype=jnp.float32) * (1.0 / np.sqrt(D_IN))
    b1 = jnp.zeros((D_HID,), dtype=jnp.float32)
    W2 = jax.random.normal(ks[4], (D_HID, D_OUT), dtype=jnp.float32) * (1.0 / np.sqrt(D_HID))
    b2 = jnp.zeros((D_OUT,), dtype=jnp.float32)
    return {"x": x, "edge_index": edge_index, "batch": batch, "W1": W1, "b1": b1, "W2": W2, "b2": b2}


def reference(x, edge_index, batch, W1, b1, W2, b2):
    h = gcn_conv(x, edge_index, W1, b1, N)
    h = jax.nn.relu(h)
    h = gcn_conv(h, edge_index, W2, b2, N)
    return global_mean_pool(h, batch, NUM_GRAPHS)

if __name__ == "__main__":
    import jax
    _d = setup_inputs()
    print(jax.jit(kernel)(*tuple(_d.values())))

</pallas_src>

<mosaic_0001>
#map = affine_map<(d0, d1) -> (0, 0)>
#map1 = affine_map<(d0, d1) -> (0)>
#map2 = affine_map<(d0, d1) -> (0, 0, 0)>
module attributes {stable_mosaic.version = 14 : i64} {
  func.func @_edge_pass_body(%arg0: i32, %arg1: i32, %arg2: memref<10000x128xf32, #tpu.memory_space<hbm>>, %arg3: memref<320000xi32, #tpu.memory_space<hbm>>, %arg4: memref<320000xi32, #tpu.memory_space<hbm>>, %arg5: memref<2x10000x128xf32, #tpu.memory_space<hbm>>, %arg6: memref<128xi32, #tpu.memory_space<vmem>>, %arg7: memref<128xi32, #tpu.memory_space<vmem>>, %arg8: memref<128x128xf32, #tpu.memory_space<vmem>>, %arg9: memref<!tpu.dma_semaphore, #tpu.memory_space<semaphore_mem>>, %arg10: memref<!tpu.dma_semaphore, #tpu.memory_space<semaphore_mem>>, %arg11: memref<128xi32, #tpu.memory_space<vmem>>, %arg12: memref<128xi32, #tpu.memory_space<vmem>>, %arg13: memref<128x128xf32, #tpu.memory_space<vmem>>, %arg14: memref<!tpu.dma_semaphore, #tpu.memory_space<semaphore_mem>>, %arg15: memref<!tpu.dma_semaphore, #tpu.memory_space<semaphore_mem>>, %arg16: memref<16xi32, #tpu.memory_space<vmem>>, %arg17: memref<16xi32, #tpu.memory_space<vmem>>, %arg18: memref<16x128xf32, #tpu.memory_space<vmem>>, %arg19: memref<!tpu.dma_semaphore, #tpu.memory_space<semaphore_mem>>, %arg20: memref<!tpu.dma_semaphore, #tpu.memory_space<semaphore_mem>>, %arg21: memref<40x128xf32, #tpu.memory_space<vmem>>, %arg22: memref<10000x128xf32, #tpu.memory_space<vmem_shared>>) attributes {dimension_semantics = [#tpu.dimension_semantics<core_parallel>, #tpu.dimension_semantics<subcore_parallel>], iteration_bounds = array<i64: 2, 16>, scalar_prefetch = 0 : i64, scratch_operands = 17 : i64, tpu.core_type = #tpu.core_type<sc_vector_subcore>, window_params = [{transform_indices = #map}, {transform_indices = #map1}, {transform_indices = #map1}, {transform_indices = #map2}]} {
    %mul3A = arith.constant 2 : i32
    %mul3A_0 = arith.muli %arg1, %mul3A : i32
    %add3A = arith.addi %mul3A_0, %arg0 : i32
    %scan3A = arith.constant 0 : i32
    %scan3A_1 = arith.constant 0 : i32
    %scan3A_2 = arith.constant 40 : i32
    %scan3A_3 = arith.addi %scan3A_1, %scan3A_2 : i32
    %scan3A_4 = arith.constant 1 : i32
    scf.for %scan3A_89 = %scan3A_1 to %scan3A_3 step %scan3A_4  : i32 {
      %broadcast_in_dim3A = arith.constant 0.000000e+00 : f32
      %broadcast_in_dim3A_90 = vector.broadcast %broadcast_in_dim3A : f32 to vector<16xf32>
      %swap3A = arith.index_cast %scan3A_89 : i32 to index
      %swap3A_91 = arith.constant 0 : index
      %swap3A_92 = tpu.vector_load %arg21[%swap3A, %swap3A_91] {strides = array<i32>} : memref<40x128xf32, #tpu.memory_space<vmem>>, vector<16xf32>,
      tpu.vector_store %arg21[%swap3A, %swap3A_91], %broadcast_in_dim3A_90 {strides = array<i32>} : memref<40x128xf32, #tpu.memory_space<vmem>>, vector<16xf32>,
      %broadcast_in_dim3A_93 = arith.constant 0.000000e+00 : f32
      %broadcast_in_dim3A_94 = vector.broadcast %broadcast_in_dim3A_93 : f32 to vector<16xf32>
      %swap3A_95 = arith.index_cast %scan3A_89 : i32 to index
      %swap3A_96 = arith.constant 16 : index
      %swap3A_97 = tpu.vector_load %arg21[%swap3A_95, %swap3A_96] {strides = array<i32>} : memref<40x128xf32, #tpu.memory_space<vmem>>, vector<16xf32>,
      tpu.vector_store %arg21[%swap3A_95, %swap3A_96], %broadcast_in_dim3A_94 {strides = array<i32>} : memref<40x128xf32, #tpu.memory_space<vmem>>, vector<16xf32>,
      %broadcast_in_dim3A_98 = arith.constant 0.000000e+00 : f32
      %broadcast_in_dim3A_99 = vector.broadcast %broadcast_in_dim3A_98 : f32 to vector<16xf32>
      %swap3A_100 = arith.index_cast %scan3A_89 : i32 to index
      %swap3A_101 = arith.constant 32 : index
      %swap3A_102 = tpu.vector_load %arg21[%swap3A_100, %swap3A_101] {strides = array<i32>} : memref<40x128xf32, #tpu.memory_space<vmem>>, vector<16xf32>,
      tpu.vector_store %arg21[%swap3A_100, %swap3A_101], %broadcast_in_dim3A_99 {strides = array<i32>} : memref<40x128xf32, #tpu.memory_space<vmem>>, vector<16xf32>,
      %broadcast_in_dim3A_103 = arith.constant 0.000000e+00 : f32
      %broadcast_in_dim3A_104 = vector.broadcast %broadcast_in_dim3A_103 : f32 to vector<16xf32>
      %swap3A_105 = arith.index_cast %scan3A_89 : i32 to index
      %swap3A_106 = arith.constant 48 : index
      %swap3A_107 = tpu.vector_load %arg21[%swap3A_105, %swap3A_106] {strides = array<i32>} : memref<40x128xf32, #tpu.memory_space<vmem>>, vector<16xf32>,
      tpu.vector_store %arg21[%swap3A_105, %swap3A_106], %broadcast_in_dim3A_104 {strides = array<i32>} : memref<40x128xf32, #tpu.memory_space<vmem>>, vector<16xf32>,
      %broadcast_in_dim3A_108 = arith.constant 0.000000e+00 : f32
      %broadcast_in_dim3A_109 = vector.broadcast %broadcast_in_dim3A_108 : f32 to vector<16xf32>
      %swap3A_110 = arith.index_cast %scan3A_89 : i32 to index
      %swap3A_111 = arith.constant 64 : index
      %swap3A_112 = tpu.vector_load %arg21[%swap3A_110, %swap3A_111] {strides = array<i32>} : memref<40x128xf32, #tpu.memory_space<vmem>>, vector<16xf32>,
      tpu.vector_store %arg21[%swap3A_110, %swap3A_111], %broadcast_in_dim3A_109 {strides = array<i32>} : memref<40x128xf32, #tpu.memory_space<vmem>>, vector<16xf32>,
      %broadcast_in_dim3A_113 = arith.constant 0.000000e+00 : f32
      %broadcast_in_dim3A_114 = vector.broadcast %broadcast_in_dim3A_113 : f32 to vector<16xf32>
      %swap3A_115 = arith.index_cast %scan3A_89 : i32 to index
      %swap3A_116 = arith.constant 80 : index
      %swap3A_117 = tpu.vector_load %arg21[%swap3A_115, %swap3A_116] {strides = array<i32>} : memref<40x128xf32, #tpu.memory_space<vmem>>, vector<16xf32>,
      tpu.vector_store %arg21[%swap3A_115, %swap3A_116], %broadcast_in_dim3A_114 {strides = array<i32>} : memref<40x128xf32, #tpu.memory_space<vmem>>, vector<16xf32>,
      %broadcast_in_dim3A_118 = arith.constant 0.000000e+00 : f32
      %broadcast_in_dim3A_119 = vector.broadcast %broadcast_in_dim3A_118 : f32 to vector<16xf32>
      %swap3A_120 = arith.index_cast %scan3A_89 : i32 to index
      %swap3A_121 = arith.constant 96 : index
      %swap3A_122 = tpu.vector_load %arg21[%swap3A_120, %swap3A_121] {strides = array<i32>} : memref<40x128xf32, #tpu.memory_space<vmem>>, vector<16xf32>,
      tpu.vector_store %arg21[%swap3A_120, %swap3A_121], %broadcast_in_dim3A_119 {strides = array<i32>} : memref<40x128xf32, #tpu.memory_space<vmem>>, vector<16xf32>,
      %broadcast_in_dim3A_123 = arith.constant 0.000000e+00 : f32
      %broadcast_in_dim3A_124 = vector.broadcast %broadcast_in_dim3A_123 : f32 to vector<16xf32>
      %swap3A_125 = arith.index_cast %scan3A_89 : i32 to index
      %swap3A_126 = arith.constant 112 : index
      %swap3A_127 = tpu.vector_load %arg21[%swap3A_125, %swap3A_126] {strides = array<i32>} : memref<40x128xf32, #tpu.memory_space<vmem>>, vector<16xf32>,
      tpu.vector_store %arg21[%swap3A_125, %swap3A_126], %broadcast_in_dim3A_124 {strides = array<i32>} : memref<40x128xf32, #tpu.memory_space<vmem>>, vector<16xf32>,
    }
    %scan3A_5 = arith.constant 40 : i32
    %lt3A = arith.constant 15 : i32
    %lt3A_6 = arith.cmpi slt, %arg1, %lt3A : i32
    %convert_element_type3A = arith.extui %lt3A_6 : i1 to i32
    %cond3A = arith.constant 0 : i32
    %cond3A_7 = arith.cmpi ne, %convert_element_type3A, %cond3A : i32
    scf.if %cond3A_7 {
      %scan3A_89 = arith.constant 0 : i32
      %scan3A_90 = arith.constant 0 : i32
      %scan3A_91 = arith.constant 16 : i32
      %scan3A_92 = arith.addi %scan3A_90, %scan3A_91 : i32
      %scan3A_93 = arith.constant 1 : i32
      scf.for %scan3A_95 = %scan3A_90 to %scan3A_92 step %scan3A_93  : i32 {
        %mul3A_96 = arith.constant 640 : i32
        %mul3A_97 = arith.muli %arg1, %mul3A_96 : i32
        %mul3A_98 = arith.constant 40 : i32
        %mul3A_99 = arith.muli %scan3A_95, %mul3A_98 : i32
        %add3A_100 = arith.addi %mul3A_97, %mul3A_99 : i32
        "tpu.region"() ({
          %run_scoped3A = tpu.sem_alloc : memref<!tpu.dma_semaphore, #tpu.memory_space<semaphore_mem>>
          %dma_start3A_101 = arith.constant 0 : i32
          %dma_start3A_102 = tpu.memref_slice %arg22[%add3A_100, %dma_start3A_101] : memref<10000x128xf32, #tpu.memory_space<vmem_shared>> -> memref<40x128xf32, #tpu.memory_space<vmem_shared>>
          %dma_start3A_103 = arith.constant 0 : i32
          %dma_start3A_104 = tpu.memref_slice %arg22[%add3A_100, %dma_start3A_103] : memref<10000x128xf32, #tpu.memory_space<vmem_shared>> -> memref<40x128xf32, #tpu.memory_space<vmem_shared>>
          tpu.enqueue_dma source(%arg21 : memref<40x128xf32, #tpu.memory_space<vmem>>) target(%dma_start3A_104 : memref<40x128xf32, #tpu.memory_space<vmem_shared>>) target_semaphore(%run_scoped3A : memref<!tpu.dma_semaphore, #tpu.memory_space<semaphore_mem>>)
          %dma_wait3A_105 = arith.constant 0 : i32
          %dma_wait3A_106 = tpu.memref_slice %arg22[%add3A_100, %dma_wait3A_105] : memref<10000x128xf32, #tpu.memory_space<vmem_shared>> -> memref<40x128xf32, #tpu.memory_space<vmem_shared>>
          %dma_wait3A_107 = arith.constant 0 : i32
          %dma_wait3A_108 = tpu.memref_slice %arg22[%add3A_100, %dma_wait3A_107] : memref<10000x128xf32, #tpu.memory_space<vmem_shared>> -> memref<40x128xf32, #tpu.memory_space<vmem_shared>>
          tpu.wait_dma2 semaphore(%run_scoped3A : memref<!tpu.dma_semaphore, #tpu.memory_space<semaphore_mem>>) src(%arg21 : memref<40x128xf32, #tpu.memory_space<vmem>>) dst(%dma_wait3A_108 : memref<40x128xf32, #tpu.memory_space<vmem_shared>>)
          tpu.yield
        }) : () -> ()
      }
      %scan3A_94 = arith.constant 16 : i32
    } else {
    }
    %eq3A = arith.constant 15 : i32
    %eq3A_8 = arith.cmpi eq, %arg1, %eq3A : i32
    %convert_element_type3A_9 = arith.extui %eq3A_8 : i1 to i32
    %cond3A_10 = arith.constant 0 : i32
    %cond3A_11 = arith.cmpi ne, %convert_element_type3A_9, %cond3A_10 : i32
    scf.if %cond3A_11 {
      %scan3A_89 = arith.constant 0 : i32
      %scan3A_90 = arith.constant 0 : i32
      %scan3A_91 = arith.constant 10 : i32
      %scan3A_92 = arith.addi %scan3A_90, %scan3A_91 : i32
      %scan3A_93 = arith.constant 1 : i32
      scf.for %scan3A_95 = %scan3A_90 to %scan3A_92 step %scan3A_93  : i32 {
        %mul3A_96 = arith.constant 40 : i32
        %mul3A_97 = arith.muli %scan3A_95, %mul3A_96 : i32
        %add3A_98 = arith.constant 9600 : i32
        %add3A_99 = arith.addi %add3A_98, %mul3A_97 : i32
        "tpu.region"() ({
          %run_scoped3A = tpu.sem_alloc : memref<!tpu.dma_semaphore, #tpu.memory_space<semaphore_mem>>
          %dma_start3A_100 = arith.constant 0 : i32
          %dma_start3A_101 = tpu.memref_slice %arg22[%add3A_99, %dma_start3A_100] : memref<10000x128xf32, #tpu.memory_space<vmem_shared>> -> memref<40x128xf32, #tpu.memory_space<vmem_shared>>
          %dma_start3A_102 = arith.constant 0 : i32
          %dma_start3A_103 = tpu.memref_slice %arg22[%add3A_99, %dma_start3A_102] : memref<10000x128xf32, #tpu.memory_space<vmem_shared>> -> memref<40x128xf32, #tpu.memory_space<vmem_shared>>
          tpu.enqueue_dma source(%arg21 : memref<40x128xf32, #tpu.memory_space<vmem>>) target(%dma_start3A_103 : memref<40x128xf32, #tpu.memory_space<vmem_shared>>) target_semaphore(%run_scoped3A : memref<!tpu.dma_semaphore, #tpu.memory_space<semaphore_mem>>)
          %dma_wait3A_104 = arith.constant 0 : i32
          %dma_wait3A_105 = tpu.memref_slice %arg22[%add3A_99, %dma_wait3A_104] : memref<10000x128xf32, #tpu.memory_space<vmem_shared>> -> memref<40x128xf32, #tpu.memory_space<vmem_shared>>
          %dma_wait3A_106 = arith.constant 0 : i32
          %dma_wait3A_107 = tpu.memref_slice %arg22[%add3A_99, %dma_wait3A_106] : memref<10000x128xf32, #tpu.memory_space<vmem_shared>> -> memref<40x128xf32, #tpu.memory_space<vmem_shared>>
          tpu.wait_dma2 semaphore(%run_scoped3A : memref<!tpu.dma_semaphore, #tpu.memory_space<semaphore_mem>>) src(%arg21 : memref<40x128xf32, #tpu.memory_space<vmem>>) dst(%dma_wait3A_107 : memref<40x128xf32, #tpu.memory_space<vmem_shared>>)
          tpu.yield
        }) : () -> ()
      }
      %scan3A_94 = arith.constant 10 : i32
    } else {
    }
    %barrier3A = arith.constant 0 : index
    tpu.barrier barrier_id(%barrier3A)
    %mul3A_12 = arith.constant 10000 : i32
    %mul3A_13 = arith.muli %add3A, %mul3A_12 : i32
    %add3A_14 = arith.constant 9984 : i32
    %add3A_15 = arith.addi %mul3A_13, %add3A_14 : i32
    %add3A_16 = arith.constant 0 : i32
    %add3A_17 = arith.addi %mul3A_13, %add3A_16 : i32
    %dma_start3A = tpu.memref_slice %arg3[%add3A_17] : memref<320000xi32, #tpu.memory_space<hbm>> -> memref<128xi32, #tpu.memory_space<hbm>>
    %dma_start3A_18 = tpu.memref_slice %arg3[%add3A_17] : memref<320000xi32, #tpu.memory_space<hbm>> -> memref<128xi32, #tpu.memory_space<hbm>>
    tpu.enqueue_dma source(%dma_start3A_18 : memref<128xi32, #tpu.memory_space<hbm>>) target(%arg6 : memref<128xi32, #tpu.memory_space<vmem>>) target_semaphore(%arg9 : memref<!tpu.dma_semaphore, #tpu.memory_space<semaphore_mem>>)
    %add3A_19 = arith.constant 0 : i32
    %add3A_20 = arith.addi %mul3A_13, %add3A_19 : i32
    %dma_start3A_21 = tpu.memref_slice %arg4[%add3A_20] : memref<320000xi32, #tpu.memory_space<hbm>> -> memref<128xi32, #tpu.memory_space<hbm>>
    %dma_start3A_22 = tpu.memref_slice %arg4[%add3A_20] : memref<320000xi32, #tpu.memory_space<hbm>> -> memref<128xi32, #tpu.memory_space<hbm>>
    tpu.enqueue_dma source(%dma_start3A_22 : memref<128xi32, #tpu.memory_space<hbm>>) target(%arg7 : memref<128xi32, #tpu.memory_space<vmem>>) target_semaphore(%arg9 : memref<!tpu.dma_semaphore, #tpu.memory_space<semaphore_mem>>)
    %add3A_23 = arith.constant 128 : i32
    %add3A_24 = arith.addi %mul3A_13, %add3A_23 : i32
    %dma_start3A_25 = tpu.memref_slice %arg3[%add3A_24] : memref<320000xi32, #tpu.memory_space<hbm>> -> memref<128xi32, #tpu.memory_space<hbm>>
    %dma_start3A_26 = tpu.memref_slice %arg3[%add3A_24] : memref<320000xi32, #tpu.memory_space<hbm>> -> memref<128xi32, #tpu.memory_space<hbm>>
    tpu.enqueue_dma source(%dma_start3A_26 : memref<128xi32, #tpu.memory_space<hbm>>) target(%arg11 : memref<128xi32, #tpu.memory_space<vmem>>) target_semaphore(%arg14 : memref<!tpu.dma_semaphore, #tpu.memory_space<semaphore_mem>>)
    %add3A_27 = arith.constant 128 : i32
    %add3A_28 = arith.addi %mul3A_13, %add3A_27 : i32
    %dma_start3A_29 = tpu.memref_slice %arg4[%add3A_28] : memref<320000xi32, #tpu.memory_space<hbm>> -> memref<128xi32, #tpu.memory_space<hbm>>
    %dma_start3A_30 = tpu.memref_slice %arg4[%add3A_28] : memref<320000xi32, #tpu.memory_space<hbm>> -> memref<128xi32, #tpu.memory_space<hbm>>
    tpu.enqueue_dma source(%dma_start3A_30 : memref<128xi32, #tpu.memory_space<hbm>>) target(%arg12 : memref<128xi32, #tpu.memory_space<vmem>>) target_semaphore(%arg14 : memref<!tpu.dma_semaphore, #tpu.memory_space<semaphore_mem>>)
    %add3A_31 = arith.constant 0 : i32
    %add3A_32 = arith.addi %mul3A_13, %add3A_31 : i32
    %dma_wait3A = tpu.memref_slice %arg3[%add3A_32] : memref<320000xi32, #tpu.memory_space<hbm>> -> memref<128xi32, #tpu.memory_space<hbm>>
    %dma_wait3A_33 = tpu.memref_slice %arg3[%add3A_32] : memref<320000xi32, #tpu.memory_space<hbm>> -> memref<128xi32, #tpu.memory_space<hbm>>
    tpu.wait_dma2 semaphore(%arg9 : memref<!tpu.dma_semaphore, #tpu.memory_space<semaphore_mem>>) src(%dma_wait3A_33 : memref<128xi32, #tpu.memory_space<hbm>>) dst(%arg6 : memref<128xi32, #tpu.memory_space<vmem>>)
    %add3A_34 = arith.constant 0 : i32
    %add3A_35 = arith.addi %mul3A_13, %add3A_34 : i32
    %dma_wait3A_36 = tpu.memref_slice %arg4[%add3A_35] : memref<320000xi32, #tpu.memory_space<hbm>> -> memref<128xi32, #tpu.memory_space<hbm>>
    %dma_wait3A_37 = tpu.memref_slice %arg4[%add3A_35] : memref<320000xi32, #tpu.memory_space<hbm>> -> memref<128xi32, #tpu.memory_space<hbm>>
    tpu.wait_dma2 semaphore(%arg9 : memref<!tpu.dma_semaphore, #tpu.memory_space<semaphore_mem>>) src(%dma_wait3A_37 : memref<128xi32, #tpu.memory_space<hbm>>) dst(%arg7 : memref<128xi32, #tpu.memory_space<vmem>>)
    %dma_start3A_38 = arith.constant 0 : i32
    %dma_start3A_39 = arith.constant 0 : i32
    %dma_start3A_40 = tpu.memref_slice %arg2[%dma_start3A_38, %dma_start3A_39] : memref<10000x128xf32, #tpu.memory_space<hbm>> -> memref<10000x128xf32, #tpu.memory_space<hbm>>
    tpu.enqueue_indirect_dma source(%dma_start3A_40 : memref<10000x128xf32, #tpu.memory_space<hbm>>) target(%arg8 : memref<128x128xf32, #tpu.memory_space<vmem>>) offsets(%arg6 : memref<128xi32, #tpu.memory_space<vmem>>) semaphore(%arg10 : memref<!tpu.dma_semaphore, #tpu.memory_space<semaphore_mem>>)
    %scan3A_41 = arith.constant 0 : i32
    %scan3A_42 = arith.constant 0 : i32
    %scan3A_43 = arith.constant 38 : i32
    %scan3A_44 = arith.addi %scan3A_42, %scan3A_43 : i32
    %scan3A_45 = arith.constant 1 : i32
    scf.for %scan3A_89 = %scan3A_42 to %scan3A_44 step %scan3A_45  : i32 {
      %mul3A_90 = arith.constant 2 : i32
      %mul3A_91 = arith.muli %mul3A_90, %scan3A_89 : i32
      %add3A_92 = arith.constant 0 : i32
      %add3A_93 = arith.addi %mul3A_91, %add3A_92 : i32
      %add3A_94 = arith.constant 1 : i32
      %add3A_95 = arith.addi %add3A_93, %add3A_94 : i32
      %mul3A_96 = arith.constant 128 : i32
      %mul3A_97 = arith.muli %add3A_95, %mul3A_96 : i32
      %add3A_98 = arith.addi %mul3A_13, %mul3A_97 : i32
      %dma_wait3A_99 = tpu.memref_slice %arg3[%add3A_98] : memref<320000xi32, #tpu.memory_space<hbm>> -> memref<128xi32, #tpu.memory_space<hbm>>
      %dma_wait3A_100 = tpu.memref_slice %arg3[%add3A_98] : memref<320000xi32, #tpu.memory_space<hbm>> -> memref<128xi32, #tpu.memory_space<hbm>>
      tpu.wait_dma2 semaphore(%arg14 : memref<!tpu.dma_semaphore, #tpu.memory_space<semaphore_mem>>) src(%dma_wait3A_100 : memref<128xi32, #tpu.memory_space<hbm>>) dst(%arg11 : memref<128xi32, #tpu.memory_space<vmem>>)
      %mul3A_101 = arith.constant 128 : i32
      %mul3A_102 = arith.muli %add3A_95, %mul3A_101 : i32
      %add3A_103 = arith.addi %mul3A_13, %mul3A_102 : i32
      %dma_wait3A_104 = tpu.memref_slice %arg4[%add3A_103] : memref<320000xi32, #tpu.memory_space<hbm>> -> memref<128xi32, #tpu.memory_space<hbm>>
      %dma_wait3A_105 = tpu.memref_slice %arg4[%add3A_103] : memref<320000xi32, #tpu.memory_space<hbm>> -> memref<128xi32, #tpu.memory_space<hbm>>
      tpu.wait_dma2 semaphore(%arg14 : memref<!tpu.dma_semaphore, #tpu.memory_space<semaphore_mem>>) src(%dma_wait3A_105 : memref<128xi32, #tpu.memory_space<hbm>>) dst(%arg12 : memref<128xi32, #tpu.memory_space<vmem>>)
      %dma_start3A_106 = arith.constant 0 : i32
      %dma_start3A_107 = arith.constant 0 : i32
      %dma_start3A_108 = tpu.memref_slice %arg2[%dma_start3A_106, %dma_start3A_107] : memref<10000x128xf32, #tpu.memory_space<hbm>> -> memref<10000x128xf32, #tpu.memory_space<hbm>>
      tpu.enqueue_indirect_dma source(%dma_start3A_108 : memref<10000x128xf32, #tpu.memory_space<hbm>>) target(%arg13 : memref<128x128xf32, #tpu.memory_space<vmem>>) offsets(%arg11 : memref<128xi32, #tpu.memory_space<vmem>>) semaphore(%arg15 : memref<!tpu.dma_semaphore, #tpu.memory_space<semaphore_mem>>)
      %dma_wait3A_109 = arith.constant 0 : i32
      %dma_wait3A_110 = arith.constant 0 : i32
      %dma_wait3A_111 = tpu.memref_slice %arg2[%dma_wait3A_109, %dma_wait3A_110] : memref<10000x128xf32, #tpu.memory_space<hbm>> -> memref<10000x128xf32, #tpu.memory_space<hbm>>
      tpu.wait_indirect_dma semaphore(%arg10 : memref<!tpu.dma_semaphore, #tpu.memory_space<semaphore_mem>>) src(%dma_wait3A_111 : memref<10000x128xf32, #tpu.memory_space<hbm>>) dst(%arg8 : memref<128x128xf32, #tpu.memory_space<vmem>>)
      "tpu.region"() ({
        %run_scoped3A = tpu.sem_alloc : memref<!tpu.dma_semaphore, #tpu.memory_space<semaphore_mem>>
        %dma_start3A_148 = arith.constant 0 : i32
        %dma_start3A_149 = arith.constant 0 : i32
        %dma_start3A_150 = tpu.memref_slice %arg22[%dma_start3A_148, %dma_start3A_149] : memref<10000x128xf32, #tpu.memory_space<vmem_shared>> -> memref<10000x128xf32, #tpu.memory_space<vmem_shared>>
        tpu.enqueue_indirect_dma source(%arg8 : memref<128x128xf32, #tpu.memory_space<vmem>>) target(%dma_start3A_150 : memref<10000x128xf32, #tpu.memory_space<vmem_shared>>) offsets(%arg7 : memref<128xi32, #tpu.memory_space<vmem>>) semaphore(%run_scoped3A : memref<!tpu.dma_semaphore, #tpu.memory_space<semaphore_mem>>) {add = true}
        %dma_wait3A_151 = arith.constant 0 : i32
        %dma_wait3A_152 = arith.constant 0 : i32
        %dma_wait3A_153 = tpu.memref_slice %arg22[%dma_wait3A_151, %dma_wait3A_152] : memref<10000x128xf32, #tpu.memory_space<vmem_shared>> -> memref<10000x128xf32, #tpu.memory_space<vmem_shared>>
        tpu.wait_indirect_dma semaphore(%run_scoped3A : memref<!tpu.dma_semaphore, #tpu.memory_space<semaphore_mem>>) src(%arg8 : memref<128x128xf32, #tpu.memory_space<vmem>>) dst(%dma_wait3A_153 : memref<10000x128xf32, #tpu.memory_space<vmem_shared>>)
        tpu.yield
      }) : () -> ()
      %add3A_112 = arith.constant 2 : i32
      %add3A_113 = arith.addi %add3A_93, %add3A_112 : i32
      %lt3A_114 = arith.constant 78 : i32
      %lt3A_115 = arith.cmpi slt, %add3A_113, %lt3A_114 : i32
      %convert_element_type3A_116 = arith.extui %lt3A_115 : i1 to i32
      %cond3A_117 = arith.constant 0 : i32
      %cond3A_118 = arith.cmpi ne, %convert_element_type3A_116, %cond3A_117 : i32
      scf.if %cond3A_118 {
        %add3A_148 = arith.constant 2 : i32
        %add3A_149 = arith.addi %add3A_93, %add3A_148 : i32
        %mul3A_150 = arith.constant 128 : i32
        %mul3A_151 = arith.muli %add3A_149, %mul3A_150 : i32
        %add3A_152 = arith.addi %mul3A_13, %mul3A_151 : i32
        %dma_start3A_153 = tpu.memref_slice %arg3[%add3A_152] : memref<320000xi32, #tpu.memory_space<hbm>> -> memref<128xi32, #tpu.memory_space<hbm>>
        %dma_start3A_154 = tpu.memref_slice %arg3[%add3A_152] : memref<320000xi32, #tpu.memory_space<hbm>> -> memref<128xi32, #tpu.memory_space<hbm>>
        tpu.enqueue_dma source(%dma_start3A_154 : memref<128xi32, #tpu.memory_space<hbm>>) target(%arg6 : memref<128xi32, #tpu.memory_space<vmem>>) target_semaphore(%arg9 : memref<!tpu.dma_semaphore, #tpu.memory_space<semaphore_mem>>)
        %mul3A_155 = arith.constant 128 : i32
        %mul3A_156 = arith.muli %add3A_149, %mul3A_155 : i32
        %add3A_157 = arith.addi %mul3A_13, %mul3A_156 : i32
        %dma_start3A_158 = tpu.memref_slice %arg4[%add3A_157] : memref<320000xi32, #tpu.memory_space<hbm>> -> memref<128xi32, #tpu.memory_space<hbm>>
        %dma_start3A_159 = tpu.memref_slice %arg4[%add3A_157] : memref<320000xi32, #tpu.memory_space<hbm>> -> memref<128xi32, #tpu.memory_space<hbm>>
        tpu.enqueue_dma source(%dma_start3A_159 : memref<128xi32, #tpu.memory_space<hbm>>) target(%arg7 : memref<128xi32, #tpu.memory_space<vmem>>) target_semaphore(%arg9 : memref<!tpu.dma_semaphore, #tpu.memory_space<semaphore_mem>>)
      } else {
      }
      %mul3A_119 = arith.constant 2 : i32
      %mul3A_120 = arith.muli %mul3A_119, %scan3A_89 : i32
      %add3A_121 = arith.constant 1 : i32
      %add3A_122 = arith.addi %mul3A_120, %add3A_121 : i32
      %add3A_123 = arith.constant 1 : i32
      %add3A_124 = arith.addi %add3A_122, %add3A_123 : i32
      %mul3A_125 = arith.constant 128 : i32
      %mul3A_126 = arith.muli %add3A_124, %mul3A_125 : i32
      %add3A_127 = arith.addi %mul3A_13, %mul3A_126 : i32
      %dma_wait3A_128 = tpu.memref_slice %arg3[%add3A_127] : memref<320000xi32, #tpu.memory_space<hbm>> -> memref<128xi32, #tpu.memory_space<hbm>>
      %dma_wait3A_129 = tpu.memref_slice %arg3[%add3A_127] : memref<320000xi32, #tpu.memory_space<hbm>> -> memref<128xi32, #tpu.memory_space<hbm>>
      tpu.wait_dma2 semaphore(%arg9 : memref<!tpu.dma_semaphore, #tpu.memory_space<semaphore_mem>>) src(%dma_wait3A_129 : memref<128xi32, #tpu.memory_space<hbm>>) dst(%arg6 : memref<128xi32, #tpu.memory_space<vmem>>)
      %mul3A_130 = arith.constant 128 : i32
      %mul3A_131 = arith.muli %add3A_124, %mul3A_130 : i32
      %add3A_132 = arith.addi %mul3A_13, %mul3A_131 : i32
      %dma_wait3A_133 = tpu.memref_slice %arg4[%add3A_132] : memref<320000xi32, #tpu.memory_space<hbm>> -> memref<128xi32, #tpu.memory_space<hbm>>
      %dma_wait3A_134 = tpu.memref_slice %arg4[%add3A_132] : memref<320000xi32, #tpu.memory_space<hbm>> -> memref<128xi32, #tpu.memory_space<hbm>>
      tpu.wait_dma2 semaphore(%arg9 : memref<!tpu.dma_semaphore, #tpu.memory_space<semaphore_mem>>) src(%dma_wait3A_134 : memref<128xi32, #tpu.memory_space<hbm>>) dst(%arg7 : memref<128xi32, #tpu.memory_space<vmem>>)
      %dma_start3A_135 = arith.constant 0 : i32
      %dma_start3A_136 = arith.constant 0 : i32
      %dma_start3A_137 = tpu.memref_slice %arg2[%dma_start3A_135, %dma_start3A_136] : memref<10000x128xf32, #tpu.memory_space<hbm>> -> memref<10000x128xf32, #tpu.memory_space<hbm>>
      tpu.enqueue_indirect_dma source(%dma_start3A_137 : memref<10000x128xf32, #tpu.memory_space<hbm>>) target(%arg8 : memref<128x128xf32, #tpu.memory_space<vmem>>) offsets(%arg6 : memref<128xi32, #tpu.memory_space<vmem>>) semaphore(%arg10 : memref<!tpu.dma_semaphore, #tpu.memory_space<semaphore_mem>>)
      %dma_wait3A_138 = arith.constant 0 : i32
      %dma_wait3A_139 = arith.constant 0 : i32
      %dma_wait3A_140 = tpu.memref_slice %arg2[%dma_wait3A_138, %dma_wait3A_139] : memref<10000x128xf32, #tpu.memory_space<hbm>> -> memref<10000x128xf32, #tpu.memory_space<hbm>>
      tpu.wait_indirect_dma semaphore(%arg15 : memref<!tpu.dma_semaphore, #tpu.memory_space<semaphore_mem>>) src(%dma_wait3A_140 : memref<10000x128xf32, #tpu.memory_space<hbm>>) dst(%arg13 : memref<128x128xf32, #tpu.memory_space<vmem>>)
      "tpu.region"() ({
        %run_scoped3A = tpu.sem_alloc : memref<!tpu.dma_semaphore, #tpu.memory_space<semaphore_mem>>
        %dma_start3A_148 = arith.constant 0 : i32
        %dma_start3A_149 = arith.constant 0 : i32
        %dma_start3A_150 = tpu.memref_slice %arg22[%dma_start3A_148, %dma_start3A_149] : memref<10000x128xf32, #tpu.memory_space<vmem_shared>> -> memref<10000x128xf32, #tpu.memory_space<vmem_shared>>
        tpu.enqueue_indirect_dma source(%arg13 : memref<128x128xf32, #tpu.memory_space<vmem>>) target(%dma_start3A_150 : memref<10000x128xf32, #tpu.memory_space<vmem_shared>>) offsets(%arg12 : memref<128xi32, #tpu.memory_space<vmem>>) semaphore(%run_scoped3A : memref<!tpu.dma_semaphore, #tpu.memory_space<semaphore_mem>>) {add = true}
        %dma_wait3A_151 = arith.constant 0 : i32
        %dma_wait3A_152 = arith.constant 0 : i32
        %dma_wait3A_153 = tpu.memref_slice %arg22[%dma_wait3A_151, %dma_wait3A_152] : memref<10000x128xf32, #tpu.memory_space<vmem_shared>> -> memref<10000x128xf32, #tpu.memory_space<vmem_shared>>
        tpu.wait_indirect_dma semaphore(%run_scoped3A : memref<!tpu.dma_semaphore, #tpu.memory_space<semaphore_mem>>) src(%arg13 : memref<128x128xf32, #tpu.memory_space<vmem>>) dst(%dma_wait3A_153 : memref<10000x128xf32, #tpu.memory_space<vmem_shared>>)
        tpu.yield
      }) : () -> ()
      %add3A_141 = arith.constant 2 : i32
      %add3A_142 = arith.addi %add3A_122, %add3A_141 : i32
      %lt3A_143 = arith.constant 78 : i32
      %lt3A_144 = arith.cmpi slt, %add3A_142, %lt3A_143 : i32
      %convert_element_type3A_145 = arith.extui %lt3A_144 : i1 to i32
      %cond3A_146 = arith.constant 0 : i32
      %cond3A_147 = arith.cmpi ne, %convert_element_type3A_145, %cond3A_146 : i32
      scf.if %cond3A_147 {
        %add3A_148 = arith.constant 2 : i32
        %add3A_149 = arith.addi %add3A_122, %add3A_148 : i32
        %mul3A_150 = arith.constant 128 : i32
        %mul3A_151 = arith.muli %add3A_149, %mul3A_150 : i32
        %add3A_152 = arith.addi %mul3A_13, %mul3A_151 : i32
        %dma_start3A_153 = tpu.memref_slice %arg3[%add3A_152] : memref<320000xi32, #tpu.memory_space<hbm>> -> memref<128xi32, #tpu.memory_space<hbm>>
        %dma_start3A_154 = tpu.memref_slice %arg3[%add3A_152] : memref<320000xi32, #tpu.memory_space<hbm>> -> memref<128xi32, #tpu.memory_space<hbm>>
        tpu.enqueue_dma source(%dma_start3A_154 : memref<128xi32, #tpu.memory_space<hbm>>) target(%arg11 : memref<128xi32, #tpu.memory_space<vmem>>) target_semaphore(%arg14 : memref<!tpu.dma_semaphore, #tpu.memory_space<semaphore_mem>>)
        %mul3A_155 = arith.constant 128 : i32
        %mul3A_156 = arith.muli %add3A_149, %mul3A_155 : i32
        %add3A_157 = arith.addi %mul3A_13, %mul3A_156 : i32
        %dma_start3A_158 = tpu.memref_slice %arg4[%add3A_157] : memref<320000xi32, #tpu.memory_space<hbm>> -> memref<128xi32, #tpu.memory_space<hbm>>
        %dma_start3A_159 = tpu.memref_slice %arg4[%add3A_157] : memref<320000xi32, #tpu.memory_space<hbm>> -> memref<128xi32, #tpu.memory_space<hbm>>
        tpu.enqueue_dma source(%dma_start3A_159 : memref<128xi32, #tpu.memory_space<hbm>>) target(%arg12 : memref<128xi32, #tpu.memory_space<vmem>>) target_semaphore(%arg14 : memref<!tpu.dma_semaphore, #tpu.memory_space<semaphore_mem>>)
      } else {
      }
    }
    %scan3A_46 = arith.constant 38 : i32
    %dma_start3A_47 = tpu.memref_slice %arg3[%add3A_15] : memref<320000xi32, #tpu.memory_space<hbm>> -> memref<16xi32, #tpu.memory_space<hbm>>
    %dma_start3A_48 = tpu.memref_slice %arg3[%add3A_15] : memref<320000xi32, #tpu.memory_space<hbm>> -> memref<16xi32, #tpu.memory_space<hbm>>
    tpu.enqueue_dma source(%dma_start3A_48 : memref<16xi32, #tpu.memory_space<hbm>>) target(%arg16 : memref<16xi32, #tpu.memory_space<vmem>>) target_semaphore(%arg19 : memref<!tpu.dma_semaphore, #tpu.memory_space<semaphore_mem>>)
    %dma_start3A_49 = tpu.memref_slice %arg4[%add3A_15] : memref<320000xi32, #tpu.memory_space<hbm>> -> memref<16xi32, #tpu.memory_space<hbm>>
    %dma_start3A_50 = tpu.memref_slice %arg4[%add3A_15] : memref<320000xi32, #tpu.memory_space<hbm>> -> memref<16xi32, #tpu.memory_space<hbm>>
    tpu.enqueue_dma source(%dma_start3A_50 : memref<16xi32, #tpu.memory_space<hbm>>) target(%arg17 : memref<16xi32, #tpu.memory_space<vmem>>) target_semaphore(%arg19 : memref<!tpu.dma_semaphore, #tpu.memory_space<semaphore_mem>>)
    %add3A_51 = arith.constant 9856 : i32
    %add3A_52 = arith.addi %mul3A_13, %add3A_51 : i32
    %dma_wait3A_53 = tpu.memref_slice %arg3[%add3A_52] : memref<320000xi32, #tpu.memory_space<hbm>> -> memref<128xi32, #tpu.memory_space<hbm>>
    %dma_wait3A_54 = tpu.memref_slice %arg3[%add3A_52] : memref<320000xi32, #tpu.memory_space<hbm>> -> memref<128xi32, #tpu.memory_space<hbm>>
    tpu.wait_dma2 semaphore(%arg14 : memref<!tpu.dma_semaphore, #tpu.memory_space<semaphore_mem>>) src(%dma_wait3A_54 : memref<128xi32, #tpu.memory_space<hbm>>) dst(%arg11 : memref<128xi32, #tpu.memory_space<vmem>>)
    %add3A_55 = arith.constant 9856 : i32
    %add3A_56 = arith.addi %mul3A_13, %add3A_55 : i32
    %dma_wait3A_57 = tpu.memref_slice %arg4[%add3A_56] : memref<320000xi32, #tpu.memory_space<hbm>> -> memref<128xi32, #tpu.memory_space<hbm>>
    %dma_wait3A_58 = tpu.memref_slice %arg4[%add3A_56] : memref<320000xi32, #tpu.memory_space<hbm>> -> memref<128xi32, #tpu.memory_space<hbm>>
    tpu.wait_dma2 semaphore(%arg14 : memref<!tpu.dma_semaphore, #tpu.memory_space<semaphore_mem>>) src(%dma_wait3A_58 : memref<128xi32, #tpu.memory_space<hbm>>) dst(%arg12 : memref<128xi32, #tpu.memory_space<vmem>>)
    %dma_start3A_59 = arith.constant 0 : i32
    %dma_start3A_60 = arith.constant 0 : i32
    %dma_start3A_61 = tpu.memref_slice %arg2[%dma_start3A_59, %dma_start3A_60] : memref<10000x128xf32, #tpu.memory_space<hbm>> -> memref<10000x128xf32, #tpu.memory_space<hbm>>
    tpu.enqueue_indirect_dma source(%dma_start3A_61 : memref<10000x128xf32, #tpu.memory_space<hbm>>) target(%arg13 : memref<128x128xf32, #tpu.memory_space<vmem>>) offsets(%arg11 : memref<128xi32, #tpu.memory_space<vmem>>) semaphore(%arg15 : memref<!tpu.dma_semaphore, #tpu.memory_space<semaphore_mem>>)
    %dma_wait3A_62 = arith.constant 0 : i32
    %dma_wait3A_63 = arith.constant 0 : i32
    %dma_wait3A_64 = tpu.memref_slice %arg2[%dma_wait3A_62, %dma_wait3A_63] : memref<10000x128xf32, #tpu.memory_space<hbm>> -> memref<10000x128xf32, #tpu.memory_space<hbm>>
    tpu.wait_indirect_dma semaphore(%arg10 : memref<!tpu.dma_semaphore, #tpu.memory_space<semaphore_mem>>) src(%dma_wait3A_64 : memref<10000x128xf32, #tpu.memory_space<hbm>>) dst(%arg8 : memref<128x128xf32, #tpu.memory_space<vmem>>)
    "tpu.region"() ({
      %run_scoped3A = tpu.sem_alloc : memref<!tpu.dma_semaphore, #tpu.memory_space<semaphore_mem>>
      %dma_start3A_89 = arith.constant 0 : i32
      %dma_start3A_90 = arith.constant 0 : i32
      %dma_start3A_91 = tpu.memref_slice %arg22[%dma_start3A_89, %dma_start3A_90] : memref<10000x128xf32, #tpu.memory_space<vmem_shared>> -> memref<10000x128xf32, #tpu.memory_space<vmem_shared>>
      tpu.enqueue_indirect_dma source(%arg8 : memref<128x128xf32, #tpu.memory_space<vmem>>) target(%dma_start3A_91 : memref<10000x128xf32, #tpu.memory_space<vmem_shared>>) offsets(%arg7 : memref<128xi32, #tpu.memory_space<vmem>>) semaphore(%run_scoped3A : memref<!tpu.dma_semaphore, #tpu.memory_space<semaphore_mem>>) {add = true}
      %dma_wait3A_92 = arith.constant 0 : i32
      %dma_wait3A_93 = arith.constant 0 : i32
      %dma_wait3A_94 = tpu.memref_slice %arg22[%dma_wait3A_92, %dma_wait3A_93] : memref<10000x128xf32, #tpu.memory_space<vmem_shared>> -> memref<10000x128xf32, #tpu.memory_space<vmem_shared>>
      tpu.wait_indirect_dma semaphore(%run_scoped3A : memref<!tpu.dma_semaphore, #tpu.memory_space<semaphore_mem>>) src(%arg8 : memref<128x128xf32, #tpu.memory_space<vmem>>) dst(%dma_wait3A_94 : memref<10000x128xf32, #tpu.memory_space<vmem_shared>>)
      tpu.yield
    }) : () -> ()
    %dma_wait3A_65 = tpu.memref_slice %arg3[%add3A_15] : memref<320000xi32, #tpu.memory_space<hbm>> -> memref<16xi32, #tpu.memory_space<hbm>>
    %dma_wait3A_66 = tpu.memref_slice %arg3[%add3A_15] : memref<320000xi32, #tpu.memory_space<hbm>> -> memref<16xi32, #tpu.memory_space<hbm>>
    tpu.wait_dma2 semaphore(%arg19 : memref<!tpu.dma_semaphore, #tpu.memory_space<semaphore_mem>>) src(%dma_wait3A_66 : memref<16xi32, #tpu.memory_space<hbm>>) dst(%arg16 : memref<16xi32, #tpu.memory_space<vmem>>)
    %dma_wait3A_67 = tpu.memref_slice %arg4[%add3A_15] : memref<320000xi32, #tpu.memory_space<hbm>> -> memref<16xi32, #tpu.memory_space<hbm>>
    %dma_wait3A_68 = tpu.memref_slice %arg4[%add3A_15] : memref<320000xi32, #tpu.memory_space<hbm>> -> memref<16xi32, #tpu.memory_space<hbm>>
    tpu.wait_dma2 semaphore(%arg19 : memref<!tpu.dma_semaphore, #tpu.memory_space<semaphore_mem>>) src(%dma_wait3A_68 : memref<16xi32, #tpu.memory_space<hbm>>) dst(%arg17 : memref<16xi32, #tpu.memory_space<vmem>>)
    %dma_start3A_69 = arith.constant 0 : i32
    %dma_start3A_70 = arith.constant 0 : i32
    %dma_start3A_71 = tpu.memref_slice %arg2[%dma_start3A_69, %dma_start3A_70] : memref<10000x128xf32, #tpu.memory_space<hbm>> -> memref<10000x128xf32, #tpu.memory_space<hbm>>
    tpu.enqueue_indirect_dma source(%dma_start3A_71 : memref<10000x128xf32, #tpu.memory_space<hbm>>) target(%arg18 : memref<16x128xf32, #tpu.memory_space<vmem>>) offsets(%arg16 : memref<16xi32, #tpu.memory_space<vmem>>) semaphore(%arg20 : memref<!tpu.dma_semaphore, #tpu.memory_space<semaphore_mem>>)
    %dma_wait3A_72 = arith.constant 0 : i32
    %dma_wait3A_73 = arith.constant 0 : i32
    %dma_wait3A_74 = tpu.memref_slice %arg2[%dma_wait3A_72, %dma_wait3A_73] : memref<10000x128xf32, #tpu.memory_space<hbm>> -> memref<10000x128xf32, #tpu.memory_space<hbm>>
    tpu.wait_indirect_dma semaphore(%arg15 : memref<!tpu.dma_semaphore, #tpu.memory_space<semaphore_mem>>) src(%dma_wait3A_74 : memref<10000x128xf32, #tpu.memory_space<hbm>>) dst(%arg13 : memref<128x128xf32, #tpu.memory_space<vmem>>)
    "tpu.region"() ({
      %run_scoped3A = tpu.sem_alloc : memref<!tpu.dma_semaphore, #tpu.memory_space<semaphore_mem>>
      %dma_start3A_89 = arith.constant 0 : i32
      %dma_start3A_90 = arith.constant 0 : i32
      %dma_start3A_91 = tpu.memref_slice %arg22[%dma_start3A_89, %dma_start3A_90] : memref<10000x128xf32, #tpu.memory_space<vmem_shared>> -> memref<10000x128xf32, #tpu.memory_space<vmem_shared>>
      tpu.enqueue_indirect_dma source(%arg13 : memref<128x128xf32, #tpu.memory_space<vmem>>) target(%dma_start3A_91 : memref<10000x128xf32, #tpu.memory_space<vmem_shared>>) offsets(%arg12 : memref<128xi32, #tpu.memory_space<vmem>>) semaphore(%run_scoped3A : memref<!tpu.dma_semaphore, #tpu.memory_space<semaphore_mem>>) {add = true}
      %dma_wait3A_92 = arith.constant 0 : i32
      %dma_wait3A_93 = arith.constant 0 : i32
      %dma_wait3A_94 = tpu.memref_slice %arg22[%dma_wait3A_92, %dma_wait3A_93] : memref<10000x128xf32, #tpu.memory_space<vmem_shared>> -> memref<10000x128xf32, #tpu.memory_space<vmem_shared>>
      tpu.wait_indirect_dma semaphore(%run_scoped3A : memref<!tpu.dma_semaphore, #tpu.memory_space<semaphore_mem>>) src(%arg13 : memref<128x128xf32, #tpu.memory_space<vmem>>) dst(%dma_wait3A_94 : memref<10000x128xf32, #tpu.memory_space<vmem_shared>>)
      tpu.yield
    }) : () -> ()
    %dma_wait3A_75 = arith.constant 0 : i32
    %dma_wait3A_76 = arith.constant 0 : i32
    %dma_wait3A_77 = tpu.memref_slice %arg2[%dma_wait3A_75, %dma_wait3A_76] : memref<10000x128xf32, #tpu.memory_space<hbm>> -> memref<10000x128xf32, #tpu.memory_space<hbm>>
    tpu.wait_indirect_dma semaphore(%arg20 : memref<!tpu.dma_semaphore, #tpu.memory_space<semaphore_mem>>) src(%dma_wait3A_77 : memref<10000x128xf32, #tpu.memory_space<hbm>>) dst(%arg18 : memref<16x128xf32, #tpu.memory_space<vmem>>)
    "tpu.region"() ({
      %run_scoped3A = tpu.sem_alloc : memref<!tpu.dma_semaphore, #tpu.memory_space<semaphore_mem>>
      %dma_start3A_89 = arith.constant 0 : i32
      %dma_start3A_90 = arith.constant 0 : i32
      %dma_start3A_91 = tpu.memref_slice %arg22[%dma_start3A_89, %dma_start3A_90] : memref<10000x128xf32, #tpu.memory_space<vmem_shared>> -> memref<10000x128xf32, #tpu.memory_space<vmem_shared>>
      tpu.enqueue_indirect_dma source(%arg18 : memref<16x128xf32, #tpu.memory_space<vmem>>) target(%dma_start3A_91 : memref<10000x128xf32, #tpu.memory_space<vmem_shared>>) offsets(%arg17 : memref<16xi32, #tpu.memory_space<vmem>>) semaphore(%run_scoped3A : memref<!tpu.dma_semaphore, #tpu.memory_space<semaphore_mem>>) {add = true}
      %dma_wait3A_92 = arith.constant 0 : i32
      %dma_wait3A_93 = arith.constant 0 : i32
      %dma_wait3A_94 = tpu.memref_slice %arg22[%dma_wait3A_92, %dma_wait3A_93] : memref<10000x128xf32, #tpu.memory_space<vmem_shared>> -> memref<10000x128xf32, #tpu.memory_space<vmem_shared>>
      tpu.wait_indirect_dma semaphore(%run_scoped3A : memref<!tpu.dma_semaphore, #tpu.memory_space<semaphore_mem>>) src(%arg18 : memref<16x128xf32, #tpu.memory_space<vmem>>) dst(%dma_wait3A_94 : memref<10000x128xf32, #tpu.memory_space<vmem_shared>>)
      tpu.yield
    }) : () -> ()
    %barrier3A_78 = arith.constant 0 : index
    tpu.barrier barrier_id(%barrier3A_78)
    %lt3A_79 = arith.constant 15 : i32
    %lt3A_80 = arith.cmpi slt, %arg1, %lt3A_79 : i32
    %convert_element_type3A_81 = arith.extui %lt3A_80 : i1 to i32
    %cond3A_82 = arith.constant 0 : i32
    %cond3A_83 = arith.cmpi ne, %convert_element_type3A_81, %cond3A_82 : i32
    scf.if %cond3A_83 {
      %mul3A_89 = arith.constant 640 : i32
      %mul3A_90 = arith.muli %arg1, %mul3A_89 : i32
      %mul3A_91 = arith.constant 640 : i32
      %mul3A_92 = arith.muli %arg1, %mul3A_91 : i32
      "tpu.region"() ({
        %run_scoped3A = tpu.sem_alloc : memref<!tpu.dma_semaphore, #tpu.memory_space<semaphore_mem>>
        %dma_start3A_93 = arith.constant 0 : i32
        %dma_start3A_94 = tpu.memref_slice %arg5[%arg0, %mul3A_92, %dma_start3A_93] : memref<2x10000x128xf32, #tpu.memory_space<hbm>> -> memref<1x640x128xf32, #tpu.memory_space<hbm>>
        %dma_start3A_95 = tpu.memref_squeeze %dma_start3A_94 : memref<1x640x128xf32, #tpu.memory_space<hbm>> -> memref<640x128xf32, #tpu.memory_space<hbm>>
        %dma_start3A_96 = arith.constant 0 : i32
        %dma_start3A_97 = tpu.memref_slice %arg22[%mul3A_90, %dma_start3A_96] : memref<10000x128xf32, #tpu.memory_space<vmem_shared>> -> memref<640x128xf32, #tpu.memory_space<vmem_shared>>
        tpu.enqueue_dma source(%dma_start3A_97 : memref<640x128xf32, #tpu.memory_space<vmem_shared>>) target(%dma_start3A_95 : memref<640x128xf32, #tpu.memory_space<hbm>>) target_semaphore(%run_scoped3A : memref<!tpu.dma_semaphore, #tpu.memory_space<semaphore_mem>>)
        %dma_wait3A_98 = arith.constant 0 : i32
        %dma_wait3A_99 = tpu.memref_slice %arg5[%arg0, %mul3A_92, %dma_wait3A_98] : memref<2x10000x128xf32, #tpu.memory_space<hbm>> -> memref<1x640x128xf32, #tpu.memory_space<hbm>>
        %dma_wait3A_100 = tpu.memref_squeeze %dma_wait3A_99 : memref<1x640x128xf32, #tpu.memory_space<hbm>> -> memref<640x128xf32, #tpu.memory_space<hbm>>
        %dma_wait3A_101 = arith.constant 0 : i32
        %dma_wait3A_102 = tpu.memref_slice %arg22[%mul3A_90, %dma_wait3A_101] : memref<10000x128xf32, #tpu.memory_space<vmem_shared>> -> memref<640x128xf32, #tpu.memory_space<vmem_shared>>
        tpu.wait_dma2 semaphore(%run_scoped3A : memref<!tpu.dma_semaphore, #tpu.memory_space<semaphore_mem>>) src(%dma_wait3A_102 : memref<640x128xf32, #tpu.memory_space<vmem_shared>>) dst(%dma_wait3A_100 : memref<640x128xf32, #tpu.memory_space<hbm>>)
        tpu.yield
      }) : () -> ()
    } else {
    }
    %eq3A_84 = arith.constant 15 : i32
    %eq3A_85 = arith.cmpi eq, %arg1, %eq3A_84 : i32
    %convert_element_type3A_86 = arith.extui %eq3A_85 : i1 to i32
    %cond3A_87 = arith.constant 0 : i32
    %cond3A_88 = arith.cmpi ne, %convert_element_type3A_86, %cond3A_87 : i32
    scf.if %cond3A_88 {
      "tpu.region"() ({
        %run_scoped3A = tpu.sem_alloc : memref<!tpu.dma_semaphore, #tpu.memory_space<semaphore_mem>>
        %dma_start3A_89 = arith.constant 9600 : i32
        %dma_start3A_90 = arith.constant 0 : i32
        %dma_start3A_91 = tpu.memref_slice %arg5[%arg0, %dma_start3A_89, %dma_start3A_90] : memref<2x10000x128xf32, #tpu.memory_space<hbm>> -> memref<1x400x128xf32, #tpu.memory_space<hbm>>
        %dma_start3A_92 = tpu.memref_squeeze %dma_start3A_91 : memref<1x400x128xf32, #tpu.memory_space<hbm>> -> memref<400x128xf32, #tpu.memory_space<hbm>>
        %dma_start3A_93 = arith.constant 9600 : i32
        %dma_start3A_94 = arith.constant 0 : i32
        %dma_start3A_95 = tpu.memref_slice %arg22[%dma_start3A_93, %dma_start3A_94] : memref<10000x128xf32, #tpu.memory_space<vmem_shared>> -> memref<400x128xf32, #tpu.memory_space<vmem_shared>>
        tpu.enqueue_dma source(%dma_start3A_95 : memref<400x128xf32, #tpu.memory_space<vmem_shared>>) target(%dma_start3A_92 : memref<400x128xf32, #tpu.memory_space<hbm>>) target_semaphore(%run_scoped3A : memref<!tpu.dma_semaphore, #tpu.memory_space<semaphore_mem>>)
        %dma_wait3A_96 = arith.constant 9600 : i32
        %dma_wait3A_97 = arith.constant 0 : i32
        %dma_wait3A_98 = tpu.memref_slice %arg5[%arg0, %dma_wait3A_96, %dma_wait3A_97] : memref<2x10000x128xf32, #tpu.memory_space<hbm>> -> memref<1x400x128xf32, #tpu.memory_space<hbm>>
        %dma_wait3A_99 = tpu.memref_squeeze %dma_wait3A_98 : memref<1x400x128xf32, #tpu.memory_space<hbm>> -> memref<400x128xf32, #tpu.memory_space<hbm>>
        %dma_wait3A_100 = arith.constant 9600 : i32
        %dma_wait3A_101 = arith.constant 0 : i32
        %dma_wait3A_102 = tpu.memref_slice %arg22[%dma_wait3A_100, %dma_wait3A_101] : memref<10000x128xf32, #tpu.memory_space<vmem_shared>> -> memref<400x128xf32, #tpu.memory_space<vmem_shared>>
        tpu.wait_dma2 semaphore(%run_scoped3A : memref<!tpu.dma_semaphore, #tpu.memory_space<semaphore_mem>>) src(%dma_wait3A_102 : memref<400x128xf32, #tpu.memory_space<vmem_shared>>) dst(%dma_wait3A_99 : memref<400x128xf32, #tpu.memory_space<hbm>>)
        tpu.yield
      }) : () -> ()
    } else {
    }
    return
  }
}

#map = affine_map<(d0, d1) -> (0)>
#map1 = affine_map<(d0, d1) -> (0, 0, 0)>
module attributes {stable_mosaic.version = 14 : i64} {
  func.func @_deg_partials_body(%arg0: i32, %arg1: i32, %arg2: memref<320000xi32, #tpu.memory_space<hbm>>, %arg3: memref<32x1x10000xf32, #tpu.memory_space<hbm>>, %arg4: memref<2000xi32, #tpu.memory_space<vmem>>, %arg5: memref<1x10000xf32, #tpu.memory_space<vmem>>) attributes {dimension_semantics = [#tpu.dimension_semantics<core_parallel>, #tpu.dimension_semantics<subcore_parallel>], iteration_bounds = array<i64: 2, 16>, scalar_prefetch = 0 : i64, scratch_operands = 2 : i64, tpu.core_type = #tpu.core_type<sc_vector_subcore>, window_params = [{transform_indices = #map}, {transform_indices = #map1}]} {
    %mul3A = arith.constant 2 : i32
    %mul3A_0 = arith.muli %arg1, %mul3A : i32
    %add3A = arith.addi %mul3A_0, %arg0 : i32
    %scan3A = arith.constant 0 : i32
    %scan3A_1 = arith.constant 0 : i32
    %scan3A_2 = arith.constant 625 : i32
    %scan3A_3 = arith.addi %scan3A_1, %scan3A_2 : i32
    %scan3A_4 = arith.constant 1 : i32
    scf.for %scan3A_17 = %scan3A_1 to %scan3A_3 step %scan3A_4  : i32 {
      %broadcast_in_dim3A_18 = arith.constant 0.000000e+00 : f32
      %broadcast_in_dim3A_19 = vector.broadcast %broadcast_in_dim3A_18 : f32 to vector<16xf32>
      %mul3A_20 = arith.constant 16 : i32
      %mul3A_21 = arith.muli %scan3A_17, %mul3A_20 : i32
      %swap3A = arith.constant 0 : i32
      %swap3A_22 = arith.index_cast %swap3A : i32 to index
      %swap3A_23 = arith.index_cast %mul3A_21 : i32 to index
      %swap3A_24 = tpu.vector_load %arg5[%swap3A_22, %swap3A_23] {strides = array<i32>} : memref<1x10000xf32, #tpu.memory_space<vmem>>, vector<16xf32>,
      tpu.vector_store %arg5[%swap3A_22, %swap3A_23], %broadcast_in_dim3A_19 {strides = array<i32>} : memref<1x10000xf32, #tpu.memory_space<vmem>>, vector<16xf32>,
    }
    %scan3A_5 = arith.constant 625 : i32
    %broadcast_in_dim3A = arith.constant 1.000000e+00 : f32
    %broadcast_in_dim3A_6 = vector.broadcast %broadcast_in_dim3A : f32 to vector<16xf32>
    %broadcast_in_dim3A_7 = arith.constant 0 : i32
    %broadcast_in_dim3A_8 = vector.broadcast %broadcast_in_dim3A_7 : i32 to vector<16xi32>
    %mul3A_9 = arith.constant 10000 : i32
    %mul3A_10 = arith.muli %add3A, %mul3A_9 : i32
    %scan3A_11 = arith.constant 0 : i32
    %scan3A_12 = arith.constant 0 : i32
    %scan3A_13 = arith.constant 5 : i32
    %scan3A_14 = arith.addi %scan3A_12, %scan3A_13 : i32
    %scan3A_15 = arith.constant 1 : i32
    scf.for %scan3A_17 = %scan3A_12 to %scan3A_14 step %scan3A_15  : i32 {
      %mul3A_18 = arith.constant 2000 : i32
      %mul3A_19 = arith.muli %scan3A_17, %mul3A_18 : i32
      %add3A_20 = arith.addi %mul3A_10, %mul3A_19 : i32
      "tpu.region"() ({
        %run_scoped3A = tpu.sem_alloc : memref<!tpu.dma_semaphore, #tpu.memory_space<semaphore_mem>>
        %dma_start3A = tpu.memref_slice %arg2[%add3A_20] : memref<320000xi32, #tpu.memory_space<hbm>> -> memref<2000xi32, #tpu.memory_space<hbm>>
        %dma_start3A_27 = tpu.memref_slice %arg2[%add3A_20] : memref<320000xi32, #tpu.memory_space<hbm>> -> memref<2000xi32, #tpu.memory_space<hbm>>
        tpu.enqueue_dma source(%dma_start3A_27 : memref<2000xi32, #tpu.memory_space<hbm>>) target(%arg4 : memref<2000xi32, #tpu.memory_space<vmem>>) target_semaphore(%run_scoped3A : memref<!tpu.dma_semaphore, #tpu.memory_space<semaphore_mem>>)
        %dma_wait3A = tpu.memref_slice %arg2[%add3A_20] : memref<320000xi32, #tpu.memory_space<hbm>> -> memref<2000xi32, #tpu.memory_space<hbm>>
        %dma_wait3A_28 = tpu.memref_slice %arg2[%add3A_20] : memref<320000xi32, #tpu.memory_space<hbm>> -> memref<2000xi32, #tpu.memory_space<hbm>>
        tpu.wait_dma2 semaphore(%run_scoped3A : memref<!tpu.dma_semaphore, #tpu.memory_space<semaphore_mem>>) src(%dma_wait3A_28 : memref<2000xi32, #tpu.memory_space<hbm>>) dst(%arg4 : memref<2000xi32, #tpu.memory_space<vmem>>)
        tpu.yield
      }) : () -> ()
      %scan3A_21 = arith.constant 0 : i32
      %scan3A_22 = arith.constant 0 : i32
      %scan3A_23 = arith.constant 125 : i32
      %scan3A_24 = arith.addi %scan3A_22, %scan3A_23 : i32
      %scan3A_25 = arith.constant 1 : i32
      scf.for %scan3A_27 = %scan3A_22 to %scan3A_24 step %scan3A_25  : i32 {
        %mul3A_28 = arith.constant 16 : i32
        %mul3A_29 = arith.muli %scan3A_27, %mul3A_28 : i32
        %get3A = arith.index_cast %mul3A_29 : i32 to index
        %get3A_30 = tpu.vector_load %arg4[%get3A] {strides = array<i32>} : memref<2000xi32, #tpu.memory_space<vmem>>, vector<16xi32>,
        tpu.vector_store_idx %arg5[%broadcast_in_dim3A_8, %get3A_30], %broadcast_in_dim3A_6 {add = true} : memref<1x10000xf32, #tpu.memory_space<vmem>>[vector<16xi32>, vector<16xi32>], vector<16xf32>,
      }
      %scan3A_26 = arith.constant 125 : i32
    }
    %scan3A_16 = arith.constant 5 : i32
    "tpu.region"() ({
      %run_scoped3A = tpu.sem_alloc : memref<!tpu.dma_semaphore, #tpu.memory_space<semaphore_mem>>
      %dma_start3A = arith.constant 0 : i32
      %dma_start3A_17 = arith.constant 0 : i32
      %dma_start3A_18 = tpu.memref_slice %arg3[%add3A, %dma_start3A, %dma_start3A_17] : memref<32x1x10000xf32, #tpu.memory_space<hbm>> -> memref<1x1x10000xf32, #tpu.memory_space<hbm>>
      %dma_start3A_19 = tpu.memref_squeeze %dma_start3A_18 : memref<1x1x10000xf32, #tpu.memory_space<hbm>> -> memref<1x10000xf32, #tpu.memory_space<hbm>>
      %dma_start3A_20 = arith.constant 0 : i32
      %dma_start3A_21 = arith.constant 0 : i32
      %dma_start3A_22 = tpu.memref_slice %arg3[%add3A, %dma_start3A_20, %dma_start3A_21] : memref<32x1x10000xf32, #tpu.memory_space<hbm>> -> memref<1x1x10000xf32, #tpu.memory_space<hbm>>
      %dma_start3A_23 = tpu.memref_squeeze %dma_start3A_22 : memref<1x1x10000xf32, #tpu.memory_space<hbm>> -> memref<1x10000xf32, #tpu.memory_space<hbm>>
      tpu.enqueue_dma source(%arg5 : memref<1x10000xf32, #tpu.memory_space<vmem>>) target(%dma_start3A_23 : memref<1x10000xf32, #tpu.memory_space<hbm>>) target_semaphore(%run_scoped3A : memref<!tpu.dma_semaphore, #tpu.memory_space<semaphore_mem>>)
      %dma_wait3A = arith.constant 0 : i32
      %dma_wait3A_24 = arith.constant 0 : i32
      %dma_wait3A_25 = tpu.memref_slice %arg3[%add3A, %dma_wait3A, %dma_wait3A_24] : memref<32x1x10000xf32, #tpu.memory_space<hbm>> -> memref<1x1x10000xf32, #tpu.memory_space<hbm>>
      %dma_wait3A_26 = tpu.memref_squeeze %dma_wait3A_25 : memref<1x1x10000xf32, #tpu.memory_space<hbm>> -> memref<1x10000xf32, #tpu.memory_space<hbm>>
      %dma_wait3A_27 = arith.constant 0 : i32
      %dma_wait3A_28 = arith.constant 0 : i32
      %dma_wait3A_29 = tpu.memref_slice %arg3[%add3A, %dma_wait3A_27, %dma_wait3A_28] : memref<32x1x10000xf32, #tpu.memory_space<hbm>> -> memref<1x1x10000xf32, #tpu.memory_space<hbm>>
      %dma_wait3A_30 = tpu.memref_squeeze %dma_wait3A_29 : memref<1x1x10000xf32, #tpu.memory_space<hbm>> -> memref<1x10000xf32, #tpu.memory_space<hbm>>
      tpu.wait_dma2 semaphore(%run_scoped3A : memref<!tpu.dma_semaphore, #tpu.memory_space<semaphore_mem>>) src(%arg5 : memref<1x10000xf32, #tpu.memory_space<vmem>>) dst(%dma_wait3A_30 : memref<1x10000xf32, #tpu.memory_space<hbm>>)
      tpu.yield
    }) : () -> ()
    return
  }
}

#map = affine_map<(d0, d1) -> (0, 0)>
#map1 = affine_map<(d0, d1) -> (0)>
#map2 = affine_map<(d0, d1) -> (0, 0, 0)>
module attributes {stable_mosaic.version = 14 : i64} {
  func.func @_edge_pass_body(%arg0: i32, %arg1: i32, %arg2: memref<10000x128xf32, #tpu.memory_space<hbm>>, %arg3: memref<320000xi32, #tpu.memory_space<hbm>>, %arg4: memref<320000xi32, #tpu.memory_space<hbm>>, %arg5: memref<2x10000x128xf32, #tpu.memory_space<hbm>>, %arg6: memref<128xi32, #tpu.memory_space<vmem>>, %arg7: memref<128xi32, #tpu.memory_space<vmem>>, %arg8: memref<128x128xf32, #tpu.memory_space<vmem>>, %arg9: memref<!tpu.dma_semaphore, #tpu.memory_space<semaphore_mem>>, %arg10: memref<!tpu.dma_semaphore, #tpu.memory_space<semaphore_mem>>, %arg11: memref<128xi32, #tpu.memory_space<vmem>>, %arg12: memref<128xi32, #tpu.memory_space<vmem>>, %arg13: memref<128x128xf32, #tpu.memory_space<vmem>>, %arg14: memref<!tpu.dma_semaphore, #tpu.memory_space<semaphore_mem>>, %arg15: memref<!tpu.dma_semaphore, #tpu.memory_space<semaphore_mem>>, %arg16: memref<16xi32, #tpu.memory_space<vmem>>, %arg17: memref<16xi32, #tpu.memory_space<vmem>>, %arg18: memref<16x128xf32, #tpu.memory_space<vmem>>, %arg19: memref<!tpu.dma_semaphore, #tpu.memory_space<semaphore_mem>>, %arg20: memref<!tpu.dma_semaphore, #tpu.memory_space<semaphore_mem>>, %arg21: memref<40x128xf32, #tpu.memory_space<vmem>>, %arg22: memref<10000x128xf32, #tpu.memory_space<vmem_shared>>) attributes {dimension_semantics = [#tpu.dimension_semantics<core_parallel>, #tpu.dimension_semantics<subcore_parallel>], iteration_bounds = array<i64: 2, 16>, scalar_prefetch = 0 : i64, scratch_operands = 17 : i64, tpu.core_type = #tpu.core_type<sc_vector_subcore>, window_params = [{transform_indices = #map}, {transform_indices = #map1}, {transform_indices = #map1}, {transform_indices = #map2}]} {
    %mul3A = arith.constant 2 : i32
    %mul3A_0 = arith.muli %arg1, %mul3A : i32
    %add3A = arith.addi %mul3A_0, %arg0 : i32
    %scan3A = arith.constant 0 : i32
    %scan3A_1 = arith.constant 0 : i32
    %scan3A_2 = arith.constant 40 : i32
    %scan3A_3 = arith.addi %scan3A_1, %scan3A_2 : i32
    %scan3A_4 = arith.constant 1 : i32
    scf.for %scan3A_89 = %scan3A_1 to %scan3A_3 step %scan3A_4  : i32 {
      %broadcast_in_dim3A = arith.constant 0.000000e+00 : f32
      %broadcast_in_dim3A_90 = vector.broadcast %broadcast_in_dim3A : f32 to vector<16xf32>
      %swap3A = arith.index_cast %scan3A_89 : i32 to index
      %swap3A_91 = arith.constant 0 : index
      %swap3A_92 = tpu.vector_load %arg21[%swap3A, %swap3A_91] {strides = array<i32>} : memref<40x128xf32, #tpu.memory_space<vmem>>, vector<16xf32>,
      tpu.vector_store %arg21[%swap3A, %swap3A_91], %broadcast_in_dim3A_90 {strides = array<i32>} : memref<40x128xf32, #tpu.memory_space<vmem>>, vector<16xf32>,
      %broadcast_in_dim3A_93 = arith.constant 0.000000e+00 : f32
      %broadcast_in_dim3A_94 = vector.broadcast %broadcast_in_dim3A_93 : f32 to vector<16xf32>
      %swap3A_95 = arith.index_cast %scan3A_89 : i32 to index
      %swap3A_96 = arith.constant 16 : index
      %swap3A_97 = tpu.vector_load %arg21[%swap3A_95, %swap3A_96] {strides = array<i32>} : memref<40x128xf32, #tpu.memory_space<vmem>>, vector<16xf32>,
      tpu.vector_store %arg21[%swap3A_95, %swap3A_96], %broadcast_in_dim3A_94 {strides = array<i32>} : memref<40x128xf32, #tpu.memory_space<vmem>>, vector<16xf32>,
      %broadcast_in_dim3A_98 = arith.constant 0.000000e+00 : f32
      %broadcast_in_dim3A_99 = vector.broadcast %broadcast_in_dim3A_98 : f32 to vector<16xf32>
      %swap3A_100 = arith.index_cast %scan3A_89 : i32 to index
      %swap3A_101 = arith.constant 32 : index
      %swap3A_102 = tpu.vector_load %arg21[%swap3A_100, %swap3A_101] {strides = array<i32>} : memref<40x128xf32, #tpu.memory_space<vmem>>, vector<16xf32>,
      tpu.vector_store %arg21[%swap3A_100, %swap3A_101], %broadcast_in_dim3A_99 {strides = array<i32>} : memref<40x128xf32, #tpu.memory_space<vmem>>, vector<16xf32>,
      %broadcast_in_dim3A_103 = arith.constant 0.000000e+00 : f32
      %broadcast_in_dim3A_104 = vector.broadcast %broadcast_in_dim3A_103 : f32 to vector<16xf32>
      %swap3A_105 = arith.index_cast %scan3A_89 : i32 to index
      %swap3A_106 = arith.constant 48 : index
      %swap3A_107 = tpu.vector_load %arg21[%swap3A_105, %swap3A_106] {strides = array<i32>} : memref<40x128xf32, #tpu.memory_space<vmem>>, vector<16xf32>,
      tpu.vector_store %arg21[%swap3A_105, %swap3A_106], %broadcast_in_dim3A_104 {strides = array<i32>} : memref<40x128xf32, #tpu.memory_space<vmem>>, vector<16xf32>,
      %broadcast_in_dim3A_108 = arith.constant 0.000000e+00 : f32
      %broadcast_in_dim3A_109 = vector.broadcast %broadcast_in_dim3A_108 : f32 to vector<16xf32>
      %swap3A_110 = arith.index_cast %scan3A_89 : i32 to index
      %swap3A_111 = arith.constant 64 : index
      %swap3A_112 = tpu.vector_load %arg21[%swap3A_110, %swap3A_111] {strides = array<i32>} : memref<40x128xf32, #tpu.memory_space<vmem>>, vector<16xf32>,
      tpu.vector_store %arg21[%swap3A_110, %swap3A_111], %broadcast_in_dim3A_109 {strides = array<i32>} : memref<40x128xf32, #tpu.memory_space<vmem>>, vector<16xf32>,
      %broadcast_in_dim3A_113 = arith.constant 0.000000e+00 : f32
      %broadcast_in_dim3A_114 = vector.broadcast %broadcast_in_dim3A_113 : f32 to vector<16xf32>
      %swap3A_115 = arith.index_cast %scan3A_89 : i32 to index
      %swap3A_116 = arith.constant 80 : index
      %swap3A_117 = tpu.vector_load %arg21[%swap3A_115, %swap3A_116] {strides = array<i32>} : memref<40x128xf32, #tpu.memory_space<vmem>>, vector<16xf32>,
      tpu.vector_store %arg21[%swap3A_115, %swap3A_116], %broadcast_in_dim3A_114 {strides = array<i32>} : memref<40x128xf32, #tpu.memory_space<vmem>>, vector<16xf32>,
      %broadcast_in_dim3A_118 = arith.constant 0.000000e+00 : f32
      %broadcast_in_dim3A_119 = vector.broadcast %broadcast_in_dim3A_118 : f32 to vector<16xf32>
      %swap3A_120 = arith.index_cast %scan3A_89 : i32 to index
      %swap3A_121 = arith.constant 96 : index
      %swap3A_122 = tpu.vector_load %arg21[%swap3A_120, %swap3A_121] {strides = array<i32>} : memref<40x128xf32, #tpu.memory_space<vmem>>, vector<16xf32>,
      tpu.vector_store %arg21[%swap3A_120, %swap3A_121], %broadcast_in_dim3A_119 {strides = array<i32>} : memref<40x128xf32, #tpu.memory_space<vmem>>, vector<16xf32>,
      %broadcast_in_dim3A_123 = arith.constant 0.000000e+00 : f32
      %broadcast_in_dim3A_124 = vector.broadcast %broadcast_in_dim3A_123 : f32 to vector<16xf32>
      %swap3A_125 = arith.index_cast %scan3A_89 : i32 to index
      %swap3A_126 = arith.constant 112 : index
      %swap3A_127 = tpu.vector_load %arg21[%swap3A_125, %swap3A_126] {strides = array<i32>} : memref<40x128xf32, #tpu.memory_space<vmem>>, vector<16xf32>,
      tpu.vector_store %arg21[%swap3A_125, %swap3A_126], %broadcast_in_dim3A_124 {strides = array<i32>} : memref<40x128xf32, #tpu.memory_space<vmem>>, vector<16xf32>,
    }
    %scan3A_5 = arith.constant 40 : i32
    %lt3A = arith.constant 15 : i32
    %lt3A_6 = arith.cmpi slt, %arg1, %lt3A : i32
    %convert_element_type3A = arith.extui %lt3A_6 : i1 to i32
    %cond3A = arith.constant 0 : i32
    %cond3A_7 = arith.cmpi ne, %convert_element_type3A, %cond3A : i32
    scf.if %cond3A_7 {
      %scan3A_89 = arith.constant 0 : i32
      %scan3A_90 = arith.constant 0 : i32
      %scan3A_91 = arith.constant 16 : i32
      %scan3A_92 = arith.addi %scan3A_90, %scan3A_91 : i32
      %scan3A_93 = arith.constant 1 : i32
      scf.for %scan3A_95 = %scan3A_90 to %scan3A_92 step %scan3A_93  : i32 {
        %mul3A_96 = arith.constant 640 : i32
        %mul3A_97 = arith.muli %arg1, %mul3A_96 : i32
        %mul3A_98 = arith.constant 40 : i32
        %mul3A_99 = arith.muli %scan3A_95, %mul3A_98 : i32
        %add3A_100 = arith.addi %mul3A_97, %mul3A_99 : i32
        "tpu.region"() ({
          %run_scoped3A = tpu.sem_alloc : memref<!tpu.dma_semaphore, #tpu.memory_space<semaphore_mem>>
          %dma_start3A_101 = arith.constant 0 : i32
          %dma_start3A_102 = tpu.memref_slice %arg22[%add3A_100, %dma_start3A_101] : memref<10000x128xf32, #tpu.memory_space<vmem_shared>> -> memref<40x128xf32, #tpu.memory_space<vmem_shared>>
          %dma_start3A_103 = arith.constant 0 : i32
          %dma_start3A_104 = tpu.memref_slice %arg22[%add3A_100, %dma_start3A_103] : memref<10000x128xf32, #tpu.memory_space<vmem_shared>> -> memref<40x128xf32, #tpu.memory_space<vmem_shared>>
          tpu.enqueue_dma source(%arg21 : memref<40x128xf32, #tpu.memory_space<vmem>>) target(%dma_start3A_104 : memref<40x128xf32, #tpu.memory_space<vmem_shared>>) target_semaphore(%run_scoped3A : memref<!tpu.dma_semaphore, #tpu.memory_space<semaphore_mem>>)
          %dma_wait3A_105 = arith.constant 0 : i32
          %dma_wait3A_106 = tpu.memref_slice %arg22[%add3A_100, %dma_wait3A_105] : memref<10000x128xf32, #tpu.memory_space<vmem_shared>> -> memref<40x128xf32, #tpu.memory_space<vmem_shared>>
          %dma_wait3A_107 = arith.constant 0 : i32
          %dma_wait3A_108 = tpu.memref_slice %arg22[%add3A_100, %dma_wait3A_107] : memref<10000x128xf32, #tpu.memory_space<vmem_shared>> -> memref<40x128xf32, #tpu.memory_space<vmem_shared>>
          tpu.wait_dma2 semaphore(%run_scoped3A : memref<!tpu.dma_semaphore, #tpu.memory_space<semaphore_mem>>) src(%arg21 : memref<40x128xf32, #tpu.memory_space<vmem>>) dst(%dma_wait3A_108 : memref<40x128xf32, #tpu.memory_space<vmem_shared>>)
          tpu.yield
        }) : () -> ()
      }
      %scan3A_94 = arith.constant 16 : i32
    } else {
    }
    %eq3A = arith.constant 15 : i32
    %eq3A_8 = arith.cmpi eq, %arg1, %eq3A : i32
    %convert_element_type3A_9 = arith.extui %eq3A_8 : i1 to i32
    %cond3A_10 = arith.constant 0 : i32
    %cond3A_11 = arith.cmpi ne, %convert_element_type3A_9, %cond3A_10 : i32
    scf.if %cond3A_11 {
      %scan3A_89 = arith.constant 0 : i32
      %scan3A_90 = arith.constant 0 : i32
      %scan3A_91 = arith.constant 10 : i32
      %scan3A_92 = arith.addi %scan3A_90, %scan3A_91 : i32
      %scan3A_93 = arith.constant 1 : i32
      scf.for %scan3A_95 = %scan3A_90 to %scan3A_92 step %scan3A_93  : i32 {
        %mul3A_96 = arith.constant 40 : i32
        %mul3A_97 = arith.muli %scan3A_95, %mul3A_96 : i32
        %add3A_98 = arith.constant 9600 : i32
        %add3A_99 = arith.addi %add3A_98, %mul3A_97 : i32
        "tpu.region"() ({
          %run_scoped3A = tpu.sem_alloc : memref<!tpu.dma_semaphore, #tpu.memory_space<semaphore_mem>>
          %dma_start3A_100 = arith.constant 0 : i32
          %dma_start3A_101 = tpu.memref_slice %arg22[%add3A_99, %dma_start3A_100] : memref<10000x128xf32, #tpu.memory_space<vmem_shared>> -> memref<40x128xf32, #tpu.memory_space<vmem_shared>>
          %dma_start3A_102 = arith.constant 0 : i32
          %dma_start3A_103 = tpu.memref_slice %arg22[%add3A_99, %dma_start3A_102] : memref<10000x128xf32, #tpu.memory_space<vmem_shared>> -> memref<40x128xf32, #tpu.memory_space<vmem_shared>>
          tpu.enqueue_dma source(%arg21 : memref<40x128xf32, #tpu.memory_space<vmem>>) target(%dma_start3A_103 : memref<40x128xf32, #tpu.memory_space<vmem_shared>>) target_semaphore(%run_scoped3A : memref<!tpu.dma_semaphore, #tpu.memory_space<semaphore_mem>>)
          %dma_wait3A_104 = arith.constant 0 : i32
          %dma_wait3A_105 = tpu.memref_slice %arg22[%add3A_99, %dma_wait3A_104] : memref<10000x128xf32, #tpu.memory_space<vmem_shared>> -> memref<40x128xf32, #tpu.memory_space<vmem_shared>>
          %dma_wait3A_106 = arith.constant 0 : i32
          %dma_wait3A_107 = tpu.memref_slice %arg22[%add3A_99, %dma_wait3A_106] : memref<10000x128xf32, #tpu.memory_space<vmem_shared>> -> memref<40x128xf32, #tpu.memory_space<vmem_shared>>
          tpu.wait_dma2 semaphore(%run_scoped3A : memref<!tpu.dma_semaphore, #tpu.memory_space<semaphore_mem>>) src(%arg21 : memref<40x128xf32, #tpu.memory_space<vmem>>) dst(%dma_wait3A_107 : memref<40x128xf32, #tpu.memory_space<vmem_shared>>)
          tpu.yield
        }) : () -> ()
      }
      %scan3A_94 = arith.constant 10 : i32
    } else {
    }
    %barrier3A = arith.constant 0 : index
    tpu.barrier barrier_id(%barrier3A)
    %mul3A_12 = arith.constant 10000 : i32
    %mul3A_13 = arith.muli %add3A, %mul3A_12 : i32
    %add3A_14 = arith.constant 9984 : i32
    %add3A_15 = arith.addi %mul3A_13, %add3A_14 : i32
    %add3A_16 = arith.constant 0 : i32
    %add3A_17 = arith.addi %mul3A_13, %add3A_16 : i32
    %dma_start3A = tpu.memref_slice %arg3[%add3A_17] : memref<320000xi32, #tpu.memory_space<hbm>> -> memref<128xi32, #tpu.memory_space<hbm>>
    %dma_start3A_18 = tpu.memref_slice %arg3[%add3A_17] : memref<320000xi32, #tpu.memory_space<hbm>> -> memref<128xi32, #tpu.memory_space<hbm>>
    tpu.enqueue_dma source(%dma_start3A_18 : memref<128xi32, #tpu.memory_space<hbm>>) target(%arg6 : memref<128xi32, #tpu.memory_space<vmem>>) target_semaphore(%arg9 : memref<!tpu.dma_semaphore, #tpu.memory_space<semaphore_mem>>)
    %add3A_19 = arith.constant 0 : i32
    %add3A_20 = arith.addi %mul3A_13, %add3A_19 : i32
    %dma_start3A_21 = tpu.memref_slice %arg4[%add3A_20] : memref<320000xi32, #tpu.memory_space<hbm>> -> memref<128xi32, #tpu.memory_space<hbm>>
    %dma_start3A_22 = tpu.memref_slice %arg4[%add3A_20] : memref<320000xi32, #tpu.memory_space<hbm>> -> memref<128xi32, #tpu.memory_space<hbm>>
    tpu.enqueue_dma source(%dma_start3A_22 : memref<128xi32, #tpu.memory_space<hbm>>) target(%arg7 : memref<128xi32, #tpu.memory_space<vmem>>) target_semaphore(%arg9 : memref<!tpu.dma_semaphore, #tpu.memory_space<semaphore_mem>>)
    %add3A_23 = arith.constant 128 : i32
    %add3A_24 = arith.addi %mul3A_13, %add3A_23 : i32
    %dma_start3A_25 = tpu.memref_slice %arg3[%add3A_24] : memref<320000xi32, #tpu.memory_space<hbm>> -> memref<128xi32, #tpu.memory_space<hbm>>
    %dma_start3A_26 = tpu.memref_slice %arg3[%add3A_24] : memref<320000xi32, #tpu.memory_space<hbm>> -> memref<128xi32, #tpu.memory_space<hbm>>
    tpu.enqueue_dma source(%dma_start3A_26 : memref<128xi32, #tpu.memory_space<hbm>>) target(%arg11 : memref<128xi32, #tpu.memory_space<vmem>>) target_semaphore(%arg14 : memref<!tpu.dma_semaphore, #tpu.memory_space<semaphore_mem>>)
    %add3A_27 = arith.constant 128 : i32
    %add3A_28 = arith.addi %mul3A_13, %add3A_27 : i32
    %dma_start3A_29 = tpu.memref_slice %arg4[%add3A_28] : memref<320000xi32, #tpu.memory_space<hbm>> -> memref<128xi32, #tpu.memory_space<hbm>>
    %dma_start3A_30 = tpu.memref_slice %arg4[%add3A_28] : memref<320000xi32, #tpu.memory_space<hbm>> -> memref<128xi32, #tpu.memory_space<hbm>>
    tpu.enqueue_dma source(%dma_start3A_30 : memref<128xi32, #tpu.memory_space<hbm>>) target(%arg12 : memref<128xi32, #tpu.memory_space<vmem>>) target_semaphore(%arg14 : memref<!tpu.dma_semaphore, #tpu.memory_space<semaphore_mem>>)
    %add3A_31 = arith.constant 0 : i32
    %add3A_32 = arith.addi %mul3A_13, %add3A_31 : i32
    %dma_wait3A = tpu.memref_slice %arg3[%add3A_32] : memref<320000xi32, #tpu.memory_space<hbm>> -> memref<128xi32, #tpu.memory_space<hbm>>
    %dma_wait3A_33 = tpu.memref_slice %arg3[%add3A_32] : memref<320000xi32, #tpu.memory_space<hbm>> -> memref<128xi32, #tpu.memory_space<hbm>>
    tpu.wait_dma2 semaphore(%arg9 : memref<!tpu.dma_semaphore, #tpu.memory_space<semaphore_mem>>) src(%dma_wait3A_33 : memref<128xi32, #tpu.memory_space<hbm>>) dst(%arg6 : memref<128xi32, #tpu.memory_space<vmem>>)
    %add3A_34 = arith.constant 0 : i32
    %add3A_35 = arith.addi %mul3A_13, %add3A_34 : i32
    %dma_wait3A_36 = tpu.memref_slice %arg4[%add3A_35] : memref<320000xi32, #tpu.memory_space<hbm>> -> memref<128xi32, #tpu.memory_space<hbm>>
    %dma_wait3A_37 = tpu.memref_slice %arg4[%add3A_35] : memref<320000xi32, #tpu.memory_space<hbm>> -> memref<128xi32, #tpu.memory_space<hbm>>
    tpu.wait_dma2 semaphore(%arg9 : memref<!tpu.dma_semaphore, #tpu.memory_space<semaphore_mem>>) src(%dma_wait3A_37 : memref<128xi32, #tpu.memory_space<hbm>>) dst(%arg7 : memref<128xi32, #tpu.memory_space<vmem>>)
    %dma_start3A_38 = arith.constant 0 : i32
    %dma_start3A_39 = arith.constant 0 : i32
    %dma_start3A_40 = tpu.memref_slice %arg2[%dma_start3A_38, %dma_start3A_39] : memref<10000x128xf32, #tpu.memory_space<hbm>> -> memref<10000x128xf32, #tpu.memory_space<hbm>>
    tpu.enqueue_indirect_dma source(%dma_start3A_40 : memref<10000x128xf32, #tpu.memory_space<hbm>>) target(%arg8 : memref<128x128xf32, #tpu.memory_space<vmem>>) offsets(%arg6 : memref<128xi32, #tpu.memory_space<vmem>>) semaphore(%arg10 : memref<!tpu.dma_semaphore, #tpu.memory_space<semaphore_mem>>)
    %scan3A_41 = arith.constant 0 : i32
    %scan3A_42 = arith.constant 0 : i32
    %scan3A_43 = arith.constant 38 : i32
    %scan3A_44 = arith.addi %scan3A_42, %scan3A_43 : i32
    %scan3A_45 = arith.constant 1 : i32
    scf.for %scan3A_89 = %scan3A_42 to %scan3A_44 step %scan3A_45  : i32 {
      %mul3A_90 = arith.constant 2 : i32
      %mul3A_91 = arith.muli %mul3A_90, %scan3A_89 : i32
      %add3A_92 = arith.constant 0 : i32
      %add3A_93 = arith.addi %mul3A_91, %add3A_92 : i32
      %add3A_94 = arith.constant 1 : i32
      %add3A_95 = arith.addi %add3A_93, %add3A_94 : i32
      %mul3A_96 = arith.constant 128 : i32
      %mul3A_97 = arith.muli %add3A_95, %mul3A_96 : i32
      %add3A_98 = arith.addi %mul3A_13, %mul3A_97 : i32
      %dma_wait3A_99 = tpu.memref_slice %arg3[%add3A_98] : memref<320000xi32, #tpu.memory_space<hbm>> -> memref<128xi32, #tpu.memory_space<hbm>>
      %dma_wait3A_100 = tpu.memref_slice %arg3[%add3A_98] : memref<320000xi32, #tpu.memory_space<hbm>> -> memref<128xi32, #tpu.memory_space<hbm>>
      tpu.wait_dma2 semaphore(%arg14 : memref<!tpu.dma_semaphore, #tpu.memory_space<semaphore_mem>>) src(%dma_wait3A_100 : memref<128xi32, #tpu.memory_space<hbm>>) dst(%arg11 : memref<128xi32, #tpu.memory_space<vmem>>)
      %mul3A_101 = arith.constant 128 : i32
      %mul3A_102 = arith.muli %add3A_95, %mul3A_101 : i32
      %add3A_103 = arith.addi %mul3A_13, %mul3A_102 : i32
      %dma_wait3A_104 = tpu.memref_slice %arg4[%add3A_103] : memref<320000xi32, #tpu.memory_space<hbm>> -> memref<128xi32, #tpu.memory_space<hbm>>
      %dma_wait3A_105 = tpu.memref_slice %arg4[%add3A_103] : memref<320000xi32, #tpu.memory_space<hbm>> -> memref<128xi32, #tpu.memory_space<hbm>>
      tpu.wait_dma2 semaphore(%arg14 : memref<!tpu.dma_semaphore, #tpu.memory_space<semaphore_mem>>) src(%dma_wait3A_105 : memref<128xi32, #tpu.memory_space<hbm>>) dst(%arg12 : memref<128xi32, #tpu.memory_space<vmem>>)
      %dma_start3A_106 = arith.constant 0 : i32
      %dma_start3A_107 = arith.constant 0 : i32
      %dma_start3A_108 = tpu.memref_slice %arg2[%dma_start3A_106, %dma_start3A_107] : memref<10000x128xf32, #tpu.memory_space<hbm>> -> memref<10000x128xf32, #tpu.memory_space<hbm>>
      tpu.enqueue_indirect_dma source(%dma_start3A_108 : memref<10000x128xf32, #tpu.memory_space<hbm>>) target(%arg13 : memref<128x128xf32, #tpu.memory_space<vmem>>) offsets(%arg11 : memref<128xi32, #tpu.memory_space<vmem>>) semaphore(%arg15 : memref<!tpu.dma_semaphore, #tpu.memory_space<semaphore_mem>>)
      %dma_wait3A_109 = arith.constant 0 : i32
      %dma_wait3A_110 = arith.constant 0 : i32
      %dma_wait3A_111 = tpu.memref_slice %arg2[%dma_wait3A_109, %dma_wait3A_110] : memref<10000x128xf32, #tpu.memory_space<hbm>> -> memref<10000x128xf32, #tpu.memory_space<hbm>>
      tpu.wait_indirect_dma semaphore(%arg10 : memref<!tpu.dma_semaphore, #tpu.memory_space<semaphore_mem>>) src(%dma_wait3A_111 : memref<10000x128xf32, #tpu.memory_space<hbm>>) dst(%arg8 : memref<128x128xf32, #tpu.memory_space<vmem>>)
      "tpu.region"() ({
        %run_scoped3A = tpu.sem_alloc : memref<!tpu.dma_semaphore, #tpu.memory_space<semaphore_mem>>
        %dma_start3A_148 = arith.constant 0 : i32
        %dma_start3A_149 = arith.constant 0 : i32
        %dma_start3A_150 = tpu.memref_slice %arg22[%dma_start3A_148, %dma_start3A_149] : memref<10000x128xf32, #tpu.memory_space<vmem_shared>> -> memref<10000x128xf32, #tpu.memory_space<vmem_shared>>
        tpu.enqueue_indirect_dma source(%arg8 : memref<128x128xf32, #tpu.memory_space<vmem>>) target(%dma_start3A_150 : memref<10000x128xf32, #tpu.memory_space<vmem_shared>>) offsets(%arg7 : memref<128xi32, #tpu.memory_space<vmem>>) semaphore(%run_scoped3A : memref<!tpu.dma_semaphore, #tpu.memory_space<semaphore_mem>>) {add = true}
        %dma_wait3A_151 = arith.constant 0 : i32
        %dma_wait3A_152 = arith.constant 0 : i32
        %dma_wait3A_153 = tpu.memref_slice %arg22[%dma_wait3A_151, %dma_wait3A_152] : memref<10000x128xf32, #tpu.memory_space<vmem_shared>> -> memref<10000x128xf32, #tpu.memory_space<vmem_shared>>
        tpu.wait_indirect_dma semaphore(%run_scoped3A : memref<!tpu.dma_semaphore, #tpu.memory_space<semaphore_mem>>) src(%arg8 : memref<128x128xf32, #tpu.memory_space<vmem>>) dst(%dma_wait3A_153 : memref<10000x128xf32, #tpu.memory_space<vmem_shared>>)
        tpu.yield
      }) : () -> ()
      %add3A_112 = arith.constant 2 : i32
      %add3A_113 = arith.addi %add3A_93, %add3A_112 : i32
      %lt3A_114 = arith.constant 78 : i32
      %lt3A_115 = arith.cmpi slt, %add3A_113, %lt3A_114 : i32
      %convert_element_type3A_116 = arith.extui %lt3A_115 : i1 to i32
      %cond3A_117 = arith.constant 0 : i32
      %cond3A_118 = arith.cmpi ne, %convert_element_type3A_116, %cond3A_117 : i32
      scf.if %cond3A_118 {
        %add3A_148 = arith.constant 2 : i32
        %add3A_149 = arith.addi %add3A_93, %add3A_148 : i32
        %mul3A_150 = arith.constant 128 : i32
        %mul3A_151 = arith.muli %add3A_149, %mul3A_150 : i32
        %add3A_152 = arith.addi %mul3A_13, %mul3A_151 : i32
        %dma_start3A_153 = tpu.memref_slice %arg3[%add3A_152] : memref<320000xi32, #tpu.memory_space<hbm>> -> memref<128xi32, #tpu.memory_space<hbm>>
        %dma_start3A_154 = tpu.memref_slice %arg3[%add3A_152] : memref<320000xi32, #tpu.memory_space<hbm>> -> memref<128xi32, #tpu.memory_space<hbm>>
        tpu.enqueue_dma source(%dma_start3A_154 : memref<128xi32, #tpu.memory_space<hbm>>) target(%arg6 : memref<128xi32, #tpu.memory_space<vmem>>) target_semaphore(%arg9 : memref<!tpu.dma_semaphore, #tpu.memory_space<semaphore_mem>>)
        %mul3A_155 = arith.constant 128 : i32
        %mul3A_156 = arith.muli %add3A_149, %mul3A_155 : i32
        %add3A_157 = arith.addi %mul3A_13, %mul3A_156 : i32
        %dma_start3A_158 = tpu.memref_slice %arg4[%add3A_157] : memref<320000xi32, #tpu.memory_space<hbm>> -> memref<128xi32, #tpu.memory_space<hbm>>
        %dma_start3A_159 = tpu.memref_slice %arg4[%add3A_157] : memref<320000xi32, #tpu.memory_space<hbm>> -> memref<128xi32, #tpu.memory_space<hbm>>
        tpu.enqueue_dma source(%dma_start3A_159 : memref<128xi32, #tpu.memory_space<hbm>>) target(%arg7 : memref<128xi32, #tpu.memory_space<vmem>>) target_semaphore(%arg9 : memref<!tpu.dma_semaphore, #tpu.memory_space<semaphore_mem>>)
      } else {
      }
      %mul3A_119 = arith.constant 2 : i32
      %mul3A_120 = arith.muli %mul3A_119, %scan3A_89 : i32
      %add3A_121 = arith.constant 1 : i32
      %add3A_122 = arith.addi %mul3A_120, %add3A_121 : i32
      %add3A_123 = arith.constant 1 : i32
      %add3A_124 = arith.addi %add3A_122, %add3A_123 : i32
      %mul3A_125 = arith.constant 128 : i32
      %mul3A_126 = arith.muli %add3A_124, %mul3A_125 : i32
      %add3A_127 = arith.addi %mul3A_13, %mul3A_126 : i32
      %dma_wait3A_128 = tpu.memref_slice %arg3[%add3A_127] : memref<320000xi32, #tpu.memory_space<hbm>> -> memref<128xi32, #tpu.memory_space<hbm>>
      %dma_wait3A_129 = tpu.memref_slice %arg3[%add3A_127] : memref<320000xi32, #tpu.memory_space<hbm>> -> memref<128xi32, #tpu.memory_space<hbm>>
      tpu.wait_dma2 semaphore(%arg9 : memref<!tpu.dma_semaphore, #tpu.memory_space<semaphore_mem>>) src(%dma_wait3A_129 : memref<128xi32, #tpu.memory_space<hbm>>) dst(%arg6 : memref<128xi32, #tpu.memory_space<vmem>>)
      %mul3A_130 = arith.constant 128 : i32
      %mul3A_131 = arith.muli %add3A_124, %mul3A_130 : i32
      %add3A_132 = arith.addi %mul3A_13, %mul3A_131 : i32
      %dma_wait3A_133 = tpu.memref_slice %arg4[%add3A_132] : memref<320000xi32, #tpu.memory_space<hbm>> -> memref<128xi32, #tpu.memory_space<hbm>>
      %dma_wait3A_134 = tpu.memref_slice %arg4[%add3A_132] : memref<320000xi32, #tpu.memory_space<hbm>> -> memref<128xi32, #tpu.memory_space<hbm>>
      tpu.wait_dma2 semaphore(%arg9 : memref<!tpu.dma_semaphore, #tpu.memory_space<semaphore_mem>>) src(%dma_wait3A_134 : memref<128xi32, #tpu.memory_space<hbm>>) dst(%arg7 : memref<128xi32, #tpu.memory_space<vmem>>)
      %dma_start3A_135 = arith.constant 0 : i32
      %dma_start3A_136 = arith.constant 0 : i32
      %dma_start3A_137 = tpu.memref_slice %arg2[%dma_start3A_135, %dma_start3A_136] : memref<10000x128xf32, #tpu.memory_space<hbm>> -> memref<10000x128xf32, #tpu.memory_space<hbm>>
      tpu.enqueue_indirect_dma source(%dma_start3A_137 : memref<10000x128xf32, #tpu.memory_space<hbm>>) target(%arg8 : memref<128x128xf32, #tpu.memory_space<vmem>>) offsets(%arg6 : memref<128xi32, #tpu.memory_space<vmem>>) semaphore(%arg10 : memref<!tpu.dma_semaphore, #tpu.memory_space<semaphore_mem>>)
      %dma_wait3A_138 = arith.constant 0 : i32
      %dma_wait3A_139 = arith.constant 0 : i32
      %dma_wait3A_140 = tpu.memref_slice %arg2[%dma_wait3A_138, %dma_wait3A_139] : memref<10000x128xf32, #tpu.memory_space<hbm>> -> memref<10000x128xf32, #tpu.memory_space<hbm>>
      tpu.wait_indirect_dma semaphore(%arg15 : memref<!tpu.dma_semaphore, #tpu.memory_space<semaphore_mem>>) src(%dma_wait3A_140 : memref<10000x128xf32, #tpu.memory_space<hbm>>) dst(%arg13 : memref<128x128xf32, #tpu.memory_space<vmem>>)
      "tpu.region"() ({
        %run_scoped3A = tpu.sem_alloc : memref<!tpu.dma_semaphore, #tpu.memory_space<semaphore_mem>>
        %dma_start3A_148 = arith.constant 0 : i32
        %dma_start3A_149 = arith.constant 0 : i32
        %dma_start3A_150 = tpu.memref_slice %arg22[%dma_start3A_148, %dma_start3A_149] : memref<10000x128xf32, #tpu.memory_space<vmem_shared>> -> memref<10000x128xf32, #tpu.memory_space<vmem_shared>>
        tpu.enqueue_indirect_dma source(%arg13 : memref<128x128xf32, #tpu.memory_space<vmem>>) target(%dma_start3A_150 : memref<10000x128xf32, #tpu.memory_space<vmem_shared>>) offsets(%arg12 : memref<128xi32, #tpu.memory_space<vmem>>) semaphore(%run_scoped3A : memref<!tpu.dma_semaphore, #tpu.memory_space<semaphore_mem>>) {add = true}
        %dma_wait3A_151 = arith.constant 0 : i32
        %dma_wait3A_152 = arith.constant 0 : i32
        %dma_wait3A_153 = tpu.memref_slice %arg22[%dma_wait3A_151, %dma_wait3A_152] : memref<10000x128xf32, #tpu.memory_space<vmem_shared>> -> memref<10000x128xf32, #tpu.memory_space<vmem_shared>>
        tpu.wait_indirect_dma semaphore(%run_scoped3A : memref<!tpu.dma_semaphore, #tpu.memory_space<semaphore_mem>>) src(%arg13 : memref<128x128xf32, #tpu.memory_space<vmem>>) dst(%dma_wait3A_153 : memref<10000x128xf32, #tpu.memory_space<vmem_shared>>)
        tpu.yield
      }) : () -> ()
      %add3A_141 = arith.constant 2 : i32
      %add3A_142 = arith.addi %add3A_122, %add3A_141 : i32
      %lt3A_143 = arith.constant 78 : i32
      %lt3A_144 = arith.cmpi slt, %add3A_142, %lt3A_143 : i32
      %convert_element_type3A_145 = arith.extui %lt3A_144 : i1 to i32
      %cond3A_146 = arith.constant 0 : i32
      %cond3A_147 = arith.cmpi ne, %convert_element_type3A_145, %cond3A_146 : i32
      scf.if %cond3A_147 {
        %add3A_148 = arith.constant 2 : i32
        %add3A_149 = arith.addi %add3A_122, %add3A_148 : i32
        %mul3A_150 = arith.constant 128 : i32
        %mul3A_151 = arith.muli %add3A_149, %mul3A_150 : i32
        %add3A_152 = arith.addi %mul3A_13, %mul3A_151 : i32
        %dma_start3A_153 = tpu.memref_slice %arg3[%add3A_152] : memref<320000xi32, #tpu.memory_space<hbm>> -> memref<128xi32, #tpu.memory_space<hbm>>
        %dma_start3A_154 = tpu.memref_slice %arg3[%add3A_152] : memref<320000xi32, #tpu.memory_space<hbm>> -> memref<128xi32, #tpu.memory_space<hbm>>
        tpu.enqueue_dma source(%dma_start3A_154 : memref<128xi32, #tpu.memory_space<hbm>>) target(%arg11 : memref<128xi32, #tpu.memory_space<vmem>>) target_semaphore(%arg14 : memref<!tpu.dma_semaphore, #tpu.memory_space<semaphore_mem>>)
        %mul3A_155 = arith.constant 128 : i32
        %mul3A_156 = arith.muli %add3A_149, %mul3A_155 : i32
        %add3A_157 = arith.addi %mul3A_13, %mul3A_156 : i32
        %dma_start3A_158 = tpu.memref_slice %arg4[%add3A_157] : memref<320000xi32, #tpu.memory_space<hbm>> -> memref<128xi32, #tpu.memory_space<hbm>>
        %dma_start3A_159 = tpu.memref_slice %arg4[%add3A_157] : memref<320000xi32, #tpu.memory_space<hbm>> -> memref<128xi32, #tpu.memory_space<hbm>>
        tpu.enqueue_dma source(%dma_start3A_159 : memref<128xi32, #tpu.memory_space<hbm>>) target(%arg12 : memref<128xi32, #tpu.memory_space<vmem>>) target_semaphore(%arg14 : memref<!tpu.dma_semaphore, #tpu.memory_space<semaphore_mem>>)
      } else {
      }
    }
    %scan3A_46 = arith.constant 38 : i32
    %dma_start3A_47 = tpu.memref_slice %arg3[%add3A_15] : memref<320000xi32, #tpu.memory_space<hbm>> -> memref<16xi32, #tpu.memory_space<hbm>>
    %dma_start3A_48 = tpu.memref_slice %arg3[%add3A_15] : memref<320000xi32, #tpu.memory_space<hbm>> -> memref<16xi32, #tpu.memory_space<hbm>>
    tpu.enqueue_dma source(%dma_start3A_48 : memref<16xi32, #tpu.memory_space<hbm>>) target(%arg16 : memref<16xi32, #tpu.memory_space<vmem>>) target_semaphore(%arg19 : memref<!tpu.dma_semaphore, #tpu.memory_space<semaphore_mem>>)
    %dma_start3A_49 = tpu.memref_slice %arg4[%add3A_15] : memref<320000xi32, #tpu.memory_space<hbm>> -> memref<16xi32, #tpu.memory_space<hbm>>
    %dma_start3A_50 = tpu.memref_slice %arg4[%add3A_15] : memref<320000xi32, #tpu.memory_space<hbm>> -> memref<16xi32, #tpu.memory_space<hbm>>
    tpu.enqueue_dma source(%dma_start3A_50 : memref<16xi32, #tpu.memory_space<hbm>>) target(%arg17 : memref<16xi32, #tpu.memory_space<vmem>>) target_semaphore(%arg19 : memref<!tpu.dma_semaphore, #tpu.memory_space<semaphore_mem>>)
    %add3A_51 = arith.constant 9856 : i32
    %add3A_52 = arith.addi %mul3A_13, %add3A_51 : i32
    %dma_wait3A_53 = tpu.memref_slice %arg3[%add3A_52] : memref<320000xi32, #tpu.memory_space<hbm>> -> memref<128xi32, #tpu.memory_space<hbm>>
    %dma_wait3A_54 = tpu.memref_slice %arg3[%add3A_52] : memref<320000xi32, #tpu.memory_space<hbm>> -> memref<128xi32, #tpu.memory_space<hbm>>
    tpu.wait_dma2 semaphore(%arg14 : memref<!tpu.dma_semaphore, #tpu.memory_space<semaphore_mem>>) src(%dma_wait3A_54 : memref<128xi32, #tpu.memory_space<hbm>>) dst(%arg11 : memref<128xi32, #tpu.memory_space<vmem>>)
    %add3A_55 = arith.constant 9856 : i32
    %add3A_56 = arith.addi %mul3A_13, %add3A_55 : i32
    %dma_wait3A_57 = tpu.memref_slice %arg4[%add3A_56] : memref<320000xi32, #tpu.memory_space<hbm>> -> memref<128xi32, #tpu.memory_space<hbm>>
    %dma_wait3A_58 = tpu.memref_slice %arg4[%add3A_56] : memref<320000xi32, #tpu.memory_space<hbm>> -> memref<128xi32, #tpu.memory_space<hbm>>
    tpu.wait_dma2 semaphore(%arg14 : memref<!tpu.dma_semaphore, #tpu.memory_space<semaphore_mem>>) src(%dma_wait3A_58 : memref<128xi32, #tpu.memory_space<hbm>>) dst(%arg12 : memref<128xi32, #tpu.memory_space<vmem>>)
    %dma_start3A_59 = arith.constant 0 : i32
    %dma_start3A_60 = arith.constant 0 : i32
    %dma_start3A_61 = tpu.memref_slice %arg2[%dma_start3A_59, %dma_start3A_60] : memref<10000x128xf32, #tpu.memory_space<hbm>> -> memref<10000x128xf32, #tpu.memory_space<hbm>>
    tpu.enqueue_indirect_dma source(%dma_start3A_61 : memref<10000x128xf32, #tpu.memory_space<hbm>>) target(%arg13 : memref<128x128xf32, #tpu.memory_space<vmem>>) offsets(%arg11 : memref<128xi32, #tpu.memory_space<vmem>>) semaphore(%arg15 : memref<!tpu.dma_semaphore, #tpu.memory_space<semaphore_mem>>)
    %dma_wait3A_62 = arith.constant 0 : i32
    %dma_wait3A_63 = arith.constant 0 : i32
    %dma_wait3A_64 = tpu.memref_slice %arg2[%dma_wait3A_62, %dma_wait3A_63] : memref<10000x128xf32, #tpu.memory_space<hbm>> -> memref<10000x128xf32, #tpu.memory_space<hbm>>
    tpu.wait_indirect_dma semaphore(%arg10 : memref<!tpu.dma_semaphore, #tpu.memory_space<semaphore_mem>>) src(%dma_wait3A_64 : memref<10000x128xf32, #tpu.memory_space<hbm>>) dst(%arg8 : memref<128x128xf32, #tpu.memory_space<vmem>>)
    "tpu.region"() ({
      %run_scoped3A = tpu.sem_alloc : memref<!tpu.dma_semaphore, #tpu.memory_space<semaphore_mem>>
      %dma_start3A_89 = arith.constant 0 : i32
      %dma_start3A_90 = arith.constant 0 : i32
      %dma_start3A_91 = tpu.memref_slice %arg22[%dma_start3A_89, %dma_start3A_90] : memref<10000x128xf32, #tpu.memory_space<vmem_shared>> -> memref<10000x128xf32, #tpu.memory_space<vmem_shared>>
      tpu.enqueue_indirect_dma source(%arg8 : memref<128x128xf32, #tpu.memory_space<vmem>>) target(%dma_start3A_91 : memref<10000x128xf32, #tpu.memory_space<vmem_shared>>) offsets(%arg7 : memref<128xi32, #tpu.memory_space<vmem>>) semaphore(%run_scoped3A : memref<!tpu.dma_semaphore, #tpu.memory_space<semaphore_mem>>) {add = true}
      %dma_wait3A_92 = arith.constant 0 : i32
      %dma_wait3A_93 = arith.constant 0 : i32
      %dma_wait3A_94 = tpu.memref_slice %arg22[%dma_wait3A_92, %dma_wait3A_93] : memref<10000x128xf32, #tpu.memory_space<vmem_shared>> -> memref<10000x128xf32, #tpu.memory_space<vmem_shared>>
      tpu.wait_indirect_dma semaphore(%run_scoped3A : memref<!tpu.dma_semaphore, #tpu.memory_space<semaphore_mem>>) src(%arg8 : memref<128x128xf32, #tpu.memory_space<vmem>>) dst(%dma_wait3A_94 : memref<10000x128xf32, #tpu.memory_space<vmem_shared>>)
      tpu.yield
    }) : () -> ()
    %dma_wait3A_65 = tpu.memref_slice %arg3[%add3A_15] : memref<320000xi32, #tpu.memory_space<hbm>> -> memref<16xi32, #tpu.memory_space<hbm>>
    %dma_wait3A_66 = tpu.memref_slice %arg3[%add3A_15] : memref<320000xi32, #tpu.memory_space<hbm>> -> memref<16xi32, #tpu.memory_space<hbm>>
    tpu.wait_dma2 semaphore(%arg19 : memref<!tpu.dma_semaphore, #tpu.memory_space<semaphore_mem>>) src(%dma_wait3A_66 : memref<16xi32, #tpu.memory_space<hbm>>) dst(%arg16 : memref<16xi32, #tpu.memory_space<vmem>>)
    %dma_wait3A_67 = tpu.memref_slice %arg4[%add3A_15] : memref<320000xi32, #tpu.memory_space<hbm>> -> memref<16xi32, #tpu.memory_space<hbm>>
    %dma_wait3A_68 = tpu.memref_slice %arg4[%add3A_15] : memref<320000xi32, #tpu.memory_space<hbm>> -> memref<16xi32, #tpu.memory_space<hbm>>
    tpu.wait_dma2 semaphore(%arg19 : memref<!tpu.dma_semaphore, #tpu.memory_space<semaphore_mem>>) src(%dma_wait3A_68 : memref<16xi32, #tpu.memory_space<hbm>>) dst(%arg17 : memref<16xi32, #tpu.memory_space<vmem>>)
    %dma_start3A_69 = arith.constant 0 : i32
    %dma_start3A_70 = arith.constant 0 : i32
    %dma_start3A_71 = tpu.memref_slice %arg2[%dma_start3A_69, %dma_start3A_70] : memref<10000x128xf32, #tpu.memory_space<hbm>> -> memref<10000x128xf32, #tpu.memory_space<hbm>>
    tpu.enqueue_indirect_dma source(%dma_start3A_71 : memref<10000x128xf32, #tpu.memory_space<hbm>>) target(%arg18 : memref<16x128xf32, #tpu.memory_space<vmem>>) offsets(%arg16 : memref<16xi32, #tpu.memory_space<vmem>>) semaphore(%arg20 : memref<!tpu.dma_semaphore, #tpu.memory_space<semaphore_mem>>)
    %dma_wait3A_72 = arith.constant 0 : i32
    %dma_wait3A_73 = arith.constant 0 : i32
    %dma_wait3A_74 = tpu.memref_slice %arg2[%dma_wait3A_72, %dma_wait3A_73] : memref<10000x128xf32, #tpu.memory_space<hbm>> -> memref<10000x128xf32, #tpu.memory_space<hbm>>
    tpu.wait_indirect_dma semaphore(%arg15 : memref<!tpu.dma_semaphore, #tpu.memory_space<semaphore_mem>>) src(%dma_wait3A_74 : memref<10000x128xf32, #tpu.memory_space<hbm>>) dst(%arg13 : memref<128x128xf32, #tpu.memory_space<vmem>>)
    "tpu.region"() ({
      %run_scoped3A = tpu.sem_alloc : memref<!tpu.dma_semaphore, #tpu.memory_space<semaphore_mem>>
      %dma_start3A_89 = arith.constant 0 : i32
      %dma_start3A_90 = arith.constant 0 : i32
      %dma_start3A_91 = tpu.memref_slice %arg22[%dma_start3A_89, %dma_start3A_90] : memref<10000x128xf32, #tpu.memory_space<vmem_shared>> -> memref<10000x128xf32, #tpu.memory_space<vmem_shared>>
      tpu.enqueue_indirect_dma source(%arg13 : memref<128x128xf32, #tpu.memory_space<vmem>>) target(%dma_start3A_91 : memref<10000x128xf32, #tpu.memory_space<vmem_shared>>) offsets(%arg12 : memref<128xi32, #tpu.memory_space<vmem>>) semaphore(%run_scoped3A : memref<!tpu.dma_semaphore, #tpu.memory_space<semaphore_mem>>) {add = true}
      %dma_wait3A_92 = arith.constant 0 : i32
      %dma_wait3A_93 = arith.constant 0 : i32
      %dma_wait3A_94 = tpu.memref_slice %arg22[%dma_wait3A_92, %dma_wait3A_93] : memref<10000x128xf32, #tpu.memory_space<vmem_shared>> -> memref<10000x128xf32, #tpu.memory_space<vmem_shared>>
      tpu.wait_indirect_dma semaphore(%run_scoped3A : memref<!tpu.dma_semaphore, #tpu.memory_space<semaphore_mem>>) src(%arg13 : memref<128x128xf32, #tpu.memory_space<vmem>>) dst(%dma_wait3A_94 : memref<10000x128xf32, #tpu.memory_space<vmem_shared>>)
      tpu.yield
    }) : () -> ()
    %dma_wait3A_75 = arith.constant 0 : i32
    %dma_wait3A_76 = arith.constant 0 : i32
    %dma_wait3A_77 = tpu.memref_slice %arg2[%dma_wait3A_75, %dma_wait3A_76] : memref<10000x128xf32, #tpu.memory_space<hbm>> -> memref<10000x128xf32, #tpu.memory_space<hbm>>
    tpu.wait_indirect_dma semaphore(%arg20 : memref<!tpu.dma_semaphore, #tpu.memory_space<semaphore_mem>>) src(%dma_wait3A_77 : memref<10000x128xf32, #tpu.memory_space<hbm>>) dst(%arg18 : memref<16x128xf32, #tpu.memory_space<vmem>>)
    "tpu.region"() ({
      %run_scoped3A = tpu.sem_alloc : memref<!tpu.dma_semaphore, #tpu.memory_space<semaphore_mem>>
      %dma_start3A_89 = arith.constant 0 : i32
      %dma_start3A_90 = arith.constant 0 : i32
      %dma_start3A_91 = tpu.memref_slice %arg22[%dma_start3A_89, %dma_start3A_90] : memref<10000x128xf32, #tpu.memory_space<vmem_shared>> -> memref<10000x128xf32, #tpu.memory_space<vmem_shared>>
      tpu.enqueue_indirect_dma source(%arg18 : memref<16x128xf32, #tpu.memory_space<vmem>>) target(%dma_start3A_91 : memref<10000x128xf32, #tpu.memory_space<vmem_shared>>) offsets(%arg17 : memref<16xi32, #tpu.memory_space<vmem>>) semaphore(%run_scoped3A : memref<!tpu.dma_semaphore, #tpu.memory_space<semaphore_mem>>) {add = true}
      %dma_wait3A_92 = arith.constant 0 : i32
      %dma_wait3A_93 = arith.constant 0 : i32
      %dma_wait3A_94 = tpu.memref_slice %arg22[%dma_wait3A_92, %dma_wait3A_93] : memref<10000x128xf32, #tpu.memory_space<vmem_shared>> -> memref<10000x128xf32, #tpu.memory_space<vmem_shared>>
      tpu.wait_indirect_dma semaphore(%run_scoped3A : memref<!tpu.dma_semaphore, #tpu.memory_space<semaphore_mem>>) src(%arg18 : memref<16x128xf32, #tpu.memory_space<vmem>>) dst(%dma_wait3A_94 : memref<10000x128xf32, #tpu.memory_space<vmem_shared>>)
      tpu.yield
    }) : () -> ()
    %barrier3A_78 = arith.constant 0 : index
    tpu.barrier barrier_id(%barrier3A_78)
    %lt3A_79 = arith.constant 15 : i32
    %lt3A_80 = arith.cmpi slt, %arg1, %lt3A_79 : i32
    %convert_element_type3A_81 = arith.extui %lt3A_80 : i1 to i32
    %cond3A_82 = arith.constant 0 : i32
    %cond3A_83 = arith.cmpi ne, %convert_element_type3A_81, %cond3A_82 : i32
    scf.if %cond3A_83 {
      %mul3A_89 = arith.constant 640 : i32
      %mul3A_90 = arith.muli %arg1, %mul3A_89 : i32
      %mul3A_91 = arith.constant 640 : i32
      %mul3A_92 = arith.muli %arg1, %mul3A_91 : i32
      "tpu.region"() ({
        %run_scoped3A = tpu.sem_alloc : memref<!tpu.dma_semaphore, #tpu.memory_space<semaphore_mem>>
        %dma_start3A_93 = arith.constant 0 : i32
        %dma_start3A_94 = tpu.memref_slice %arg5[%arg0, %mul3A_92, %dma_start3A_93] : memref<2x10000x128xf32, #tpu.memory_space<hbm>> -> memref<1x640x128xf32, #tpu.memory_space<hbm>>
        %dma_start3A_95 = tpu.memref_squeeze %dma_start3A_94 : memref<1x640x128xf32, #tpu.memory_space<hbm>> -> memref<640x128xf32, #tpu.memory_space<hbm>>
        %dma_start3A_96 = arith.constant 0 : i32
        %dma_start3A_97 = tpu.memref_slice %arg22[%mul3A_90, %dma_start3A_96] : memref<10000x128xf32, #tpu.memory_space<vmem_shared>> -> memref<640x128xf32, #tpu.memory_space<vmem_shared>>
        tpu.enqueue_dma source(%dma_start3A_97 : memref<640x128xf32, #tpu.memory_space<vmem_shared>>) target(%dma_start3A_95 : memref<640x128xf32, #tpu.memory_space<hbm>>) target_semaphore(%run_scoped3A : memref<!tpu.dma_semaphore, #tpu.memory_space<semaphore_mem>>)
        %dma_wait3A_98 = arith.constant 0 : i32
        %dma_wait3A_99 = tpu.memref_slice %arg5[%arg0, %mul3A_92, %dma_wait3A_98] : memref<2x10000x128xf32, #tpu.memory_space<hbm>> -> memref<1x640x128xf32, #tpu.memory_space<hbm>>
        %dma_wait3A_100 = tpu.memref_squeeze %dma_wait3A_99 : memref<1x640x128xf32, #tpu.memory_space<hbm>> -> memref<640x128xf32, #tpu.memory_space<hbm>>
        %dma_wait3A_101 = arith.constant 0 : i32
        %dma_wait3A_102 = tpu.memref_slice %arg22[%mul3A_90, %dma_wait3A_101] : memref<10000x128xf32, #tpu.memory_space<vmem_shared>> -> memref<640x128xf32, #tpu.memory_space<vmem_shared>>
        tpu.wait_dma2 semaphore(%run_scoped3A : memref<!tpu.dma_semaphore, #tpu.memory_space<semaphore_mem>>) src(%dma_wait3A_102 : memref<640x128xf32, #tpu.memory_space<vmem_shared>>) dst(%dma_wait3A_100 : memref<640x128xf32, #tpu.memory_space<hbm>>)
        tpu.yield
      }) : () -> ()
    } else {
    }
    %eq3A_84 = arith.constant 15 : i32
    %eq3A_85 = arith.cmpi eq, %arg1, %eq3A_84 : i32
    %convert_element_type3A_86 = arith.extui %eq3A_85 : i1 to i32
    %cond3A_87 = arith.constant 0 : i32
    %cond3A_88 = arith.cmpi ne, %convert_element_type3A_86, %cond3A_87 : i32
    scf.if %cond3A_88 {
      "tpu.region"() ({
        %run_scoped3A = tpu.sem_alloc : memref<!tpu.dma_semaphore, #tpu.memory_space<semaphore_mem>>
        %dma_start3A_89 = arith.constant 9600 : i32
        %dma_start3A_90 = arith.constant 0 : i32
        %dma_start3A_91 = tpu.memref_slice %arg5[%arg0, %dma_start3A_89, %dma_start3A_90] : memref<2x10000x128xf32, #tpu.memory_space<hbm>> -> memref<1x400x128xf32, #tpu.memory_space<hbm>>
        %dma_start3A_92 = tpu.memref_squeeze %dma_start3A_91 : memref<1x400x128xf32, #tpu.memory_space<hbm>> -> memref<400x128xf32, #tpu.memory_space<hbm>>
        %dma_start3A_93 = arith.constant 9600 : i32
        %dma_start3A_94 = arith.constant 0 : i32
        %dma_start3A_95 = tpu.memref_slice %arg22[%dma_start3A_93, %dma_start3A_94] : memref<10000x128xf32, #tpu.memory_space<vmem_shared>> -> memref<400x128xf32, #tpu.memory_space<vmem_shared>>
        tpu.enqueue_dma source(%dma_start3A_95 : memref<400x128xf32, #tpu.memory_space<vmem_shared>>) target(%dma_start3A_92 : memref<400x128xf32, #tpu.memory_space<hbm>>) target_semaphore(%run_scoped3A : memref<!tpu.dma_semaphore, #tpu.memory_space<semaphore_mem>>)
        %dma_wait3A_96 = arith.constant 9600 : i32
        %dma_wait3A_97 = arith.constant 0 : i32
        %dma_wait3A_98 = tpu.memref_slice %arg5[%arg0, %dma_wait3A_96, %dma_wait3A_97] : memref<2x10000x128xf32, #tpu.memory_space<hbm>> -> memref<1x400x128xf32, #tpu.memory_space<hbm>>
        %dma_wait3A_99 = tpu.memref_squeeze %dma_wait3A_98 : memref<1x400x128xf32, #tpu.memory_space<hbm>> -> memref<400x128xf32, #tpu.memory_space<hbm>>
        %dma_wait3A_100 = arith.constant 9600 : i32
        %dma_wait3A_101 = arith.constant 0 : i32
        %dma_wait3A_102 = tpu.memref_slice %arg22[%dma_wait3A_100, %dma_wait3A_101] : memref<10000x128xf32, #tpu.memory_space<vmem_shared>> -> memref<400x128xf32, #tpu.memory_space<vmem_shared>>
        tpu.wait_dma2 semaphore(%run_scoped3A : memref<!tpu.dma_semaphore, #tpu.memory_space<semaphore_mem>>) src(%dma_wait3A_102 : memref<400x128xf32, #tpu.memory_space<vmem_shared>>) dst(%dma_wait3A_99 : memref<400x128xf32, #tpu.memory_space<hbm>>)
        tpu.yield
      }) : () -> ()
    } else {
    }
    return
  }
}

module attributes {stable_mosaic.version = 14 : i64} {
  func.func @_tc_scale_body(%arg0: i32, %arg1: memref<1000x128xf32, #tpu.memory_space<vmem>>, %arg2: memref<1000x32xf32, #tpu.memory_space<vmem>>, %arg3: memref<1000x128xf32, #tpu.memory_space<vmem>>, %arg4: memref<1000x1xf32, #tpu.memory_space<vmem>>) attributes {dimension_semantics = [#tpu.dimension_semantics<arbitrary>], iteration_bounds = array<i64: 10>, scalar_prefetch = 0 : i64, scratch_operands = 0 : i64, tpu.core_type = #tpu.core_type<tc>, window_params = [{transform_indices = @transform_0, window_bounds = array<i64: 1000, 128>}, {transform_indices = @transform_1, window_bounds = array<i64: 1000, 32>}, {transform_indices = @transform_2, window_bounds = array<i64: 1000, 128>}, {transform_indices = @transform_3, window_bounds = array<i64: 1000, 1>}]} {
    %get3A = arith.constant 0 : index
    %get3A_0 = arith.constant 0 : index
    %get3A_1 = vector.load %arg2[%get3A, %get3A_0] : memref<1000x32xf32, #tpu.memory_space<vmem>>, vector<1000x32xf32>
    %reduce_sum3A = arith.constant dense<0.000000e+00> : vector<1000xf32>
    %reduce_sum3A_2 = vector.multi_reduction <add>, %get3A_1, %reduce_sum3A [1] : vector<1000x32xf32> to vector<1000xf32>
    %broadcast_in_dim3A = vector.shape_cast %reduce_sum3A_2 : vector<1000xf32> to vector<1000x1xf32>
    %add3A = arith.constant 1.000000e+00 : f32
    %add3A_3 = vector.broadcast %add3A : f32 to vector<1000x1xf32>
    %add3A_4 = arith.addf %add3A_3, %broadcast_in_dim3A : vector<1000x1xf32>
    %max3A = arith.constant 9.99999996E-13 : f32
    %max3A_5 = vector.broadcast %max3A : f32 to vector<1000x1xf32>
    %max3A_6 = arith.maximumf %add3A_4, %max3A_5 : vector<1000x1xf32>
    %rsqrt3A = math.rsqrt %max3A_6 : vector<1000x1xf32>
    %get3A_7 = arith.constant 0 : index
    %get3A_8 = arith.constant 0 : index
    %get3A_9 = vector.load %arg1[%get3A_7, %get3A_8] : memref<1000x128xf32, #tpu.memory_space<vmem>>, vector<1000x128xf32>
    %mul3A = vector.broadcast %rsqrt3A : vector<1000x1xf32> to vector<1000x128xf32>
    %mul3A_10 = arith.mulf %get3A_9, %mul3A : vector<1000x128xf32>
    %swap3A = arith.constant 0 : index
    %swap3A_11 = arith.constant 0 : index
    %swap3A_12 = vector.load %arg3[%swap3A, %swap3A_11] : memref<1000x128xf32, #tpu.memory_space<vmem>>, vector<1000x128xf32>
    tpu.vector_store %arg3[%swap3A, %swap3A_11], %mul3A_10 {strides = array<i32>} : memref<1000x128xf32, #tpu.memory_space<vmem>>, vector<1000x128xf32>,
    %swap3A_13 = arith.constant 0 : index
    %swap3A_14 = arith.constant 0 : index
    %swap3A_15 = vector.load %arg4[%swap3A_13, %swap3A_14] : memref<1000x1xf32, #tpu.memory_space<vmem>>, vector<1000x1xf32>
    tpu.vector_store %arg4[%swap3A_13, %swap3A_14], %rsqrt3A {strides = array<i32>} : memref<1000x1xf32, #tpu.memory_space<vmem>>, vector<1000x1xf32>,
    return
  }
  func.func @transform_0(%arg0: i32) -> (i32, i32) {
    %c0_i32 = arith.constant 0 : i32
    %c0_i32_0 = arith.constant 0 : i32
    return %arg0, %c0_i32 : i32, i32
  }
  func.func @transform_1(%arg0: i32) -> (i32, i32) {
    %c0_i32 = arith.constant 0 : i32
    %c0_i32_0 = arith.constant 0 : i32
    return %arg0, %c0_i32 : i32, i32
  }
  func.func @transform_2(%arg0: i32) -> (i32, i32) {
    %c0_i32 = arith.constant 0 : i32
    %c0_i32_0 = arith.constant 0 : i32
    return %arg0, %c0_i32 : i32, i32
  }
  func.func @transform_3(%arg0: i32) -> (i32, i32) {
    %c0_i32 = arith.constant 0 : i32
    %c0_i32_0 = arith.constant 0 : i32
    return %arg0, %c0_i32 : i32, i32
  }
}

module attributes {stable_mosaic.version = 14 : i64} {
  func.func @_tc_mm_body(%arg0: i32, %arg1: memref<1000x128xf32, #tpu.memory_space<vmem>>, %arg2: memref<128x128xf32, #tpu.memory_space<vmem>>, %arg3: memref<1000x128xf32, #tpu.memory_space<vmem>>) attributes {dimension_semantics = [#tpu.dimension_semantics<arbitrary>], iteration_bounds = array<i64: 10>, scalar_prefetch = 0 : i64, scratch_operands = 0 : i64, tpu.core_type = #tpu.core_type<tc>, window_params = [{transform_indices = @transform_0, window_bounds = array<i64: 1000, 128>}, {pipeline_mode = #tpu.pipeline_mode<synchronous>, transform_indices = @transform_1, window_bounds = array<i64: 128, 128>}, {transform_indices = @transform_2, window_bounds = array<i64: 1000, 128>}]} {
    %get3A = arith.constant 0 : index
    %get3A_0 = arith.constant 0 : index
    %get3A_1 = vector.load %arg1[%get3A, %get3A_0] : memref<1000x128xf32, #tpu.memory_space<vmem>>, vector<1000x128xf32>
    %get3A_2 = arith.constant 0 : index
    %get3A_3 = arith.constant 0 : index
    %get3A_4 = vector.load %arg2[%get3A_2, %get3A_3] : memref<128x128xf32, #tpu.memory_space<vmem>>, vector<128x128xf32>
    %dot_general3A = arith.constant dense<0.000000e+00> : vector<1000x128xf32>
    %dot_general3A_5 = tpu.matmul %get3A_1, %get3A_4, %dot_general3A {dimension_numbers = #tpu.dot_dimension_numbers<[1], [0], [0], [1], [0, 0, 1, 1], [], []>, transpose_lhs_hint = false} : vector<1000x128xf32>, vector<128x128xf32>, vector<1000x128xf32> -> vector<1000x128xf32>
    %swap3A = arith.constant 0 : index
    %swap3A_6 = arith.constant 0 : index
    %swap3A_7 = vector.load %arg3[%swap3A, %swap3A_6] : memref<1000x128xf32, #tpu.memory_space<vmem>>, vector<1000x128xf32>
    tpu.vector_store %arg3[%swap3A, %swap3A_6], %dot_general3A_5 {strides = array<i32>} : memref<1000x128xf32, #tpu.memory_space<vmem>>, vector<1000x128xf32>,
    return
  }
  func.func @transform_0(%arg0: i32) -> (i32, i32) {
    %c0_i32 = arith.constant 0 : i32
    %c0_i32_0 = arith.constant 0 : i32
    return %arg0, %c0_i32 : i32, i32
  }
  func.func @transform_1(%arg0: i32) -> (i32, i32) {
    %c0_i32 = arith.constant 0 : i32
    %c0_i32_0 = arith.constant 0 : i32
    %c0_i32_1 = arith.constant 0 : i32
    return %c0_i32, %c0_i32_0 : i32, i32
  }
  func.func @transform_2(%arg0: i32) -> (i32, i32) {
    %c0_i32 = arith.constant 0 : i32
    %c0_i32_0 = arith.constant 0 : i32
    return %arg0, %c0_i32 : i32, i32
  }
}

module attributes {stable_mosaic.version = 14 : i64} {
  func.func @_tc_mid_body(%arg0: i32, %arg1: memref<2x1000x128xf32, #tpu.memory_space<vmem>>, %arg2: memref<1000x128xf32, #tpu.memory_space<vmem>>, %arg3: memref<1000x1xf32, #tpu.memory_space<vmem>>, %arg4: memref<1x128xf32, #tpu.memory_space<vmem>>, %arg5: memref<128x128xf32, #tpu.memory_space<vmem>>, %arg6: memref<1000x128xf32, #tpu.memory_space<vmem>>) attributes {dimension_semantics = [#tpu.dimension_semantics<arbitrary>], iteration_bounds = array<i64: 10>, scalar_prefetch = 0 : i64, scratch_operands = 0 : i64, tpu.core_type = #tpu.core_type<tc>, window_params = [{transform_indices = @transform_0, window_bounds = array<i64: 2, 1000, 128>}, {transform_indices = @transform_1, window_bounds = array<i64: 1000, 128>}, {transform_indices = @transform_2, window_bounds = array<i64: 1000, 1>}, {pipeline_mode = #tpu.pipeline_mode<synchronous>, transform_indices = @transform_3, window_bounds = array<i64: 1, 128>}, {pipeline_mode = #tpu.pipeline_mode<synchronous>, transform_indices = @transform_4, window_bounds = array<i64: 128, 128>}, {transform_indices = @transform_5, window_bounds = array<i64: 1000, 128>}]} {
    %get3A = arith.constant 0 : index
    %get3A_0 = arith.constant 0 : index
    %get3A_1 = arith.constant 0 : index
    %get3A_2 = vector.load %arg1[%get3A, %get3A_0, %get3A_1] : memref<2x1000x128xf32, #tpu.memory_space<vmem>>, vector<1x1000x128xf32>
    %get3A_3 = vector.shape_cast %get3A_2 : vector<1x1000x128xf32> to vector<1000x128xf32>
    %get3A_4 = arith.constant 1 : index
    %get3A_5 = arith.constant 0 : index
    %get3A_6 = arith.constant 0 : index
    %get3A_7 = vector.load %arg1[%get3A_4, %get3A_5, %get3A_6] : memref<2x1000x128xf32, #tpu.memory_space<vmem>>, vector<1x1000x128xf32>
    %get3A_8 = vector.shape_cast %get3A_7 : vector<1x1000x128xf32> to vector<1000x128xf32>
    %add3A = arith.addf %get3A_3, %get3A_8 : vector<1000x128xf32>
    %get3A_9 = arith.constant 0 : index
    %get3A_10 = arith.constant 0 : index
    %get3A_11 = vector.load %arg2[%get3A_9, %get3A_10] : memref<1000x128xf32, #tpu.memory_space<vmem>>, vector<1000x128xf32>
    %add3A_12 = arith.addf %add3A, %get3A_11 : vector<1000x128xf32>
    %get3A_13 = arith.constant 0 : index
    %get3A_14 = arith.constant 0 : index
    %get3A_15 = vector.load %arg3[%get3A_13, %get3A_14] : memref<1000x1xf32, #tpu.memory_space<vmem>>, vector<1000x1xf32>
    %mul3A = vector.broadcast %get3A_15 : vector<1000x1xf32> to vector<1000x128xf32>
    %mul3A_16 = arith.mulf %add3A_12, %mul3A : vector<1000x128xf32>
    %get3A_17 = arith.constant 0 : index
    %get3A_18 = arith.constant 0 : index
    %get3A_19 = vector.load %arg4[%get3A_17, %get3A_18] : memref<1x128xf32, #tpu.memory_space<vmem>>, vector<1x128xf32>
    %add3A_20 = vector.broadcast %get3A_19 : vector<1x128xf32> to vector<1000x128xf32>
    %add3A_21 = arith.addf %mul3A_16, %add3A_20 : vector<1000x128xf32>
    %max3A = arith.constant 0.000000e+00 : f32
    %max3A_22 = vector.broadcast %max3A : f32 to vector<1000x128xf32>
    %max3A_23 = arith.maximumf %add3A_21, %max3A_22 : vector<1000x128xf32>
    %get3A_24 = arith.constant 0 : index
    %get3A_25 = arith.constant 0 : index
    %get3A_26 = vector.load %arg5[%get3A_24, %get3A_25] : memref<128x128xf32, #tpu.memory_space<vmem>>, vector<128x128xf32>
    %dot_general3A = arith.constant dense<0.000000e+00> : vector<1000x128xf32>
    %dot_general3A_27 = tpu.matmul %max3A_23, %get3A_26, %dot_general3A {dimension_numbers = #tpu.dot_dimension_numbers<[1], [0], [0], [1], [0, 0, 1, 1], [], []>, transpose_lhs_hint = false} : vector<1000x128xf32>, vector<128x128xf32>, vector<1000x128xf32> -> vector<1000x128xf32>
    %mul3A_28 = vector.broadcast %get3A_15 : vector<1000x1xf32> to vector<1000x128xf32>
    %mul3A_29 = arith.mulf %dot_general3A_27, %mul3A_28 : vector<1000x128xf32>
    %swap3A = arith.constant 0 : index
    %swap3A_30 = arith.constant 0 : index
    %swap3A_31 = vector.load %arg6[%swap3A, %swap3A_30] : memref<1000x128xf32, #tpu.memory_space<vmem>>, vector<1000x128xf32>
    tpu.vector_store %arg6[%swap3A, %swap3A_30], %mul3A_29 {strides = array<i32>} : memref<1000x128xf32, #tpu.memory_space<vmem>>, vector<1000x128xf32>,
    return
  }
  func.func @transform_0(%arg0: i32) -> (i32, i32, i32) {
    %c0_i32 = arith.constant 0 : i32
    %c0_i32_0 = arith.constant 0 : i32
    %c0_i32_1 = arith.constant 0 : i32
    return %c0_i32, %arg0, %c0_i32_0 : i32, i32, i32
  }
  func.func @transform_1(%arg0: i32) -> (i32, i32) {
    %c0_i32 = arith.constant 0 : i32
    %c0_i32_0 = arith.constant 0 : i32
    return %arg0, %c0_i32 : i32, i32
  }
  func.func @transform_2(%arg0: i32) -> (i32, i32) {
    %c0_i32 = arith.constant 0 : i32
    %c0_i32_0 = arith.constant 0 : i32
    return %arg0, %c0_i32 : i32, i32
  }
  func.func @transform_3(%arg0: i32) -> (i32, i32) {
    %c0_i32 = arith.constant 0 : i32
    %c0_i32_0 = arith.constant 0 : i32
    %c0_i32_1 = arith.constant 0 : i32
    return %c0_i32, %c0_i32_0 : i32, i32
  }
  func.func @transform_4(%arg0: i32) -> (i32, i32) {
    %c0_i32 = arith.constant 0 : i32
    %c0_i32_0 = arith.constant 0 : i32
    %c0_i32_1 = arith.constant 0 : i32
    return %c0_i32, %c0_i32_0 : i32, i32
  }
  func.func @transform_5(%arg0: i32) -> (i32, i32) {
    %c0_i32 = arith.constant 0 : i32
    %c0_i32_0 = arith.constant 0 : i32
    return %arg0, %c0_i32 : i32, i32
  }
}

module attributes {stable_mosaic.version = 14 : i64} {
  func.func @_tc_pool_body(%arg0: i32, %arg1: memref<2x1000x128xf32, #tpu.memory_space<vmem>>, %arg2: memref<1000x128xf32, #tpu.memory_space<vmem>>, %arg3: memref<1000x1xf32, #tpu.memory_space<vmem>>, %arg4: memref<1x128xf32, #tpu.memory_space<vmem>>, %arg5: memref<1x1x1000xi32, #tpu.memory_space<vmem>>, %arg6: memref<64x128xf32, #tpu.memory_space<vmem>>, %arg7: memref<64x128xf32, #tpu.memory_space<vmem>>) attributes {dimension_semantics = [#tpu.dimension_semantics<arbitrary>], iteration_bounds = array<i64: 10>, scalar_prefetch = 0 : i64, scratch_operands = 1 : i64, tpu.core_type = #tpu.core_type<tc>, window_params = [{transform_indices = @transform_0, window_bounds = array<i64: 2, 1000, 128>}, {transform_indices = @transform_1, window_bounds = array<i64: 1000, 128>}, {transform_indices = @transform_2, window_bounds = array<i64: 1000, 1>}, {pipeline_mode = #tpu.pipeline_mode<synchronous>, transform_indices = @transform_3, window_bounds = array<i64: 1, 128>}, {transform_indices = @transform_4, window_bounds = array<i64: 1, 1, 1000>}, {pipeline_mode = #tpu.pipeline_mode<synchronous>, transform_indices = @transform_5, window_bounds = array<i64: 64, 128>}]} {
    %get3A = arith.constant 0 : index
    %get3A_0 = arith.constant 0 : index
    %get3A_1 = arith.constant 0 : index
    %get3A_2 = vector.load %arg1[%get3A, %get3A_0, %get3A_1] : memref<2x1000x128xf32, #tpu.memory_space<vmem>>, vector<1x1000x128xf32>
    %get3A_3 = vector.shape_cast %get3A_2 : vector<1x1000x128xf32> to vector<1000x128xf32>
    %get3A_4 = arith.constant 1 : index
    %get3A_5 = arith.constant 0 : index
    %get3A_6 = arith.constant 0 : index
    %get3A_7 = vector.load %arg1[%get3A_4, %get3A_5, %get3A_6] : memref<2x1000x128xf32, #tpu.memory_space<vmem>>, vector<1x1000x128xf32>
    %get3A_8 = vector.shape_cast %get3A_7 : vector<1x1000x128xf32> to vector<1000x128xf32>
    %add3A = arith.addf %get3A_3, %get3A_8 : vector<1000x128xf32>
    %get3A_9 = arith.constant 0 : index
    %get3A_10 = arith.constant 0 : index
    %get3A_11 = vector.load %arg2[%get3A_9, %get3A_10] : memref<1000x128xf32, #tpu.memory_space<vmem>>, vector<1000x128xf32>
    %add3A_12 = arith.addf %add3A, %get3A_11 : vector<1000x128xf32>
    %get3A_13 = arith.constant 0 : index
    %get3A_14 = arith.constant 0 : index
    %get3A_15 = vector.load %arg3[%get3A_13, %get3A_14] : memref<1000x1xf32, #tpu.memory_space<vmem>>, vector<1000x1xf32>
    %mul3A = vector.broadcast %get3A_15 : vector<1000x1xf32> to vector<1000x128xf32>
    %mul3A_16 = arith.mulf %add3A_12, %mul3A : vector<1000x128xf32>
    %get3A_17 = arith.constant 0 : index
    %get3A_18 = arith.constant 0 : index
    %get3A_19 = vector.load %arg4[%get3A_17, %get3A_18] : memref<1x128xf32, #tpu.memory_space<vmem>>, vector<1x128xf32>
    %add3A_20 = vector.broadcast %get3A_19 : vector<1x128xf32> to vector<1000x128xf32>
    %add3A_21 = arith.addf %mul3A_16, %add3A_20 : vector<1000x128xf32>
    %get3A_22 = arith.constant 0 : index
    %get3A_23 = arith.constant 0 : index
    %get3A_24 = arith.constant 0 : index
    %get3A_25 = vector.load %arg5[%get3A_22, %get3A_23, %get3A_24] : memref<1x1x1000xi32, #tpu.memory_space<vmem>>, vector<1x1x1000xi32>
    %get3A_26 = vector.shape_cast %get3A_25 : vector<1x1x1000xi32> to vector<1x1000xi32>
    %iota3A = tpu.iota {dimensions = array<i32: 0>} : vector<64x1000xi32>
    %eq3A = vector.broadcast %get3A_26 : vector<1x1000xi32> to vector<64x1000xi32>
    %eq3A_27 = arith.cmpi eq, %iota3A, %eq3A : vector<64x1000xi32>
    %jit3A = arith.constant 1.000000e+00 : f32
    %jit3A_28 = arith.constant 0.000000e+00 : f32
    %broadcast_in_dim3A = vector.broadcast %jit3A : f32 to vector<64x1000xf32>
    %broadcast_in_dim3A_29 = vector.broadcast %jit3A_28 : f32 to vector<64x1000xf32>
    %select_n3A = arith.select %eq3A_27, %broadcast_in_dim3A, %broadcast_in_dim3A_29 : vector<64x1000xi1>, vector<64x1000xf32>
    %dot_general3A = arith.constant dense<0.000000e+00> : vector<64x128xf32>
    %dot_general3A_30 = tpu.matmul %select_n3A, %add3A_21, %dot_general3A {dimension_numbers = #tpu.dot_dimension_numbers<[1], [0], [0], [1], [0, 0, 1, 1], [], []>, transpose_lhs_hint = false} : vector<64x1000xf32>, vector<1000x128xf32>, vector<64x128xf32> -> vector<64x128xf32>
    %broadcast_in_dim3A_31 = arith.constant 1.000000e+00 : f32
    %broadcast_in_dim3A_32 = vector.broadcast %broadcast_in_dim3A_31 : f32 to vector<1000x128xf32>
    %dot_general3A_33 = arith.constant dense<0.000000e+00> : vector<64x128xf32>
    %dot_general3A_34 = tpu.matmul %select_n3A, %broadcast_in_dim3A_32, %dot_general3A_33 {dimension_numbers = #tpu.dot_dimension_numbers<[1], [0], [0], [1], [0, 0, 1, 1], [], []>, transpose_lhs_hint = false} : vector<64x1000xf32>, vector<1000x128xf32>, vector<64x128xf32> -> vector<64x128xf32>
    %eq3A_35 = arith.constant 0 : i32
    %eq3A_36 = arith.cmpi eq, %arg0, %eq3A_35 : i32
    %convert_element_type3A = arith.extui %eq3A_36 : i1 to i32
    %cond3A = arith.constant 0 : i32
    %cond3A_37 = arith.cmpi ne, %convert_element_type3A, %cond3A : i32
    scf.if %cond3A_37 {
      %broadcast_in_dim3A_56 = arith.constant 0.000000e+00 : f32
      %broadcast_in_dim3A_57 = vector.broadcast %broadcast_in_dim3A_56 : f32 to vector<64x128xf32>
      %swap3A_58 = arith.constant 0 : index
      %swap3A_59 = arith.constant 0 : index
      %swap3A_60 = vector.load %arg6[%swap3A_58, %swap3A_59] : memref<64x128xf32, #tpu.memory_space<vmem>>, vector<64x128xf32>
      tpu.vector_store %arg6[%swap3A_58, %swap3A_59], %broadcast_in_dim3A_57 {strides = array<i32>} : memref<64x128xf32, #tpu.memory_space<vmem>>, vector<64x128xf32>,
      %broadcast_in_dim3A_61 = arith.constant 0.000000e+00 : f32
      %broadcast_in_dim3A_62 = vector.broadcast %broadcast_in_dim3A_61 : f32 to vector<64x128xf32>
      %swap3A_63 = arith.constant 0 : index
      %swap3A_64 = arith.constant 0 : index
      %swap3A_65 = vector.load %arg7[%swap3A_63, %swap3A_64] : memref<64x128xf32, #tpu.memory_space<vmem>>, vector<64x128xf32>
      tpu.vector_store %arg7[%swap3A_63, %swap3A_64], %broadcast_in_dim3A_62 {strides = array<i32>} : memref<64x128xf32, #tpu.memory_space<vmem>>, vector<64x128xf32>,
    } else {
    }
    %get3A_38 = arith.constant 0 : index
    %get3A_39 = arith.constant 0 : index
    %get3A_40 = vector.load %arg6[%get3A_38, %get3A_39] : memref<64x128xf32, #tpu.memory_space<vmem>>, vector<64x128xf32>
    %add3A_41 = arith.addf %get3A_40, %dot_general3A_30 : vector<64x128xf32>
    %swap3A = arith.constant 0 : index
    %swap3A_42 = arith.constant 0 : index
    %swap3A_43 = vector.load %arg6[%swap3A, %swap3A_42] : memref<64x128xf32, #tpu.memory_space<vmem>>, vector<64x128xf32>
    tpu.vector_store %arg6[%swap3A, %swap3A_42], %add3A_41 {strides = array<i32>} : memref<64x128xf32, #tpu.memory_space<vmem>>, vector<64x128xf32>,
    %get3A_44 = arith.constant 0 : index
    %get3A_45 = arith.constant 0 : index
    %get3A_46 = vector.load %arg7[%get3A_44, %get3A_45] : memref<64x128xf32, #tpu.memory_space<vmem>>, vector<64x128xf32>
    %add3A_47 = arith.addf %get3A_46, %dot_general3A_34 : vector<64x128xf32>
    %swap3A_48 = arith.constant 0 : index
    %swap3A_49 = arith.constant 0 : index
    %swap3A_50 = vector.load %arg7[%swap3A_48, %swap3A_49] : memref<64x128xf32, #tpu.memory_space<vmem>>, vector<64x128xf32>
    tpu.vector_store %arg7[%swap3A_48, %swap3A_49], %add3A_47 {strides = array<i32>} : memref<64x128xf32, #tpu.memory_space<vmem>>, vector<64x128xf32>,
    %eq3A_51 = arith.constant 9 : i32
    %eq3A_52 = arith.cmpi eq, %arg0, %eq3A_51 : i32
    %convert_element_type3A_53 = arith.extui %eq3A_52 : i1 to i32
    %cond3A_54 = arith.constant 0 : i32
    %cond3A_55 = arith.cmpi ne, %convert_element_type3A_53, %cond3A_54 : i32
    scf.if %cond3A_55 {
      %get3A_56 = arith.constant 0 : index
      %get3A_57 = arith.constant 0 : index
      %get3A_58 = vector.load %arg6[%get3A_56, %get3A_57] : memref<64x128xf32, #tpu.memory_space<vmem>>, vector<64x128xf32>
      %get3A_59 = arith.constant 0 : index
      %get3A_60 = arith.constant 0 : index
      %get3A_61 = vector.load %arg7[%get3A_59, %get3A_60] : memref<64x128xf32, #tpu.memory_space<vmem>>, vector<64x128xf32>
      %max3A = arith.constant 1.000000e+00 : f32
      %max3A_62 = vector.broadcast %max3A : f32 to vector<64x128xf32>
      %max3A_63 = arith.maximumf %get3A_61, %max3A_62 : vector<64x128xf32>
      %div3A = arith.divf %get3A_58, %max3A_63 : vector<64x128xf32>
      %swap3A_64 = arith.constant 0 : index
      %swap3A_65 = arith.constant 0 : index
      %swap3A_66 = vector.load %arg6[%swap3A_64, %swap3A_65] : memref<64x128xf32, #tpu.memory_space<vmem>>, vector<64x128xf32>
      tpu.vector_store %arg6[%swap3A_64, %swap3A_65], %div3A {strides = array<i32>} : memref<64x128xf32, #tpu.memory_space<vmem>>, vector<64x128xf32>,
    } else {
    }
    return
  }
  func.func @transform_0(%arg0: i32) -> (i32, i32, i32) {
    %c0_i32 = arith.constant 0 : i32
    %c0_i32_0 = arith.constant 0 : i32
    %c0_i32_1 = arith.constant 0 : i32
    return %c0_i32, %arg0, %c0_i32_0 : i32, i32, i32
  }
  func.func @transform_1(%arg0: i32) -> (i32, i32) {
    %c0_i32 = arith.constant 0 : i32
    %c0_i32_0 = arith.constant 0 : i32
    return %arg0, %c0_i32 : i32, i32
  }
  func.func @transform_2(%arg0: i32) -> (i32, i32) {
    %c0_i32 = arith.constant 0 : i32
    %c0_i32_0 = arith.constant 0 : i32
    return %arg0, %c0_i32 : i32, i32
  }
  func.func @transform_3(%arg0: i32) -> (i32, i32) {
    %c0_i32 = arith.constant 0 : i32
    %c0_i32_0 = arith.constant 0 : i32
    %c0_i32_1 = arith.constant 0 : i32
    return %c0_i32, %c0_i32_0 : i32, i32
  }
  func.func @transform_4(%arg0: i32) -> (i32, i32, i32) {
    %c0_i32 = arith.constant 0 : i32
    %c0_i32_0 = arith.constant 0 : i32
    %c0_i32_1 = arith.constant 0 : i32
    return %arg0, %c0_i32, %c0_i32_0 : i32, i32, i32
  }
  func.func @transform_5(%arg0: i32) -> (i32, i32) {
    %c0_i32 = arith.constant 0 : i32
    %c0_i32_0 = arith.constant 0 : i32
    %c0_i32_1 = arith.constant 0 : i32
    return %c0_i32, %c0_i32_0 : i32, i32
  }
}

</mosaic_0001>

<sc_bundles>
// kernel: kernel.12.cloned.1.call-start
scs
__scs_entry_jumppad:
0x0: {  	(pc) =	sbr.rel $0x88, $3  }
0x1: {  	(tag) =	ssettag $0x0;
	lr =	simm.s32 $0x1  }
0x2: {  	[smem:$0x3F9A] =	sst lr;
	_ =	strace $0xD0000000  }
0x3: {  	_ = 	snop  }
0x4: {  	_ = 	snop  }
0x5: {  	_ = 	snop  }
0x6: {  	_ = 	snop  }
0x7: {  	_ = 	snop  }
__scs_overlays_trampoline_lowered:
0x8: {  	[smem:$0x3FA9] =	sst s0  }
0x9: {  	[smem:$0x3FAA] =	sst s1  }
0xa: {  	[smem:$0x3FAB] =	sst s2  }
0xb: {  	[smem:$0x3FAC] =	sst s3  }
0xc: {  	[smem:$0x3FAD] =	sst s4  }
0xd: {  	[smem:$0x3FAE] =	sst s5  }
0xe: {  	[smem:$0x3FAF] =	sst s6  }
0xf: {  	[smem:$0x3FB0] =	sst s7  }
0x10: {  	[smem:$0x3FB1] =	sst s8  }
0x11: {  	[smem:$0x3FB2] =	sst s9;
	s0 =	simm.s32 @!p0 $0x0  }
0x12: {  	s1 =	sld [smem:$0x3F98];
	s0 =	simm.s32 @p0 $0x1  }
0x13: {  	[smem:$0x3FB3] =	sst s0;
	s0 =	simm.s32 @!p1 $0x0  }
0x14: {  	s2 =	sld [smem:$0x3F97];
	s0 =	simm.s32 @p1 $0x1  }
0x15: {  	[smem:$0x3FB4] =	sst s0;
	s0 =	simm.s32 @!p2 $0x0  }
0x16: {  	s3 =	sld [smem:$0x3FDB];
	s0 =	simm.s32 @p2 $0x1  }
0x17: {  	s4 =	simm.s32 $0x1BF5;
	[smem:$0x3FB6] =	sst s0  }
0x18: {  	s0 =	sld [smem:$0x3F99];
	_ =	swait.ge [sflag:s4], $0x0  }
0x19: {  	s7 =	sld [smem:$0x3F9A]  }
0x1a: {  	s8 =	sadd.s32 $0xFFFFE003, lr  }
0x1b: {  	s9 =	sadd.s32 $0xFFFFFEF7, lr;
	s5 =	simm.s32 $0xFFFFFFFF;
	p2 =	slt.u32 s8, $0xFFFFF086  }
0x1c: {  	p1 =	slt.u32 s9, $0xF7A;
	s5 =	simm.s32 @!p2 $0x0  }
0x1d: {  	s5 =	simm.s32 @p1 $0x1;
	p0 =	seq.s32 s7, s2  }
0x1e: {  	s7 =	smul.u32 @!p0 $0xF7A, s2;
	p2 =	seq.s32 @!p0 s5, $0x0  }
0x1f: {  	s9 =	smul.u32 $0xF7A, s1;
	s8 =	simm.s32 @!p0 $0x1BF5;
	p2 =	por !p2, p0  }
0x20: {  	[sflag:s8] =	ssyncset.s32 @!p0 $0xFFFFF086;
	s6 =	sadd.s32 @!p0 s3, s7;
	s7 =	simm.s32 @!p0 $0x108  }
0x21: {  	s3 =	sadd.s32 s3, s9;
	s6 =	sadd.s32 @!p0 $0x88, s6;
	s7 =	simm.s32 @p2 $0x1082  }
0x22: {  	[simem:s7], [sflag:s8] =	dma.local @!p0 [hbm:s6], $0xF7A  }
0x23: {  	s9 =	sor.u32 $0xD0000000, s2;
	s6 =	simm.s32 $0x108;
	_ =	swait.ge @!p0 [sflag:s8], $0x0  }
0x24: {  	s3 =	sadd.s32 $0x88, s3;
	s6 =	simm.s32 @!p1 $0x1082;
	[sflag:s4] =	ssyncset.s32 $0xFFFFF086  }
0x25: {  	[simem:s6], [sflag:s4] =	dma.local [hbm:s3], $0xF7A  }
0x26: {  	[smem:$0x3F9A] =	sst s1;
	(tag) =	ssettag s2;
	_ =	strace s9  }
0x27: {  	s1 =	sld [smem:$0x3FAA]  }
0x28: {  	s2 =	sld [smem:$0x3FAB]  }
0x29: {  	s4 =	sld [smem:$0x3FAD]  }
0x2a: {  	p0 =	seq.s32 s5, $0x0;
	s5 =	sld [smem:$0x3FAE]  }
0x2b: {  	s6 =	sld [smem:$0x3FAF]  }
0x2c: {  	s7 =	sld [smem:$0x3FB0]  }
0x2d: {  	s3 =	simm.s32 $0x108;
	s8 =	sld [smem:$0x3FB1]  }
0x2e: {  	s3 =	simm.s32 @!p0 $0x1082;
	s9 =	sld [smem:$0x3FB2]  }
0x2f: {  	lr =	sadd.s32 s0, s3;
	s0 =	sld [smem:$0x3FA9]  }
0x30: {  	s3 =	sld [smem:$0x3FAC]  }
0x31: {  	[smem:$0x3FB5] =	sst s10  }
0x32: {  	s10 =	sld [smem:$0x3FB3];
	_ =	sdelay $0x3  }
0x33: {  	p0 =	seq.s32 s10, $0x1;
	s10 =	sld [smem:$0x3FB5];
	_ =	sdelay $0x3  }
0x34: {  	[smem:$0x3FB5] =	sst s10  }
0x35: {  	s10 =	sld [smem:$0x3FB4];
	_ =	sdelay $0x3  }
0x36: {  	p1 =	seq.s32 s10, $0x1;
	s10 =	sld [smem:$0x3FB5];
	_ =	sdelay $0x3  }
0x37: {  	[smem:$0x3FB5] =	sst s10  }
0x38: {  	s10 =	sld [smem:$0x3FB6]  }
0x39: {  	_ = 	snop;
	(pc) =	sbr.ind lr, $3  }
0x3a: {  	_ = 	snop  }
0x3b: {  	_ = 	snop  }
0x3c: {  	p2 =	seq.s32 s10, $0x1;
	s10 =	sld [smem:$0x3FB5]  }
0x3d: {  	_ =	shalt  }
0x3e: {  	_ =	shalt  }
0x3f: {  	_ =	shalt  }
0x40: {  	_ =	shalt  }
0x41: {  	_ =	shalt  }
0x42: {  	_ =	shalt  }
0x43: {  	_ =	shalt  }
0x44: {  	_ =	shalt  }
0x45: {  	_ =	shalt  }
0x46: {  	_ =	shalt  }
0x47: {  	_ =	shalt  }
0x48: {  	_ =	shalt  }
0x49: {  	_ =	shalt  }
0x4a: {  	_ =	shalt  }
0x4b: {  	_ =	shalt  }
0x4c: {  	_ =	shalt  }
0x4d: {  	_ =	shalt  }
0x4e: {  	_ =	shalt  }
0x4f: {  	_ =	shalt  }
0x50: {  	_ =	shalt  }
0x51: {  	_ =	shalt  }
0x52: {  	_ =	shalt  }
0x53: {  	_ =	shalt  }
0x54: {  	_ =	shalt  }
0x55: {  	_ =	shalt  }
0x56: {  	_ =	shalt  }
0x57: {  	_ =	shalt  }
0x58: {  	_ =	shalt  }
0x59: {  	_ =	shalt  }
0x5a: {  	_ =	shalt  }
0x5b: {  	_ =	shalt  }
0x5c: {  	_ =	shalt  }
0x5d: {  	_ =	shalt  }
0x5e: {  	_ =	shalt  }
0x5f: {  	_ =	shalt  }
0x60: {  	_ =	shalt  }
0x61: {  	_ =	shalt  }
0x62: {  	_ =	shalt  }
0x63: {  	_ =	shalt  }
0x64: {  	_ =	shalt  }
0x65: {  	_ =	shalt  }
0x66: {  	_ =	shalt  }
0x67: {  	_ =	shalt  }
0x68: {  	_ =	shalt  }
0x69: {  	_ =	shalt  }
0x6a: {  	_ =	shalt  }
0x6b: {  	_ =	shalt  }
0x6c: {  	_ =	shalt  }
0x6d: {  	_ =	shalt  }
0x6e: {  	_ =	shalt  }
0x6f: {  	_ =	shalt  }
0x70: {  	_ =	shalt  }
0x71: {  	_ =	shalt  }
0x72: {  	_ =	shalt  }
0x73: {  	_ =	shalt  }
0x74: {  	_ =	shalt  }
0x75: {  	_ =	shalt  }
0x76: {  	_ =	shalt  }
0x77: {  	_ =	shalt  }
0x78: {  	_ =	shalt  }
0x79: {  	_ =	shalt  }
0x7a: {  	_ =	shalt  }
0x7b: {  	_ =	shalt  }
0x7c: {  	_ =	shalt  }
0x7d: {  	_ =	shalt  }
0x7e: {  	_ =	shalt  }
0x7f: {  	_ =	shalt  }
0x80: {  	_ =	shalt  }
0x81: {  	_ =	shalt  }
0x82: {  	_ =	shalt  }
0x83: {  	_ =	shalt  }
0x84: {  	_ =	shalt  }
0x85: {  	_ =	shalt  }
0x86: {  	_ =	shalt  }
0x87: {  	_ =	shalt  }
.Lfunc_end0:
.L_simem_size_0:
called_computation.1_lowered:
.L_overlay_start_0:
0x88: {  	s2 =	sld [smem:$0x3FD9]  }
0x89: {  	s3 =	sld [smem:$0x3FFE];
	_ =	sdelay $0x1  }
0x8a: {  	s1 =	srdreg.scid  }
0x8b: {  	s0 =	sand.u32 $0x1, s1  }
0x8c: {  	s16 =	sshll.u32 s0, $0xA;
	s2 =	sadd.s32 s3, s2  }
0x8d: {  	s2 =	sadd.s32 s2, s16  }
0x8e: {  	[smem:$0x3FC1] =	sst s2  }
0x8f: {  	_ = 	snop  }
0x90: {  	(tm) =	ssettm $0x1  }
0x91: {  	s17 =	sld [smem:$0x3FFB];
	_ =	sdelay $0x3  }
0x92: {  	_ =	strace s17  }
0x93: {  	s2 =	sld [smem:$0x3FFC];
	_ =	sdelay $0x3  }
0x94: {  	_ =	strace s2  }
0x95: {  	s2 =	sld [smem:$0x3FFD];
	_ =	sdelay $0x3  }
0x96: {  	_ =	strace s2  }
0x97: {  	_ =	strace $0x8FFFFFFF  }
0x98: {  	s18 =	sld [smem:$0x3FDB];
	_ =	sdelay $0x1  }
0x99: {  	s19 =	simm.s32 $_scs_section_size  }
0x9a: {  	s4 =	simm.s32 $_size__tile_overlayer_lowered;
	s5 =	simm.s32 $_tile_overlayer_lowered  }
0x9b: {  	s22 =	simm.s32 $0x1BFF;
	s21 =	sshll.u32 s5, $0x1;
	s2 =	sadd.s32 s19, s18  }
0x9c: {  	s6 =	simm.s32 $0x0;
	s20 =	sshll.u32 s4, $0x1;
	s4 =	sadd.s32 s21, s2  }
0x9d: {  	[timem:s6], [sflag:s22] =	dma.local [hbm:s4], s20  }
0x9e: {  	_ =	swait.ge [sflag:s22], s20  }
0x9f: {  	s3 =	ssub.s32 $0x0, s20;
	[sflag:s22] =	ssyncset.done $0x0  }
0xa0: {  	[sflag:s22] =	ssyncadd.s32 s3;
	_ =	sdelay $0x1  }
0xa1: {  	s23 =	simm.s32 $0x1B8B  }
0xa2: {  	_ =	swait.ge [sflag:s23], $0x1  }
0xa3: {  	[sflag:s23] =	ssyncset.done $0x0  }
0xa4: {  	s25 =	simm.s32 $0x1B8E;
	s24 =	sld [smem:$0x3FFE];
	[sflag:s23] =	ssyncadd.s32 $0xFFFFFFFF  }
0xa5: {  	s26 =	simm.s32 $execute0_lowered;
	[smem:$0x3FD2] =	sst s25  }
0xa6: {  	s4 =	sshll.u32 s26, $0x1;
	_ =	strace $0x80000049;
	[dreg:$0x1] =	wrdreg $0xFFFFFFFF  }
0xa7: {  	s28 =	simm.s32 $_size_execute0_lowered;
	s2 =	sadd.s32 s2, s4;
	[dreg:$0x0] =	wrdreg $0x0  }
0xa8: {  	s4 =	sshll.u32 s28, $0x1;
	[dreg:$0x2] =	wrdreg s2  }
0xa9: {  	[dreg:$0x3] =	wrdreg s4  }
0xaa: {  	[dreg:$0x4] =	wrdreg $0xC0  }
0xab: {  	_ =	task [dreg:s6], $0x5FFFF  }
0xac: {  	[dreg:$0x1] =	wrdreg $0xFFFFFFFF  }
0xad: {  	[dreg:$0x0] =	wrdreg $0x60  }
0xae: {  	[dreg:$0x2] =	wrdreg s24  }
0xaf: {  	[dreg:$0x3] =	wrdreg $0x9F000  }
0xb0: {  	[dreg:$0x4] =	wrdreg $0x9  }
0xb1: {  	_ =	task.clear_ibuf [dreg:s6], $0x5FFFF;
	_ =	strace $0x90000049  }
0xb2: {  	s29 =	simm.s32 $0x9;
	_ =	strace $0x8000004B  }
0xb3: {  	_ =	swait.ge [sflag:s29], $0x1  }
0xb4: {  	[sflag:s29] =	ssyncadd.s32 $0xFFFFFFFF  }
0xb5: {  	_ =	strace $0x9000004B  }
0xb6: {  	_ =	sfence  }
0xb7: {  	s30 =	sld [smem:$0x0];
	_ =	sdelay $0x2  }
0xb8: {  	s31 =	sshll.u32 s1, $0xD;
	s1 =	sshrl.u32 s1, $0x2  }
0xb9: {  	s3 =	sand.u32 $0x4000, s31;
	s1 =	sadd.s32 s1, s30  }
0xba: {  	s0 =	sor.u32 s3, s0;
	s1 =	sshll.u32 s1, $0x11  }
0xbb: {  	s0 =	sor.u32 s1, s0  }
0xbc: {  	s0 =	sadd.s32 $0x8F2B, s0  }
0xbd: {  	[sflag:s0] =	ssyncadd.remote.s32 $0x1  }
0xbe: {  	_ =	sfence.sel $0xFFFF  }
0xbf: {  	[dreg:$0x0] =	wrdreg $0xFFFFFFFF;
	(pc) =	sbr.abs _section_cstart, $3  }
0xc0: {  	[dreg:$0x1] =	wrdreg $0xFFFFFFFF  }
0xc1: {  	_ =	task.clear_ibuf [dreg:s6], $0x2FFFF;
	_ =	strace $0x9FFFFFFF  }
0xc2: {  	(tm) =	ssettm $0x7FFFFFFF  }
0xc3: {  	_ =	shalt  }
tec
execute0_lowered:
.L_overlay_start_1:
0x0: {  	(tag) =	ssettag $0x1  }
0x1: {  	s0 =	rddreg [dreg:$0x0]  }
0x2: {  	s2 =	rddreg [dreg:$0x1];
	s3 =	simm.s32 $0x0;
	s1 =	srdreg.scid  }
0x3: {  	s13 =	stileid.u32;
	[smem:$0x7FF] =	sst s3  }
0x4: {  	s1 =	sand.u32 $0x1, s1;
	s5 =	sshll.u32 s13, $0x1;
	s11 =	smul.u32 $0x14000, s13  }
0x5: {  	s4 =	sadd.s32 $0x16400, s0;
	s6 =	sadd.s32 $0xC600, s0;
	s25 =	smul.u32 $0x50000, s13  }
0x6: {  	s30 =	smul.u32 $0x4E20, s13;
	p0 =	seq.s32 s13, $0xF;
	s13 =	simm.s32 $0x80  }
0x7: {  	_ =	strace $0x8000004A;
	s7 =	sor.u32 s1, s5;
	s9 =	smul.u32 $0x138800, s1  }
0x8: {  	s5 =	sadd.s32 $0x2800, s0;
	s8 =	ssub.s32 $0x2, s1;
	s1 =	smul.u32 $0x2710, s1  }
0x9: {  	s0 =	sadd.s32 $0x3D600, s0;
	s7 =	smul.u32 $0x2710, s7;
	s10 =	sshrl.u32 s8, $0x1  }
0xa: {  	s8 =	ssub.s32 s8, s10;
	s11 =	sadd.s32 s11, s9;
	s10 =	sshrl.u32 s25, $0x2  }
0xb: {  	s9 =	sshrl.u32 s9, $0x3;
	s1 =	sadd.s32 s1, s30;
	s7 =	sshrl.u32 s7, $0x3  }
0xc: {  	s11 =	sshrl.u32 s11, $0x3;
	s10 =	sadd.s32 s10, s2;
	s29 =	sadd.s32 $0x100, s1  }
0xd: {  	s24 =	sadd.s32 s5, s7;
	s12 =	sadd.s32 s6, s7;
	s26 =	sadd.s32 $0x10, s7  }
0xe: {  	s11 =	sadd.s32 s0, s11;
	s0 =	sadd.s32 s0, s9;
	s14 =	sadd.s32 $0x8C00, s10  }
0xf: {  	s15 =	sadd.s32 $0xA000, s10;
	s16 =	sadd.s32 $0xB400, s10;
	s17 =	sadd.s32 $0xC800, s10  }
0x10: {  	s18 =	sadd.s32 $0xDC00, s10;
	s19 =	sadd.s32 $0xF000, s10;
	s20 =	sadd.s32 $0x10400, s10  }
0x11: {  	s21 =	sadd.s32 $0x11800, s10;
	s9 =	sadd.s32 $0x12E800, s2;
	[dreg:$0x3] =	wrdreg s24  }
0x12: {  	s7 =	sadd.s32 $0x4E0, s7;
	s31 =	sadd.s32 $0x7800, s10;
	[dreg:$0x4] =	wrdreg s12  }
0x13: {  	s22 =	sadd.s32 $0x1400, s10;
	s23 =	sadd.s32 $0x2800, s10;
	[dreg:$0x5] =	wrdreg s11  }
0x14: {  	s25 =	sadd.s32 $0x5000, s10;
	s30 =	sadd.s32 $0x6400, s10;
	[dreg:$0x16] =	wrdreg s22  }
0x15: {  	s11 =	sadd.s32 $0x12D400, s2;
	s15 =	smov.u32 @p0 s9;
	[dreg:$0x17] =	wrdreg s23  }
0x16: {  	s9 =	sadd.s32 $0x131000, s2;
	s0 =	sadd.s32 $0x25800, s0;
	[dreg:$0x19] =	wrdreg s25  }
0x17: {  	s24 =	sadd.s32 $0x3C00, s10;
	[dreg:$0x1a] =	wrdreg s30;
	s12 =	simm.s32 $0x7  }
0x18: {  	s22 =	simm.s32 $0x4;
	s25 =	simm.s32 $0x5;
	[dreg:$0x7] =	wrdreg s15  }
0x19: {  	s14 =	smov.u32 @p0 s11;
	s11 =	sadd.s32 $0x12FC00, s2;
	[dreg:$0x13] =	wrdreg s0  }
0x1a: {  	s17 =	smov.u32 @p0 s9;
	s9 =	sadd.s32 $0x133800, s2;
	[dreg:$0x18] =	wrdreg s24  }
0x1b: {  	s0 =	sadd.s32 $0x12C000, s2;
	s15 =	simm.s32 $0x4180;
	[dreg:$0x6] =	wrdreg s14  }
0x1c: {  	s16 =	smov.u32 @p0 s11;
	s11 =	sadd.s32 $0x132400, s2;
	[dreg:$0x9] =	wrdreg s17  }
0x1d: {  	s19 =	smov.u32 @p0 s9;
	s9 =	sadd.s32 $0x136000, s2;
	[dreg:$0x15] =	wrdreg s0  }
0x1e: {  	s17 =	sadd.s32 s6, s26;
	s31 =	smov.u32 @p0 s0;
	[dreg:$0x8] =	wrdreg s16  }
0x1f: {  	s14 =	simm.s32 $0x4100;
	s0 =	simm.s32 $0x10;
	[dreg:$0xb] =	wrdreg s19  }
0x20: {  	s18 =	smov.u32 @p0 s11;
	s11 =	sadd.s32 $0x134C00, s2;
	[dreg:$0x10] =	wrdreg s17  }
0x21: {  	s21 =	smov.u32 @p0 s9;
	s9 =	sadd.s32 $0x137400, s2;
	[dreg:$0xa] =	wrdreg s18  }
0x22: {  	s16 =	sadd.s32 s5, s26;
	s19 =	sadd.s32 $0x180, s1;
	[dreg:$0xd] =	wrdreg s21  }
0x23: {  	s17 =	simm.s32 $0x100;
	s20 =	smov.u32 @p0 s11;
	[dreg:$0xf] =	wrdreg s16  }
0x24: {  	s1 =	simm.s32 $0x8300;
	s18 =	sadd.s32 s5, s7;
	[dreg:$0xc] =	wrdreg s20  }
0x25: {  	s11 =	sadd.s32 $0x12C00, s10;
	s7 =	sadd.s32 s6, s7;
	[dreg:$0x11] =	wrdreg s18  }
0x26: {  	s21 =	smax.u32 s8, $0x1;
	s16 =	simm.s32 $0x1;
	[dreg:$0x12] =	wrdreg s7  }
0x27: {  	s11 =	smov.u32 @p0 s9;
	s20 =	sshrl.u32 s19, $0x3;
	[dreg:$0x14] =	wrdreg s21  }
0x28: {  	s18 =	simm.s32 $0x3;
	s21 =	simm.s32 $0x2;
	s19 =	simm.s32 $0x6  }
0x29: {  	s7 =	simm.s32 $0x0;
	[dreg:$0xe] =	wrdreg s11;
	s26 =	sadd.s32 s20, s6  }
0x2a: {  	v0 =	vimm.f32 $0.0e+00;
	s28 =	sadd.s32 s20, s5;
	s11 =	simm.s32 $0x8B00;
	s20 =	simm.s32 $0x4200  }
.LBB2_1:
0x2b: {  	s8 =	simm.s32 $0x0;
	s9 =	simm.s32 $0x200  }
.LBB2_2:
0x2c: {  	p1 =	sne.s32 s9, $0x4E00;
	[tilespmem:s8+$0x8B70] =	vst v0  }
0x2d: {  	[tilespmem:s8+$0x8B00] =	vst v0  }
0x2e: {  	[tilespmem:s8+$0x8B10] =	vst v0  }
.Ltmp0:
0x2f: {  	[tilespmem:s8+$0x8B20] =	vst v0;
	(pc) =	sbr.rel @p1 .LBB2_2-.Ltmp0, $4  }
0x30: {  	[tilespmem:s8+$0x8B30] =	vst v0  }
0x31: {  	[tilespmem:s8+$0x8B40] =	vst v0  }
0x32: {  	[tilespmem:s8+$0x8B50] =	vst v0  }
0x33: {  	[tilespmem:s8+$0x8B60] =	vst v0;
	s8 =	sshra.s32 s9, $0x2;
	s9 =	sadd.s32 $0x200, s9  }
0x34: {  	[tilespmem:s8+$0x8B70] =	vst v0  }
0x35: {  	[tilespmem:s8+$0x8B00] =	vst v0  }
0x36: {  	[tilespmem:s8+$0x8B10] =	vst v0  }
0x37: {  	[tilespmem:s8+$0x8B20] =	vst v0  }
0x38: {  	[tilespmem:s8+$0x8B30] =	vst v0  }
0x39: {  	[tilespmem:s8+$0x8B40] =	vst v0  }
0x3a: {  	[tilespmem:s8+$0x8B50] =	vst v0  }
0x3b: {  	[tilespmem:s8+$0x8B60] =	vst v0;
	s8 =	simm.s32 @!p0 $0x8B00;
	s9 =	simm.s32 @!p0 $0x7  }
0x3c: {  	[spmem:s10] =	stream.linear.scatter @!p0 [tilespmem:s8], [sflag:$0x7], $0x1400, $0x38;
	[tilespmem:$0x1D780] =	vst v63  }
0x3d: {  	_ =	swait.ge @!p0 [sflag:s9], $0x1400  }
0x3e: {  	[sflag:s9] =	ssyncset.done @!p0 $0x0  }
0x3f: {  	s23 =	rddreg [dreg:$0x16];
	[sflag:s9] =	ssyncadd.s32 @!p0 $0xFFFFEC00  }
0x40: {  	[spmem:s23] =	stream.linear.scatter @!p0 [tilespmem:s8], [sflag:$0x7], $0x1400, $0x38;
	[tilespmem:$0x1D780] =	vst v63  }
0x41: {  	_ =	swait.ge @!p0 [sflag:s9], $0x1400  }
0x42: {  	[sflag:s9] =	ssyncset.done @!p0 $0x0  }
0x43: {  	s23 =	rddreg [dreg:$0x17];
	[sflag:s9] =	ssyncadd.s32 @!p0 $0xFFFFEC00  }
0x44: {  	[spmem:s23] =	stream.linear.scatter @!p0 [tilespmem:s8], [sflag:$0x7], $0x1400, $0x38;
	[tilespmem:$0x1D780] =	vst v63  }
0x45: {  	_ =	swait.ge @!p0 [sflag:s9], $0x1400  }
0x46: {  	[sflag:s9] =	ssyncset.done @!p0 $0x0  }
0x47: {  	s23 =	rddreg [dreg:$0x18];
	[sflag:s9] =	ssyncadd.s32 @!p0 $0xFFFFEC00  }
0x48: {  	[spmem:s23] =	stream.linear.scatter @!p0 [tilespmem:s8], [sflag:$0x7], $0x1400, $0x38;
	[tilespmem:$0x1D780] =	vst v63  }
0x49: {  	_ =	swait.ge @!p0 [sflag:s9], $0x1400  }
0x4a: {  	[sflag:s9] =	ssyncset.done @!p0 $0x0  }
0x4b: {  	s23 =	rddreg [dreg:$0x19];
	[sflag:s9] =	ssyncadd.s32 @!p0 $0xFFFFEC00  }
0x4c: {  	[spmem:s23] =	stream.linear.scatter @!p0 [tilespmem:s8], [sflag:$0x7], $0x1400, $0x38;
	[tilespmem:$0x1D780] =	vst v63  }
0x4d: {  	_ =	swait.ge @!p0 [sflag:s9], $0x1400  }
0x4e: {  	[sflag:s9] =	ssyncset.done @!p0 $0x0  }
0x4f: {  	s23 =	rddreg [dreg:$0x1a];
	[sflag:s9] =	ssyncadd.s32 @!p0 $0xFFFFEC00  }
0x50: {  	[spmem:s23] =	stream.linear.scatter @!p0 [tilespmem:s8], [sflag:$0x7], $0x1400, $0x38;
	[tilespmem:$0x1D780] =	vst v63  }
0x51: {  	_ =	swait.ge @!p0 [sflag:s9], $0x1400  }
0x52: {  	[sflag:s9] =	ssyncset.done @!p0 $0x0  }
0x53: {  	[sflag:s9] =	ssyncadd.s32 @!p0 $0xFFFFEC00  }
0x54: {  	[spmem:s31] =	stream.linear.scatter [tilespmem:s11], [sflag:$0x7], $0x1400, $0x38;
	[tilespmem:$0x1D780] =	vst v63  }
0x55: {  	_ =	swait.ge [sflag:s12], $0x1400  }
0x56: {  	[sflag:s12] =	ssyncset.done $0x0  }
0x57: {  	s24 =	rddreg [dreg:$0x6];
	[sflag:s12] =	ssyncadd.s32 $0xFFFFEC00  }
0x58: {  	[spmem:s24] =	stream.linear.scatter [tilespmem:s11], [sflag:$0x7], $0x1400, $0x38;
	[tilespmem:$0x1D780] =	vst v63  }
0x59: {  	_ =	swait.ge [sflag:s12], $0x1400  }
0x5a: {  	[sflag:s12] =	ssyncset.done $0x0  }
0x5b: {  	s9 =	rddreg [dreg:$0x7];
	[sflag:s12] =	ssyncadd.s32 $0xFFFFEC00  }
0x5c: {  	[spmem:s9] =	stream.linear.scatter [tilespmem:s11], [sflag:$0x7], $0x1400, $0x38;
	[tilespmem:$0x1D780] =	vst v63  }
0x5d: {  	_ =	swait.ge [sflag:s12], $0x1400  }
0x5e: {  	[sflag:s12] =	ssyncset.done $0x0  }
0x5f: {  	s23 =	rddreg [dreg:$0x8];
	[sflag:s12] =	ssyncadd.s32 $0xFFFFEC00  }
0x60: {  	[spmem:s23] =	stream.linear.scatter [tilespmem:s11], [sflag:$0x7], $0x1400, $0x38;
	[tilespmem:$0x1D780] =	vst v63  }
0x61: {  	_ =	swait.ge [sflag:s12], $0x1400  }
0x62: {  	[sflag:s12] =	ssyncset.done $0x0  }
0x63: {  	s24 =	rddreg [dreg:$0x9];
	[sflag:s12] =	ssyncadd.s32 $0xFFFFEC00  }
0x64: {  	[spmem:s24] =	stream.linear.scatter [tilespmem:s11], [sflag:$0x7], $0x1400, $0x38;
	[tilespmem:$0x1D780] =	vst v63  }
0x65: {  	_ =	swait.ge [sflag:s12], $0x1400  }
0x66: {  	[sflag:s12] =	ssyncset.done $0x0  }
0x67: {  	s9 =	rddreg [dreg:$0xa];
	[sflag:s12] =	ssyncadd.s32 $0xFFFFEC00  }
0x68: {  	[spmem:s9] =	stream.linear.scatter [tilespmem:s11], [sflag:$0x7], $0x1400, $0x38;
	[tilespmem:$0x1D780] =	vst v63  }
0x69: {  	_ =	swait.ge [sflag:s12], $0x1400  }
0x6a: {  	[sflag:s12] =	ssyncset.done $0x0  }
0x6b: {  	s23 =	rddreg [dreg:$0xb];
	[sflag:s12] =	ssyncadd.s32 $0xFFFFEC00  }
0x6c: {  	[spmem:s23] =	stream.linear.scatter [tilespmem:s11], [sflag:$0x7], $0x1400, $0x38;
	[tilespmem:$0x1D780] =	vst v63  }
0x6d: {  	_ =	swait.ge [sflag:s12], $0x1400  }
0x6e: {  	[sflag:s12] =	ssyncset.done $0x0  }
0x6f: {  	s24 =	rddreg [dreg:$0xc];
	[sflag:s12] =	ssyncadd.s32 $0xFFFFEC00  }
0x70: {  	[spmem:s24] =	stream.linear.scatter [tilespmem:s11], [sflag:$0x7], $0x1400, $0x38;
	[tilespmem:$0x1D780] =	vst v63  }
0x71: {  	_ =	swait.ge [sflag:s12], $0x1400  }
0x72: {  	[sflag:s12] =	ssyncset.done $0x0  }
0x73: {  	s9 =	rddreg [dreg:$0xd];
	[sflag:s12] =	ssyncadd.s32 $0xFFFFEC00  }
0x74: {  	[spmem:s9] =	stream.linear.scatter [tilespmem:s11], [sflag:$0x7], $0x1400, $0x38;
	[tilespmem:$0x1D780] =	vst v63  }
0x75: {  	_ =	swait.ge [sflag:s12], $0x1400  }
0x76: {  	[sflag:s12] =	ssyncset.done $0x0  }
0x77: {  	s23 =	rddreg [dreg:$0xe];
	[sflag:s12] =	ssyncadd.s32 $0xFFFFEC00  }
0x78: {  	[spmem:s23] =	stream.linear.scatter [tilespmem:s11], [sflag:$0x7], $0x1400, $0x38;
	[tilespmem:$0x1D780] =	vst v63  }
0x79: {  	_ =	swait.ge [sflag:s12], $0x1400  }
0x7a: {  	[sflag:s12] =	ssyncset.done $0x0  }
0x7b: {  	[sflag:s12] =	ssyncadd.s32 $0xFFFFEC00  }
0x7c: {  	[bflag:$0x0] =	sbarrier.arrive $0xFFFF  }
0x7d: {  	s8 =	simm.s32 $0x0;
	s24 =	rddreg [dreg:$0x3]  }
0x7e: {  	[tilespmem:s8], [sflag:$0x1] =	stream.linear.gather [hbm4b:s24+s8], $0x80, $0x38;
	[tilespmem:$0x1D780] =	vst v63  }
0x7f: {  	s23 =	rddreg [dreg:$0x4]  }
0x80: {  	[tilespmem:s13], [sflag:$0x1] =	stream.linear.gather [hbm4b:s23+s8], $0x80, $0x38;
	[tilespmem:$0x1D780] =	vst v63  }
0x81: {  	s24 =	rddreg [dreg:$0xf]  }
0x82: {  	[tilespmem:s14], [sflag:$0x3] =	stream.linear.gather [hbm4b:s24+s8], $0x80, $0x38;
	[tilespmem:$0x1D780] =	vst v63  }
0x83: {  	s23 =	rddreg [dreg:$0x10]  }
0x84: {  	[tilespmem:s15], [sflag:$0x3] =	stream.linear.gather [hbm4b:s23+s8], $0x80, $0x38;
	[tilespmem:$0x1D780] =	vst v63  }
0x85: {  	_ =	swait.ge [sflag:s16], $0x80  }
0x86: {  	[sflag:s16] =	ssyncset.done $0x0  }
0x87: {  	[sflag:s16] =	ssyncadd.s32 $0xFFFFFF80  }
0x88: {  	_ =	swait.ge [sflag:s16], $0x80  }
0x89: {  	[sflag:s16] =	ssyncset.done $0x0  }
0x8a: {  	[sflag:s16] =	ssyncadd.s32 $0xFFFFFF80  }
0x8b: {  	[tilespmem:s17], [sflag:$0x2] =	stream.indirect.gather [hbm4b:s4+s13], $0x80, s8, s13, $0xb8;
	[tilespmem:$0x1D780] =	vst v63  }
0x8c: {  	_ =	swait.ge [sflag:s18], $0x80  }
0x8d: {  	[sflag:s18] =	ssyncset.done $0x0  }
0x8e: {  	[sflag:s18] =	ssyncadd.s32 $0xFFFFFF80  }
0x8f: {  	_ =	swait.ge [sflag:s18], $0x80  }
0x90: {  	[sflag:s18] =	ssyncset.done $0x0  }
0x91: {  	[sflag:s18] =	ssyncadd.s32 $0xFFFFFF80  }
0x92: {  	[tilespmem:s20], [sflag:$0x4] =	stream.indirect.gather [hbm4b:s4+s13], $0x80, s14, s13, $0xb8;
	[tilespmem:$0x1D780] =	vst v63  }
0x93: {  	_ =	swait.ge [sflag:s21], $0x4000  }
0x94: {  	[sflag:s21] =	ssyncset.done $0x0  }
0x95: {  	[sflag:s21] =	ssyncadd.s32 $0xFFFFC000  }
0x96: {  	[spmem:s2] =	stream.indirect.scatter.add.f32 [tilespmem:s17], [sflag:$0x7], $0x80, s13, s13, $0xb8;
	[tilespmem:$0x1D780] =	vst v63  }
0x97: {  	_ =	swait.ge [sflag:s12], $0x4000  }
0x98: {  	s24 =	sshrl.u32 s29, $0x3;
	[sflag:s12] =	ssyncset.done $0x0  }
0x99: {  	s23 =	sadd.s32 s5, s24;
	[sflag:s12] =	ssyncadd.s32 $0xFFFFC000  }
0x9a: {  	[tilespmem:s3], [sflag:$0x1] =	stream.linear.gather [hbm4b:s23+s3], $0x80, $0x38;
	[tilespmem:$0x1D780] =	vst v63  }
0x9b: {  	s8 =	sadd.s32 s6, s24  }
0x9c: {  	[tilespmem:s13], [sflag:$0x1] =	stream.linear.gather [hbm4b:s8+s3], $0x80, $0x38;
	[tilespmem:$0x1D780] =	vst v63  }
0x9d: {  	_ =	swait.ge [sflag:s16], $0x80  }
0x9e: {  	[sflag:s16] =	ssyncset.done $0x0  }
0x9f: {  	[sflag:s16] =	ssyncadd.s32 $0xFFFFFF80  }
0xa0: {  	_ =	swait.ge [sflag:s16], $0x80  }
0xa1: {  	[sflag:s16] =	ssyncset.done $0x0  }
0xa2: {  	[sflag:s16] =	ssyncadd.s32 $0xFFFFFF80  }
0xa3: {  	[tilespmem:s17], [sflag:$0x2] =	stream.indirect.gather [hbm4b:s4+s13], $0x80, s3, s13, $0xb8;
	[tilespmem:$0x1D780] =	vst v63  }
0xa4: {  	_ =	swait.ge [sflag:s22], $0x4000  }
0xa5: {  	[sflag:s22] =	ssyncset.done $0x0  }
0xa6: {  	[sflag:s22] =	ssyncadd.s32 $0xFFFFC000  }
0xa7: {  	[spmem:s2] =	stream.indirect.scatter.add.f32 [tilespmem:s20], [sflag:$0x7], $0x80, s15, s13, $0xb8;
	[tilespmem:$0x1D780] =	vst v63  }
0xa8: {  	_ =	swait.ge [sflag:s12], $0x4000  }
0xa9: {  	s30 =	sadd.s32 $0x0, s26;
	s9 =	sadd.s32 $0x100, s29;
	[sflag:s12] =	ssyncset.done $0x0  }
0xaa: {  	s24 =	sadd.s32 $0x0, s28;
	s8 =	simm.s32 $0x20;
	[sflag:s12] =	ssyncadd.s32 $0xFFFFC000  }
0xab: {  	[tilespmem:s14], [sflag:$0x3] =	stream.linear.gather [hbm4b:s24+s3], $0x80, $0x38;
	[tilespmem:$0x1D780] =	vst v63  }
.LBB2_4:
0xac: {  	[tilespmem:s15], [sflag:$0x3] =	stream.linear.gather [hbm4b:s30+s3], $0x80, $0x38;
	[tilespmem:$0x1D780] =	vst v63  }
0xad: {  	s30 =	smov.u32 s8  }
0xae: {  	p1 =	sne.s32 s8, $0x4A0;
	s8 =	sadd.s32 $0x20, s8;
	_ =	swait.ge [sflag:s18], $0x80  }
0xaf: {  	[sflag:s18] =	ssyncset.done $0x0  }
0xb0: {  	[sflag:s18] =	ssyncadd.s32 $0xFFFFFF80  }
0xb1: {  	_ =	swait.ge [sflag:s18], $0x80  }
0xb2: {  	[sflag:s18] =	ssyncset.done $0x0  }
0xb3: {  	[sflag:s18] =	ssyncadd.s32 $0xFFFFFF80  }
0xb4: {  	[tilespmem:s20], [sflag:$0x4] =	stream.indirect.gather [hbm4b:s4+s13], $0x80, s14, s13, $0xb8;
	[tilespmem:$0x1D780] =	vst v63  }
0xb5: {  	_ =	swait.ge [sflag:s21], $0x4000  }
0xb6: {  	[sflag:s21] =	ssyncset.done $0x0  }
0xb7: {  	[sflag:s21] =	ssyncadd.s32 $0xFFFFC000  }
0xb8: {  	[spmem:s2] =	stream.indirect.scatter.add.f32 [tilespmem:s17], [sflag:$0x7], $0x80, s13, s13, $0xb8;
	[tilespmem:$0x1D780] =	vst v63  }
0xb9: {  	_ =	swait.ge [sflag:s12], $0x4000  }
0xba: {  	s23 =	sshrl.u32 s9, $0x3;
	[sflag:s12] =	ssyncset.done $0x0  }
0xbb: {  	s24 =	sadd.s32 s5, s23;
	[sflag:s12] =	ssyncadd.s32 $0xFFFFC000  }
0xbc: {  	[tilespmem:s3], [sflag:$0x1] =	stream.linear.gather [hbm4b:s24+s3], $0x80, $0x38;
	[tilespmem:$0x1D780] =	vst v63  }
0xbd: {  	s23 =	sadd.s32 s6, s23  }
0xbe: {  	[tilespmem:s13], [sflag:$0x1] =	stream.linear.gather [hbm4b:s23+s3], $0x80, $0x38;
	[tilespmem:$0x1D780] =	vst v63  }
0xbf: {  	_ =	swait.ge [sflag:s16], $0x80  }
0xc0: {  	[sflag:s16] =	ssyncset.done $0x0  }
0xc1: {  	[sflag:s16] =	ssyncadd.s32 $0xFFFFFF80  }
0xc2: {  	_ =	swait.ge [sflag:s16], $0x80  }
0xc3: {  	[sflag:s16] =	ssyncset.done $0x0  }
0xc4: {  	[sflag:s16] =	ssyncadd.s32 $0xFFFFFF80  }
0xc5: {  	[tilespmem:s17], [sflag:$0x2] =	stream.indirect.gather [hbm4b:s4+s13], $0x80, s3, s13, $0xb8;
	[tilespmem:$0x1D780] =	vst v63  }
0xc6: {  	_ =	swait.ge [sflag:s22], $0x4000  }
0xc7: {  	[sflag:s22] =	ssyncset.done $0x0  }
0xc8: {  	[sflag:s22] =	ssyncadd.s32 $0xFFFFC000  }
0xc9: {  	[spmem:s2] =	stream.indirect.scatter.add.f32 [tilespmem:s20], [sflag:$0x7], $0x80, s15, s13, $0xb8;
	[tilespmem:$0x1D780] =	vst v63  }
.Ltmp1:
0xca: {  	_ =	swait.ge [sflag:s12], $0x4000;
	(pc) =	sbr.rel @p1 .LBB2_4-.Ltmp1, $4  }
0xcb: {  	[sflag:s12] =	ssyncset.done $0x0  }
0xcc: {  	s23 =	sadd.s32 s30, s28;
	[sflag:s12] =	ssyncadd.s32 $0xFFFFC000  }
0xcd: {  	[tilespmem:s14], [sflag:$0x3] =	stream.linear.gather [hbm4b:s23+s3], $0x80, $0x38;
	[tilespmem:$0x1D780] =	vst v63  }
0xce: {  	s9 =	sadd.s32 $0x100, s9;
	s30 =	sadd.s32 s30, s26  }
0xcf: {  	[tilespmem:s15], [sflag:$0x3] =	stream.linear.gather [hbm4b:s30+s3], $0x80, $0x38;
	[tilespmem:$0x1D780] =	vst v63  }
0xd0: {  	s8 =	rddreg [dreg:$0x11];
	s9 =	simm.s32 $0x8200  }
0xd1: {  	[tilespmem:s9], [sflag:$0x5] =	stream.linear.gather [hbm4b:s8+s3], $0x10, $0x38;
	[tilespmem:$0x1D780] =	vst v63  }
0xd2: {  	s24 =	rddreg [dreg:$0x12];
	s23 =	simm.s32 $0x8280  }
0xd3: {  	[tilespmem:s23], [sflag:$0x5] =	stream.linear.gather [hbm4b:s24+s3], $0x10, $0x38;
	[tilespmem:$0x1D780] =	vst v63  }
0xd4: {  	_ =	swait.ge [sflag:s18], $0x80  }
0xd5: {  	[sflag:s18] =	ssyncset.done $0x0  }
0xd6: {  	[sflag:s18] =	ssyncadd.s32 $0xFFFFFF80  }
0xd7: {  	_ =	swait.ge [sflag:s18], $0x80  }
0xd8: {  	[sflag:s18] =	ssyncset.done $0x0  }
0xd9: {  	[sflag:s18] =	ssyncadd.s32 $0xFFFFFF80  }
0xda: {  	[tilespmem:s20], [sflag:$0x4] =	stream.indirect.gather [hbm4b:s4+s13], $0x80, s14, s13, $0xb8;
	[tilespmem:$0x1D780] =	vst v63  }
0xdb: {  	_ =	swait.ge [sflag:s21], $0x4000  }
0xdc: {  	[sflag:s21] =	ssyncset.done $0x0  }
0xdd: {  	[sflag:s21] =	ssyncadd.s32 $0xFFFFC000  }
0xde: {  	[spmem:s2] =	stream.indirect.scatter.add.f32 [tilespmem:s17], [sflag:$0x7], $0x80, s13, s13, $0xb8;
	[tilespmem:$0x1D780] =	vst v63  }
0xdf: {  	_ =	swait.ge [sflag:s12], $0x4000  }
0xe0: {  	[sflag:s12] =	ssyncset.done $0x0  }
0xe1: {  	[sflag:s12] =	ssyncadd.s32 $0xFFFFC000  }
0xe2: {  	_ =	swait.ge [sflag:s25], $0x10  }
0xe3: {  	[sflag:s25] =	ssyncset.done $0x0  }
0xe4: {  	[sflag:s25] =	ssyncadd.s32 $0xFFFFFFF0  }
0xe5: {  	_ =	swait.ge [sflag:s25], $0x10  }
0xe6: {  	[sflag:s25] =	ssyncset.done $0x0  }
0xe7: {  	[sflag:s25] =	ssyncadd.s32 $0xFFFFFFF0  }
0xe8: {  	[tilespmem:s1], [sflag:$0x6] =	stream.indirect.gather [hbm4b:s4+s0], $0x80, s9, s0, $0xb8;
	[tilespmem:$0x1D780] =	vst v63  }
0xe9: {  	_ =	swait.ge [sflag:s22], $0x4000  }
0xea: {  	[sflag:s22] =	ssyncset.done $0x0  }
0xeb: {  	[sflag:s22] =	ssyncadd.s32 $0xFFFFC000  }
0xec: {  	[spmem:s2] =	stream.indirect.scatter.add.f32 [tilespmem:s20], [sflag:$0x7], $0x80, s15, s13, $0xb8;
	[tilespmem:$0x1D780] =	vst v63  }
0xed: {  	_ =	swait.ge [sflag:s12], $0x4000  }
0xee: {  	[sflag:s12] =	ssyncset.done $0x0  }
0xef: {  	[sflag:s12] =	ssyncadd.s32 $0xFFFFC000  }
0xf0: {  	_ =	swait.ge [sflag:s19], $0x800  }
0xf1: {  	[sflag:s19] =	ssyncset.done $0x0  }
0xf2: {  	[sflag:s19] =	ssyncadd.s32 $0xFFFFF800  }
0xf3: {  	[spmem:s2] =	stream.indirect.scatter.add.f32 [tilespmem:s1], [sflag:$0x7], $0x80, s23, s0, $0xb8;
	[tilespmem:$0x1D780] =	vst v63  }
0xf4: {  	_ =	swait.ge [sflag:s12], $0x800  }
0xf5: {  	[sflag:s12] =	ssyncset.done $0x0  }
0xf6: {  	[sflag:s12] =	ssyncadd.s32 $0xFFFFF800  }
0xf7: {  	[bflag:$0x0] =	sbarrier.arrive $0xFFFF  }
0xf8: {  	s8 =	rddreg [dreg:$0x15]  }
0xf9: {  	s9 =	simm.s32 @p0 $0x1FC7;
	s23 =	rddreg [dreg:$0x13];
	s8 =	sshrl.u32 @p0 s8, $0x3  }
0xfa: {  	[hbm:s23], [sflag:s9] =	dma.local @p0 [spmem:s8], $0x1900  }
0xfb: {  	s8 =	simm.s32 @p0 $0x7  }
0xfc: {  	s9 =	stileid.u32;
	_ =	swait.ge @p0 [sflag:s8], $0x1900  }
0xfd: {  	s9 =	sshll.u32 @!p0 s9, $0x6;
	[sflag:s8] =	ssyncset.done @p0 $0x0;
	s23 =	rddreg [dreg:$0x5]  }
0xfe: {  	[sflag:s8] =	ssyncadd.s32 @p0 $0xFFFFE700;
	s8 =	sor.u32 @!p0 $0x1C07, s9;
	s9 =	sshrl.u32 @!p0 s10, $0x3  }
0xff: {  	[hbm:s23], [sflag:s8] =	dma.local @!p0 [spmem:s9], $0x2800  }
0x100: {  	s8 =	simm.s32 @!p0 $0x7  }
0x101: {  	_ =	swait.ge @!p0 [sflag:s8], $0x2800  }
0x102: {  	s7 =	sadd.s32 $0x1, s7;
	s30 =	rddreg [dreg:$0x14]  }
0x103: {  	p1 =	sne.s32 s7, s30  }
.Ltmp2:
0x104: {  	_ = 	snop;
	(pc) =	sbr.rel @p1 .LBB2_1-.Ltmp2, $3  }
0x105: {  	_ =	sdelay $0x1  }
0x106: {  	[sflag:s8] =	ssyncset.done @!p0 $0x0  }
0x107: {  	[sflag:s8] =	ssyncadd.s32 @!p0 $0xFFFFD800  }
0x108: {  	_ =	sfence.sel $0x180000  }
0x109: {  	[bflag:$0x0] =	sbarrier.arrive $0xFFFF  }
0x10a: {  	_ =	strace $0x9000004A  }
0x10b: {  	s0 =	stileid.u32;
	[bflag:$0x2] =	sbarrier.arrive $0xFFFF  }
0x10c: {  	p0 =	sne.s32 s0, $0x0;
	s0 =	rddreg [dreg:$0x2]  }
0x10d: {  	s0 =	sadd.s32 @!p0 $0x100000, s0  }
0x10e: {  	[sflag:s0] =	ssyncadd.tile.s32 @!p0 $0x1;
	_ =	shalt  }
.Lfunc_end2:
_tile_overlayer_lowered:
.L_overlay_start_2:
0x10f: {  	(tag) =	ssettag $0x2  }
0x110: {  	s0 =	rddreg [dreg:$0x0];
	s2 =	stileid.u32  }
0x111: {  	s1 =	rddreg [dreg:$0x1];
	p0 =	sne.s32 s2, $0x0  }
0x112: {  	s3 =	rddreg [dreg:$0x2];
	[bflag:$0x3] =	sbarrier.arrive $0xFFFF;
	s2 =	simm.s32 @!p0 $0x1C07  }
0x113: {  	[timem:s3], [sflag:s2] =	dma.local @!p0 [hbm:s0], s1  }
0x114: {  	s0 =	simm.s32 @!p0 $0x7  }
0x115: {  	_ =	swait.ge @!p0 [sflag:s0], s1  }
0x116: {  	s1 =	ssub.s32 @!p0 $0x0, s1;
	[sflag:s0] =	ssyncset.done @!p0 $0x0  }
0x117: {  	[sflag:s0] =	ssyncadd.s32 @!p0 s1  }
0x118: {  	[bflag:$0x3] =	sbarrier.arrive $0xFFFF  }
0x119: {  	_ =	shalt  }

// kernel: kernel.15.cloned.1.call-start
scs
__scs_entry_jumppad:
0x0: {  	(pc) =	sbr.rel $0x88, $3  }
0x1: {  	(tag) =	ssettag $0x0;
	lr =	simm.s32 $0x1  }
0x2: {  	[smem:$0x3F9A] =	sst lr;
	_ =	strace $0xD0000000  }
0x3: {  	_ = 	snop  }
0x4: {  	_ = 	snop  }
0x5: {  	_ = 	snop  }
0x6: {  	_ = 	snop  }
0x7: {  	_ = 	snop  }
__scs_overlays_trampoline_lowered:
0x8: {  	[smem:$0x3FA9] =	sst s0  }
0x9: {  	[smem:$0x3FAA] =	sst s1  }
0xa: {  	[smem:$0x3FAB] =	sst s2  }
0xb: {  	[smem:$0x3FAC] =	sst s3  }
0xc: {  	[smem:$0x3FAD] =	sst s4  }
0xd: {  	[smem:$0x3FAE] =	sst s5  }
0xe: {  	[smem:$0x3FAF] =	sst s6  }
0xf: {  	[smem:$0x3FB0] =	sst s7  }
0x10: {  	[smem:$0x3FB1] =	sst s8  }
0x11: {  	[smem:$0x3FB2] =	sst s9;
	s0 =	simm.s32 @!p0 $0x0  }
0x12: {  	s1 =	sld [smem:$0x3F98];
	s0 =	simm.s32 @p0 $0x1  }
0x13: {  	[smem:$0x3FB3] =	sst s0;
	s0 =	simm.s32 @!p1 $0x0  }
0x14: {  	s2 =	sld [smem:$0x3F97];
	s0 =	simm.s32 @p1 $0x1  }
0x15: {  	[smem:$0x3FB4] =	sst s0;
	s0 =	simm.s32 @!p2 $0x0  }
0x16: {  	s3 =	sld [smem:$0x3FDB];
	s0 =	simm.s32 @p2 $0x1  }
0x17: {  	s4 =	simm.s32 $0x1BF5;
	[smem:$0x3FB6] =	sst s0  }
0x18: {  	s0 =	sld [smem:$0x3F99];
	_ =	swait.ge [sflag:s4], $0x0  }
0x19: {  	s7 =	sld [smem:$0x3F9A]  }
0x1a: {  	s8 =	sadd.s32 $0xFFFFE003, lr  }
0x1b: {  	s9 =	sadd.s32 $0xFFFFFEF7, lr;
	s5 =	simm.s32 $0xFFFFFFFF;
	p2 =	slt.u32 s8, $0xFFFFF086  }
0x1c: {  	p1 =	slt.u32 s9, $0xF7A;
	s5 =	simm.s32 @!p2 $0x0  }
0x1d: {  	s5 =	simm.s32 @p1 $0x1;
	p0 =	seq.s32 s7, s2  }
0x1e: {  	s7 =	smul.u32 @!p0 $0xF7A, s2;
	p2 =	seq.s32 @!p0 s5, $0x0  }
0x1f: {  	s9 =	smul.u32 $0xF7A, s1;
	s8 =	simm.s32 @!p0 $0x1BF5;
	p2 =	por !p2, p0  }
0x20: {  	[sflag:s8] =	ssyncset.s32 @!p0 $0xFFFFF086;
	s6 =	sadd.s32 @!p0 s3, s7;
	s7 =	simm.s32 @!p0 $0x108  }
0x21: {  	s3 =	sadd.s32 s3, s9;
	s6 =	sadd.s32 @!p0 $0x88, s6;
	s7 =	simm.s32 @p2 $0x1082  }
0x22: {  	[simem:s7], [sflag:s8] =	dma.local @!p0 [hbm:s6], $0xF7A  }
0x23: {  	s9 =	sor.u32 $0xD0000000, s2;
	s6 =	simm.s32 $0x108;
	_ =	swait.ge @!p0 [sflag:s8], $0x0  }
0x24: {  	s3 =	sadd.s32 $0x88, s3;
	s6 =	simm.s32 @!p1 $0x1082;
	[sflag:s4] =	ssyncset.s32 $0xFFFFF086  }
0x25: {  	[simem:s6], [sflag:s4] =	dma.local [hbm:s3], $0xF7A  }
0x26: {  	[smem:$0x3F9A] =	sst s1;
	(tag) =	ssettag s2;
	_ =	strace s9  }
0x27: {  	s1 =	sld [smem:$0x3FAA]  }
0x28: {  	s2 =	sld [smem:$0x3FAB]  }
0x29: {  	s4 =	sld [smem:$0x3FAD]  }
0x2a: {  	p0 =	seq.s32 s5, $0x0;
	s5 =	sld [smem:$0x3FAE]  }
0x2b: {  	s6 =	sld [smem:$0x3FAF]  }
0x2c: {  	s7 =	sld [smem:$0x3FB0]  }
0x2d: {  	s3 =	simm.s32 $0x108;
	s8 =	sld [smem:$0x3FB1]  }
0x2e: {  	s3 =	simm.s32 @!p0 $0x1082;
	s9 =	sld [smem:$0x3FB2]  }
0x2f: {  	lr =	sadd.s32 s0, s3;
	s0 =	sld [smem:$0x3FA9]  }
0x30: {  	s3 =	sld [smem:$0x3FAC]  }
0x31: {  	[smem:$0x3FB5] =	sst s10  }
0x32: {  	s10 =	sld [smem:$0x3FB3];
	_ =	sdelay $0x3  }
0x33: {  	p0 =	seq.s32 s10, $0x1;
	s10 =	sld [smem:$0x3FB5];
	_ =	sdelay $0x3  }
0x34: {  	[smem:$0x3FB5] =	sst s10  }
0x35: {  	s10 =	sld [smem:$0x3FB4];
	_ =	sdelay $0x3  }
0x36: {  	p1 =	seq.s32 s10, $0x1;
	s10 =	sld [smem:$0x3FB5];
	_ =	sdelay $0x3  }
0x37: {  	[smem:$0x3FB5] =	sst s10  }
0x38: {  	s10 =	sld [smem:$0x3FB6]  }
0x39: {  	_ = 	snop;
	(pc) =	sbr.ind lr, $3  }
0x3a: {  	_ = 	snop  }
0x3b: {  	_ = 	snop  }
0x3c: {  	p2 =	seq.s32 s10, $0x1;
	s10 =	sld [smem:$0x3FB5]  }
0x3d: {  	_ =	shalt  }
0x3e: {  	_ =	shalt  }
0x3f: {  	_ =	shalt  }
0x40: {  	_ =	shalt  }
0x41: {  	_ =	shalt  }
0x42: {  	_ =	shalt  }
0x43: {  	_ =	shalt  }
0x44: {  	_ =	shalt  }
0x45: {  	_ =	shalt  }
0x46: {  	_ =	shalt  }
0x47: {  	_ =	shalt  }
0x48: {  	_ =	shalt  }
0x49: {  	_ =	shalt  }
0x4a: {  	_ =	shalt  }
0x4b: {  	_ =	shalt  }
0x4c: {  	_ =	shalt  }
0x4d: {  	_ =	shalt  }
0x4e: {  	_ =	shalt  }
0x4f: {  	_ =	shalt  }
0x50: {  	_ =	shalt  }
0x51: {  	_ =	shalt  }
0x52: {  	_ =	shalt  }
0x53: {  	_ =	shalt  }
0x54: {  	_ =	shalt  }
0x55: {  	_ =	shalt  }
0x56: {  	_ =	shalt  }
0x57: {  	_ =	shalt  }
0x58: {  	_ =	shalt  }
0x59: {  	_ =	shalt  }
0x5a: {  	_ =	shalt  }
0x5b: {  	_ =	shalt  }
0x5c: {  	_ =	shalt  }
0x5d: {  	_ =	shalt  }
0x5e: {  	_ =	shalt  }
0x5f: {  	_ =	shalt  }
0x60: {  	_ =	shalt  }
0x61: {  	_ =	shalt  }
0x62: {  	_ =	shalt  }
0x63: {  	_ =	shalt  }
0x64: {  	_ =	shalt  }
0x65: {  	_ =	shalt  }
0x66: {  	_ =	shalt  }
0x67: {  	_ =	shalt  }
0x68: {  	_ =	shalt  }
0x69: {  	_ =	shalt  }
0x6a: {  	_ =	shalt  }
0x6b: {  	_ =	shalt  }
0x6c: {  	_ =	shalt  }
0x6d: {  	_ =	shalt  }
0x6e: {  	_ =	shalt  }
0x6f: {  	_ =	shalt  }
0x70: {  	_ =	shalt  }
0x71: {  	_ =	shalt  }
0x72: {  	_ =	shalt  }
0x73: {  	_ =	shalt  }
0x74: {  	_ =	shalt  }
0x75: {  	_ =	shalt  }
0x76: {  	_ =	shalt  }
0x77: {  	_ =	shalt  }
0x78: {  	_ =	shalt  }
0x79: {  	_ =	shalt  }
0x7a: {  	_ =	shalt  }
0x7b: {  	_ =	shalt  }
0x7c: {  	_ =	shalt  }
0x7d: {  	_ =	shalt  }
0x7e: {  	_ =	shalt  }
0x7f: {  	_ =	shalt  }
0x80: {  	_ =	shalt  }
0x81: {  	_ =	shalt  }
0x82: {  	_ =	shalt  }
0x83: {  	_ =	shalt  }
0x84: {  	_ =	shalt  }
0x85: {  	_ =	shalt  }
0x86: {  	_ =	shalt  }
0x87: {  	_ =	shalt  }
.Lfunc_end0:
.L_simem_size_0:
called_computation.2_lowered:
.L_overlay_start_0:
0x88: {  	s2 =	sld [smem:$0x3FD9]  }
0x89: {  	s3 =	sld [smem:$0x3FFE];
	_ =	sdelay $0x1  }
0x8a: {  	s1 =	srdreg.scid  }
0x8b: {  	s0 =	sand.u32 $0x1, s1  }
0x8c: {  	s16 =	sshll.u32 s0, $0xA;
	s2 =	sadd.s32 s3, s2  }
0x8d: {  	s2 =	sadd.s32 s2, s16  }
0x8e: {  	[smem:$0x3FC1] =	sst s2  }
0x8f: {  	_ = 	snop  }
0x90: {  	(tm) =	ssettm $0x1  }
0x91: {  	s17 =	sld [smem:$0x3FFB];
	_ =	sdelay $0x3  }
0x92: {  	_ =	strace s17  }
0x93: {  	s2 =	sld [smem:$0x3FFC];
	_ =	sdelay $0x3  }
0x94: {  	_ =	strace s2  }
0x95: {  	s2 =	sld [smem:$0x3FFD];
	_ =	sdelay $0x3  }
0x96: {  	_ =	strace s2  }
0x97: {  	_ =	strace $0x8FFFFFFF  }
0x98: {  	s18 =	sld [smem:$0x3FDB];
	_ =	sdelay $0x1  }
0x99: {  	s19 =	simm.s32 $_scs_section_size  }
0x9a: {  	s4 =	simm.s32 $_size__tile_overlayer_lowered;
	s5 =	simm.s32 $_tile_overlayer_lowered  }
0x9b: {  	s22 =	simm.s32 $0x1BFF;
	s21 =	sshll.u32 s5, $0x1;
	s2 =	sadd.s32 s19, s18  }
0x9c: {  	s6 =	simm.s32 $0x0;
	s20 =	sshll.u32 s4, $0x1;
	s4 =	sadd.s32 s21, s2  }
0x9d: {  	[timem:s6], [sflag:s22] =	dma.local [hbm:s4], s20  }
0x9e: {  	_ =	swait.ge [sflag:s22], s20  }
0x9f: {  	s3 =	ssub.s32 $0x0, s20;
	[sflag:s22] =	ssyncset.done $0x0  }
0xa0: {  	[sflag:s22] =	ssyncadd.s32 s3;
	_ =	sdelay $0x1  }
0xa1: {  	s23 =	simm.s32 $0x1B8B  }
0xa2: {  	_ =	swait.ge [sflag:s23], $0x1  }
0xa3: {  	[sflag:s23] =	ssyncset.done $0x0  }
0xa4: {  	s25 =	simm.s32 $0x1B8E;
	s24 =	sld [smem:$0x3FFE];
	[sflag:s23] =	ssyncadd.s32 $0xFFFFFFFF  }
0xa5: {  	s26 =	simm.s32 $execute0_lowered;
	[smem:$0x3FD2] =	sst s25  }
0xa6: {  	s4 =	sshll.u32 s26, $0x1;
	_ =	strace $0x8000004C;
	[dreg:$0x1] =	wrdreg $0xFFFFFFFF  }
0xa7: {  	s28 =	simm.s32 $_size_execute0_lowered;
	s2 =	sadd.s32 s2, s4;
	[dreg:$0x0] =	wrdreg $0x0  }
0xa8: {  	s4 =	sshll.u32 s28, $0x1;
	[dreg:$0x2] =	wrdreg s2  }
0xa9: {  	[dreg:$0x3] =	wrdreg s4  }
0xaa: {  	[dreg:$0x4] =	wrdreg $0xC0  }
0xab: {  	_ =	task [dreg:s6], $0x5FFFF  }
0xac: {  	[dreg:$0x1] =	wrdreg $0xFFFFFFFF  }
0xad: {  	[dreg:$0x0] =	wrdreg $0x60  }
0xae: {  	[dreg:$0x2] =	wrdreg s24  }
0xaf: {  	[dreg:$0x3] =	wrdreg $0x9F000  }
0xb0: {  	[dreg:$0x4] =	wrdreg $0x9  }
0xb1: {  	_ =	task.clear_ibuf [dreg:s6], $0x5FFFF;
	_ =	strace $0x9000004C  }
0xb2: {  	s29 =	simm.s32 $0x9;
	_ =	strace $0x8000004E  }
0xb3: {  	_ =	swait.ge [sflag:s29], $0x1  }
0xb4: {  	[sflag:s29] =	ssyncadd.s32 $0xFFFFFFFF  }
0xb5: {  	_ =	strace $0x9000004E  }
0xb6: {  	_ =	sfence  }
0xb7: {  	s30 =	sld [smem:$0x0];
	_ =	sdelay $0x2  }
0xb8: {  	s31 =	sshll.u32 s1, $0xD;
	s1 =	sshrl.u32 s1, $0x2  }
0xb9: {  	s3 =	sand.u32 $0x4000, s31;
	s1 =	sadd.s32 s1, s30  }
0xba: {  	s0 =	sor.u32 s3, s0;
	s1 =	sshll.u32 s1, $0x11  }
0xbb: {  	s0 =	sor.u32 s1, s0  }
0xbc: {  	s0 =	sadd.s32 $0x8F2B, s0  }
0xbd: {  	[sflag:s0] =	ssyncadd.remote.s32 $0x1  }
0xbe: {  	_ =	sfence.sel $0xFFFF  }
0xbf: {  	[dreg:$0x0] =	wrdreg $0xFFFFFFFF;
	(pc) =	sbr.abs _section_cstart, $3  }
0xc0: {  	[dreg:$0x1] =	wrdreg $0xFFFFFFFF  }
0xc1: {  	_ =	task.clear_ibuf [dreg:s6], $0x2FFFF;
	_ =	strace $0x9FFFFFFF  }
0xc2: {  	(tm) =	ssettm $0x7FFFFFFF  }
0xc3: {  	_ =	shalt  }
tec
execute0_lowered:
.L_overlay_start_1:
0x0: {  	(tag) =	ssettag $0x1  }
0x1: {  	s0 =	rddreg [dreg:$0x0]  }
0x2: {  	s2 =	rddreg [dreg:$0x1];
	s3 =	simm.s32 $0x0;
	s1 =	srdreg.scid  }
0x3: {  	s13 =	stileid.u32;
	[smem:$0x7FF] =	sst s3  }
0x4: {  	s1 =	sand.u32 $0x1, s1;
	s5 =	sshll.u32 s13, $0x1;
	s11 =	smul.u32 $0x14000, s13  }
0x5: {  	s4 =	sadd.s32 $0x16400, s0;
	s6 =	sadd.s32 $0xC600, s0;
	s25 =	smul.u32 $0x50000, s13  }
0x6: {  	s30 =	smul.u32 $0x4E20, s13;
	p0 =	seq.s32 s13, $0xF;
	s13 =	simm.s32 $0x80  }
0x7: {  	_ =	strace $0x8000004D;
	s7 =	sor.u32 s1, s5;
	s9 =	smul.u32 $0x138800, s1  }
0x8: {  	s5 =	sadd.s32 $0x2800, s0;
	s8 =	ssub.s32 $0x2, s1;
	s1 =	smul.u32 $0x2710, s1  }
0x9: {  	s0 =	sadd.s32 $0x3D600, s0;
	s7 =	smul.u32 $0x2710, s7;
	s10 =	sshrl.u32 s8, $0x1  }
0xa: {  	s8 =	ssub.s32 s8, s10;
	s11 =	sadd.s32 s11, s9;
	s10 =	sshrl.u32 s25, $0x2  }
0xb: {  	s9 =	sshrl.u32 s9, $0x3;
	s1 =	sadd.s32 s1, s30;
	s7 =	sshrl.u32 s7, $0x3  }
0xc: {  	s11 =	sshrl.u32 s11, $0x3;
	s10 =	sadd.s32 s10, s2;
	s29 =	sadd.s32 $0x100, s1  }
0xd: {  	s24 =	sadd.s32 s5, s7;
	s12 =	sadd.s32 s6, s7;
	s26 =	sadd.s32 $0x10, s7  }
0xe: {  	s11 =	sadd.s32 s0, s11;
	s0 =	sadd.s32 s0, s9;
	s14 =	sadd.s32 $0x8C00, s10  }
0xf: {  	s15 =	sadd.s32 $0xA000, s10;
	s16 =	sadd.s32 $0xB400, s10;
	s17 =	sadd.s32 $0xC800, s10  }
0x10: {  	s18 =	sadd.s32 $0xDC00, s10;
	s19 =	sadd.s32 $0xF000, s10;
	s20 =	sadd.s32 $0x10400, s10  }
0x11: {  	s21 =	sadd.s32 $0x11800, s10;
	s9 =	sadd.s32 $0x12E800, s2;
	[dreg:$0x3] =	wrdreg s24  }
0x12: {  	s7 =	sadd.s32 $0x4E0, s7;
	s31 =	sadd.s32 $0x7800, s10;
	[dreg:$0x4] =	wrdreg s12  }
0x13: {  	s22 =	sadd.s32 $0x1400, s10;
	s23 =	sadd.s32 $0x2800, s10;
	[dreg:$0x5] =	wrdreg s11  }
0x14: {  	s25 =	sadd.s32 $0x5000, s10;
	s30 =	sadd.s32 $0x6400, s10;
	[dreg:$0x16] =	wrdreg s22  }
0x15: {  	s11 =	sadd.s32 $0x12D400, s2;
	s15 =	smov.u32 @p0 s9;
	[dreg:$0x17] =	wrdreg s23  }
0x16: {  	s9 =	sadd.s32 $0x131000, s2;
	s0 =	sadd.s32 $0x25800, s0;
	[dreg:$0x19] =	wrdreg s25  }
0x17: {  	s24 =	sadd.s32 $0x3C00, s10;
	[dreg:$0x1a] =	wrdreg s30;
	s12 =	simm.s32 $0x7  }
0x18: {  	s22 =	simm.s32 $0x4;
	s25 =	simm.s32 $0x5;
	[dreg:$0x7] =	wrdreg s15  }
0x19: {  	s14 =	smov.u32 @p0 s11;
	s11 =	sadd.s32 $0x12FC00, s2;
	[dreg:$0x13] =	wrdreg s0  }
0x1a: {  	s17 =	smov.u32 @p0 s9;
	s9 =	sadd.s32 $0x133800, s2;
	[dreg:$0x18] =	wrdreg s24  }
0x1b: {  	s0 =	sadd.s32 $0x12C000, s2;
	s15 =	simm.s32 $0x4180;
	[dreg:$0x6] =	wrdreg s14  }
0x1c: {  	s16 =	smov.u32 @p0 s11;
	s11 =	sadd.s32 $0x132400, s2;
	[dreg:$0x9] =	wrdreg s17  }
0x1d: {  	s19 =	smov.u32 @p0 s9;
	s9 =	sadd.s32 $0x136000, s2;
	[dreg:$0x15] =	wrdreg s0  }
0x1e: {  	s17 =	sadd.s32 s6, s26;
	s31 =	smov.u32 @p0 s0;
	[dreg:$0x8] =	wrdreg s16  }
0x1f: {  	s14 =	simm.s32 $0x4100;
	s0 =	simm.s32 $0x10;
	[dreg:$0xb] =	wrdreg s19  }
0x20: {  	s18 =	smov.u32 @p0 s11;
	s11 =	sadd.s32 $0x134C00, s2;
	[dreg:$0x10] =	wrdreg s17  }
0x21: {  	s21 =	smov.u32 @p0 s9;
	s9 =	sadd.s32 $0x137400, s2;
	[dreg:$0xa] =	wrdreg s18  }
0x22: {  	s16 =	sadd.s32 s5, s26;
	s19 =	sadd.s32 $0x180, s1;
	[dreg:$0xd] =	wrdreg s21  }
0x23: {  	s17 =	simm.s32 $0x100;
	s20 =	smov.u32 @p0 s11;
	[dreg:$0xf] =	wrdreg s16  }
0x24: {  	s1 =	simm.s32 $0x8300;
	s18 =	sadd.s32 s5, s7;
	[dreg:$0xc] =	wrdreg s20  }
0x25: {  	s11 =	sadd.s32 $0x12C00, s10;
	s7 =	sadd.s32 s6, s7;
	[dreg:$0x11] =	wrdreg s18  }
0x26: {  	s21 =	smax.u32 s8, $0x1;
	s16 =	simm.s32 $0x1;
	[dreg:$0x12] =	wrdreg s7  }
0x27: {  	s11 =	smov.u32 @p0 s9;
	s20 =	sshrl.u32 s19, $0x3;
	[dreg:$0x14] =	wrdreg s21  }
0x28: {  	s18 =	simm.s32 $0x3;
	s21 =	simm.s32 $0x2;
	s19 =	simm.s32 $0x6  }
0x29: {  	s7 =	simm.s32 $0x0;
	[dreg:$0xe] =	wrdreg s11;
	s26 =	sadd.s32 s20, s6  }
0x2a: {  	v0 =	vimm.f32 $0.0e+00;
	s28 =	sadd.s32 s20, s5;
	s11 =	simm.s32 $0x8B00;
	s20 =	simm.s32 $0x4200  }
.LBB2_1:
0x2b: {  	s8 =	simm.s32 $0x0;
	s9 =	simm.s32 $0x200  }
.LBB2_2:
0x2c: {  	p1 =	sne.s32 s9, $0x4E00;
	[tilespmem:s8+$0x8B70] =	vst v0  }
0x2d: {  	[tilespmem:s8+$0x8B00] =	vst v0  }
0x2e: {  	[tilespmem:s8+$0x8B10] =	vst v0  }
.Ltmp0:
0x2f: {  	[tilespmem:s8+$0x8B20] =	vst v0;
	(pc) =	sbr.rel @p1 .LBB2_2-.Ltmp0, $4  }
0x30: {  	[tilespmem:s8+$0x8B30] =	vst v0  }
0x31: {  	[tilespmem:s8+$0x8B40] =	vst v0  }
0x32: {  	[tilespmem:s8+$0x8B50] =	vst v0  }
0x33: {  	[tilespmem:s8+$0x8B60] =	vst v0;
	s8 =	sshra.s32 s9, $0x2;
	s9 =	sadd.s32 $0x200, s9  }
0x34: {  	[tilespmem:s8+$0x8B70] =	vst v0  }
0x35: {  	[tilespmem:s8+$0x8B00] =	vst v0  }
0x36: {  	[tilespmem:s8+$0x8B10] =	vst v0  }
0x37: {  	[tilespmem:s8+$0x8B20] =	vst v0  }
0x38: {  	[tilespmem:s8+$0x8B30] =	vst v0  }
0x39: {  	[tilespmem:s8+$0x8B40] =	vst v0  }
0x3a: {  	[tilespmem:s8+$0x8B50] =	vst v0  }
0x3b: {  	[tilespmem:s8+$0x8B60] =	vst v0;
	s8 =	simm.s32 @!p0 $0x8B00;
	s9 =	simm.s32 @!p0 $0x7  }
0x3c: {  	[spmem:s10] =	stream.linear.scatter @!p0 [tilespmem:s8], [sflag:$0x7], $0x1400, $0x38;
	[tilespmem:$0x1D780] =	vst v63  }
0x3d: {  	_ =	swait.ge @!p0 [sflag:s9], $0x1400  }
0x3e: {  	[sflag:s9] =	ssyncset.done @!p0 $0x0  }
0x3f: {  	s23 =	rddreg [dreg:$0x16];
	[sflag:s9] =	ssyncadd.s32 @!p0 $0xFFFFEC00  }
0x40: {  	[spmem:s23] =	stream.linear.scatter @!p0 [tilespmem:s8], [sflag:$0x7], $0x1400, $0x38;
	[tilespmem:$0x1D780] =	vst v63  }
0x41: {  	_ =	swait.ge @!p0 [sflag:s9], $0x1400  }
0x42: {  	[sflag:s9] =	ssyncset.done @!p0 $0x0  }
0x43: {  	s23 =	rddreg [dreg:$0x17];
	[sflag:s9] =	ssyncadd.s32 @!p0 $0xFFFFEC00  }
0x44: {  	[spmem:s23] =	stream.linear.scatter @!p0 [tilespmem:s8], [sflag:$0x7], $0x1400, $0x38;
	[tilespmem:$0x1D780] =	vst v63  }
0x45: {  	_ =	swait.ge @!p0 [sflag:s9], $0x1400  }
0x46: {  	[sflag:s9] =	ssyncset.done @!p0 $0x0  }
0x47: {  	s23 =	rddreg [dreg:$0x18];
	[sflag:s9] =	ssyncadd.s32 @!p0 $0xFFFFEC00  }
0x48: {  	[spmem:s23] =	stream.linear.scatter @!p0 [tilespmem:s8], [sflag:$0x7], $0x1400, $0x38;
	[tilespmem:$0x1D780] =	vst v63  }
0x49: {  	_ =	swait.ge @!p0 [sflag:s9], $0x1400  }
0x4a: {  	[sflag:s9] =	ssyncset.done @!p0 $0x0  }
0x4b: {  	s23 =	rddreg [dreg:$0x19];
	[sflag:s9] =	ssyncadd.s32 @!p0 $0xFFFFEC00  }
0x4c: {  	[spmem:s23] =	stream.linear.scatter @!p0 [tilespmem:s8], [sflag:$0x7], $0x1400, $0x38;
	[tilespmem:$0x1D780] =	vst v63  }
0x4d: {  	_ =	swait.ge @!p0 [sflag:s9], $0x1400  }
0x4e: {  	[sflag:s9] =	ssyncset.done @!p0 $0x0  }
0x4f: {  	s23 =	rddreg [dreg:$0x1a];
	[sflag:s9] =	ssyncadd.s32 @!p0 $0xFFFFEC00  }
0x50: {  	[spmem:s23] =	stream.linear.scatter @!p0 [tilespmem:s8], [sflag:$0x7], $0x1400, $0x38;
	[tilespmem:$0x1D780] =	vst v63  }
0x51: {  	_ =	swait.ge @!p0 [sflag:s9], $0x1400  }
0x52: {  	[sflag:s9] =	ssyncset.done @!p0 $0x0  }
0x53: {  	[sflag:s9] =	ssyncadd.s32 @!p0 $0xFFFFEC00  }
0x54: {  	[spmem:s31] =	stream.linear.scatter [tilespmem:s11], [sflag:$0x7], $0x1400, $0x38;
	[tilespmem:$0x1D780] =	vst v63  }
0x55: {  	_ =	swait.ge [sflag:s12], $0x1400  }
0x56: {  	[sflag:s12] =	ssyncset.done $0x0  }
0x57: {  	s24 =	rddreg [dreg:$0x6];
	[sflag:s12] =	ssyncadd.s32 $0xFFFFEC00  }
0x58: {  	[spmem:s24] =	stream.linear.scatter [tilespmem:s11], [sflag:$0x7], $0x1400, $0x38;
	[tilespmem:$0x1D780] =	vst v63  }
0x59: {  	_ =	swait.ge [sflag:s12], $0x1400  }
0x5a: {  	[sflag:s12] =	ssyncset.done $0x0  }
0x5b: {  	s9 =	rddreg [dreg:$0x7];
	[sflag:s12] =	ssyncadd.s32 $0xFFFFEC00  }
0x5c: {  	[spmem:s9] =	stream.linear.scatter [tilespmem:s11], [sflag:$0x7], $0x1400, $0x38;
	[tilespmem:$0x1D780] =	vst v63  }
0x5d: {  	_ =	swait.ge [sflag:s12], $0x1400  }
0x5e: {  	[sflag:s12] =	ssyncset.done $0x0  }
0x5f: {  	s23 =	rddreg [dreg:$0x8];
	[sflag:s12] =	ssyncadd.s32 $0xFFFFEC00  }
0x60: {  	[spmem:s23] =	stream.linear.scatter [tilespmem:s11], [sflag:$0x7], $0x1400, $0x38;
	[tilespmem:$0x1D780] =	vst v63  }
0x61: {  	_ =	swait.ge [sflag:s12], $0x1400  }
0x62: {  	[sflag:s12] =	ssyncset.done $0x0  }
0x63: {  	s24 =	rddreg [dreg:$0x9];
	[sflag:s12] =	ssyncadd.s32 $0xFFFFEC00  }
0x64: {  	[spmem:s24] =	stream.linear.scatter [tilespmem:s11], [sflag:$0x7], $0x1400, $0x38;
	[tilespmem:$0x1D780] =	vst v63  }
0x65: {  	_ =	swait.ge [sflag:s12], $0x1400  }
0x66: {  	[sflag:s12] =	ssyncset.done $0x0  }
0x67: {  	s9 =	rddreg [dreg:$0xa];
	[sflag:s12] =	ssyncadd.s32 $0xFFFFEC00  }
0x68: {  	[spmem:s9] =	stream.linear.scatter [tilespmem:s11], [sflag:$0x7], $0x1400, $0x38;
	[tilespmem:$0x1D780] =	vst v63  }
0x69: {  	_ =	swait.ge [sflag:s12], $0x1400  }
0x6a: {  	[sflag:s12] =	ssyncset.done $0x0  }
0x6b: {  	s23 =	rddreg [dreg:$0xb];
	[sflag:s12] =	ssyncadd.s32 $0xFFFFEC00  }
0x6c: {  	[spmem:s23] =	stream.linear.scatter [tilespmem:s11], [sflag:$0x7], $0x1400, $0x38;
	[tilespmem:$0x1D780] =	vst v63  }
0x6d: {  	_ =	swait.ge [sflag:s12], $0x1400  }
0x6e: {  	[sflag:s12] =	ssyncset.done $0x0  }
0x6f: {  	s24 =	rddreg [dreg:$0xc];
	[sflag:s12] =	ssyncadd.s32 $0xFFFFEC00  }
0x70: {  	[spmem:s24] =	stream.linear.scatter [tilespmem:s11], [sflag:$0x7], $0x1400, $0x38;
	[tilespmem:$0x1D780] =	vst v63  }
0x71: {  	_ =	swait.ge [sflag:s12], $0x1400  }
0x72: {  	[sflag:s12] =	ssyncset.done $0x0  }
0x73: {  	s9 =	rddreg [dreg:$0xd];
	[sflag:s12] =	ssyncadd.s32 $0xFFFFEC00  }
0x74: {  	[spmem:s9] =	stream.linear.scatter [tilespmem:s11], [sflag:$0x7], $0x1400, $0x38;
	[tilespmem:$0x1D780] =	vst v63  }
0x75: {  	_ =	swait.ge [sflag:s12], $0x1400  }
0x76: {  	[sflag:s12] =	ssyncset.done $0x0  }
0x77: {  	s23 =	rddreg [dreg:$0xe];
	[sflag:s12] =	ssyncadd.s32 $0xFFFFEC00  }
0x78: {  	[spmem:s23] =	stream.linear.scatter [tilespmem:s11], [sflag:$0x7], $0x1400, $0x38;
	[tilespmem:$0x1D780] =	vst v63  }
0x79: {  	_ =	swait.ge [sflag:s12], $0x1400  }
0x7a: {  	[sflag:s12] =	ssyncset.done $0x0  }
0x7b: {  	[sflag:s12] =	ssyncadd.s32 $0xFFFFEC00  }
0x7c: {  	[bflag:$0x0] =	sbarrier.arrive $0xFFFF  }
0x7d: {  	s8 =	simm.s32 $0x0;
	s24 =	rddreg [dreg:$0x3]  }
0x7e: {  	[tilespmem:s8], [sflag:$0x1] =	stream.linear.gather [hbm4b:s24+s8], $0x80, $0x38;
	[tilespmem:$0x1D780] =	vst v63  }
0x7f: {  	s23 =	rddreg [dreg:$0x4]  }
0x80: {  	[tilespmem:s13], [sflag:$0x1] =	stream.linear.gather [hbm4b:s23+s8], $0x80, $0x38;
	[tilespmem:$0x1D780] =	vst v63  }
0x81: {  	s24 =	rddreg [dreg:$0xf]  }
0x82: {  	[tilespmem:s14], [sflag:$0x3] =	stream.linear.gather [hbm4b:s24+s8], $0x80, $0x38;
	[tilespmem:$0x1D780] =	vst v63  }
0x83: {  	s23 =	rddreg [dreg:$0x10]  }
0x84: {  	[tilespmem:s15], [sflag:$0x3] =	stream.linear.gather [hbm4b:s23+s8], $0x80, $0x38;
	[tilespmem:$0x1D780] =	vst v63  }
0x85: {  	_ =	swait.ge [sflag:s16], $0x80  }
0x86: {  	[sflag:s16] =	ssyncset.done $0x0  }
0x87: {  	[sflag:s16] =	ssyncadd.s32 $0xFFFFFF80  }
0x88: {  	_ =	swait.ge [sflag:s16], $0x80  }
0x89: {  	[sflag:s16] =	ssyncset.done $0x0  }
0x8a: {  	[sflag:s16] =	ssyncadd.s32 $0xFFFFFF80  }
0x8b: {  	[tilespmem:s17], [sflag:$0x2] =	stream.indirect.gather [hbm4b:s4+s13], $0x80, s8, s13, $0xb8;
	[tilespmem:$0x1D780] =	vst v63  }
0x8c: {  	_ =	swait.ge [sflag:s18], $0x80  }
0x8d: {  	[sflag:s18] =	ssyncset.done $0x0  }
0x8e: {  	[sflag:s18] =	ssyncadd.s32 $0xFFFFFF80  }
0x8f: {  	_ =	swait.ge [sflag:s18], $0x80  }
0x90: {  	[sflag:s18] =	ssyncset.done $0x0  }
0x91: {  	[sflag:s18] =	ssyncadd.s32 $0xFFFFFF80  }
0x92: {  	[tilespmem:s20], [sflag:$0x4] =	stream.indirect.gather [hbm4b:s4+s13], $0x80, s14, s13, $0xb8;
	[tilespmem:$0x1D780] =	vst v63  }
0x93: {  	_ =	swait.ge [sflag:s21], $0x4000  }
0x94: {  	[sflag:s21] =	ssyncset.done $0x0  }
0x95: {  	[sflag:s21] =	ssyncadd.s32 $0xFFFFC000  }
0x96: {  	[spmem:s2] =	stream.indirect.scatter.add.f32 [tilespmem:s17], [sflag:$0x7], $0x80, s13, s13, $0xb8;
	[tilespmem:$0x1D780] =	vst v63  }
0x97: {  	_ =	swait.ge [sflag:s12], $0x4000  }
0x98: {  	s24 =	sshrl.u32 s29, $0x3;
	[sflag:s12] =	ssyncset.done $0x0  }
0x99: {  	s23 =	sadd.s32 s5, s24;
	[sflag:s12] =	ssyncadd.s32 $0xFFFFC000  }
0x9a: {  	[tilespmem:s3], [sflag:$0x1] =	stream.linear.gather [hbm4b:s23+s3], $0x80, $0x38;
	[tilespmem:$0x1D780] =	vst v63  }
0x9b: {  	s8 =	sadd.s32 s6, s24  }
0x9c: {  	[tilespmem:s13], [sflag:$0x1] =	stream.linear.gather [hbm4b:s8+s3], $0x80, $0x38;
	[tilespmem:$0x1D780] =	vst v63  }
0x9d: {  	_ =	swait.ge [sflag:s16], $0x80  }
0x9e: {  	[sflag:s16] =	ssyncset.done $0x0  }
0x9f: {  	[sflag:s16] =	ssyncadd.s32 $0xFFFFFF80  }
0xa0: {  	_ =	swait.ge [sflag:s16], $0x80  }
0xa1: {  	[sflag:s16] =	ssyncset.done $0x0  }
0xa2: {  	[sflag:s16] =	ssyncadd.s32 $0xFFFFFF80  }
0xa3: {  	[tilespmem:s17], [sflag:$0x2] =	stream.indirect.gather [hbm4b:s4+s13], $0x80, s3, s13, $0xb8;
	[tilespmem:$0x1D780] =	vst v63  }
0xa4: {  	_ =	swait.ge [sflag:s22], $0x4000  }
0xa5: {  	[sflag:s22] =	ssyncset.done $0x0  }
0xa6: {  	[sflag:s22] =	ssyncadd.s32 $0xFFFFC000  }
0xa7: {  	[spmem:s2] =	stream.indirect.scatter.add.f32 [tilespmem:s20], [sflag:$0x7], $0x80, s15, s13, $0xb8;
	[tilespmem:$0x1D780] =	vst v63  }
0xa8: {  	_ =	swait.ge [sflag:s12], $0x4000  }
0xa9: {  	s30 =	sadd.s32 $0x0, s26;
	s9 =	sadd.s32 $0x100, s29;
	[sflag:s12] =	ssyncset.done $0x0  }
0xaa: {  	s24 =	sadd.s32 $0x0, s28;
	s8 =	simm.s32 $0x20;
	[sflag:s12] =	ssyncadd.s32 $0xFFFFC000  }
0xab: {  	[tilespmem:s14], [sflag:$0x3] =	stream.linear.gather [hbm4b:s24+s3], $0x80, $0x38;
	[tilespmem:$0x1D780] =	vst v63  }
.LBB2_4:
0xac: {  	[tilespmem:s15], [sflag:$0x3] =	stream.linear.gather [hbm4b:s30+s3], $0x80, $0x38;
	[tilespmem:$0x1D780] =	vst v63  }
0xad: {  	s30 =	smov.u32 s8  }
0xae: {  	p1 =	sne.s32 s8, $0x4A0;
	s8 =	sadd.s32 $0x20, s8;
	_ =	swait.ge [sflag:s18], $0x80  }
0xaf: {  	[sflag:s18] =	ssyncset.done $0x0  }
0xb0: {  	[sflag:s18] =	ssyncadd.s32 $0xFFFFFF80  }
0xb1: {  	_ =	swait.ge [sflag:s18], $0x80  }
0xb2: {  	[sflag:s18] =	ssyncset.done $0x0  }
0xb3: {  	[sflag:s18] =	ssyncadd.s32 $0xFFFFFF80  }
0xb4: {  	[tilespmem:s20], [sflag:$0x4] =	stream.indirect.gather [hbm4b:s4+s13], $0x80, s14, s13, $0xb8;
	[tilespmem:$0x1D780] =	vst v63  }
0xb5: {  	_ =	swait.ge [sflag:s21], $0x4000  }
0xb6: {  	[sflag:s21] =	ssyncset.done $0x0  }
0xb7: {  	[sflag:s21] =	ssyncadd.s32 $0xFFFFC000  }
0xb8: {  	[spmem:s2] =	stream.indirect.scatter.add.f32 [tilespmem:s17], [sflag:$0x7], $0x80, s13, s13, $0xb8;
	[tilespmem:$0x1D780] =	vst v63  }
0xb9: {  	_ =	swait.ge [sflag:s12], $0x4000  }
0xba: {  	s23 =	sshrl.u32 s9, $0x3;
	[sflag:s12] =	ssyncset.done $0x0  }
0xbb: {  	s24 =	sadd.s32 s5, s23;
	[sflag:s12] =	ssyncadd.s32 $0xFFFFC000  }
0xbc: {  	[tilespmem:s3], [sflag:$0x1] =	stream.linear.gather [hbm4b:s24+s3], $0x80, $0x38;
	[tilespmem:$0x1D780] =	vst v63  }
0xbd: {  	s23 =	sadd.s32 s6, s23  }
0xbe: {  	[tilespmem:s13], [sflag:$0x1] =	stream.linear.gather [hbm4b:s23+s3], $0x80, $0x38;
	[tilespmem:$0x1D780] =	vst v63  }
0xbf: {  	_ =	swait.ge [sflag:s16], $0x80  }
0xc0: {  	[sflag:s16] =	ssyncset.done $0x0  }
0xc1: {  	[sflag:s16] =	ssyncadd.s32 $0xFFFFFF80  }
0xc2: {  	_ =	swait.ge [sflag:s16], $0x80  }
0xc3: {  	[sflag:s16] =	ssyncset.done $0x0  }
0xc4: {  	[sflag:s16] =	ssyncadd.s32 $0xFFFFFF80  }
0xc5: {  	[tilespmem:s17], [sflag:$0x2] =	stream.indirect.gather [hbm4b:s4+s13], $0x80, s3, s13, $0xb8;
	[tilespmem:$0x1D780] =	vst v63  }
0xc6: {  	_ =	swait.ge [sflag:s22], $0x4000  }
0xc7: {  	[sflag:s22] =	ssyncset.done $0x0  }
0xc8: {  	[sflag:s22] =	ssyncadd.s32 $0xFFFFC000  }
0xc9: {  	[spmem:s2] =	stream.indirect.scatter.add.f32 [tilespmem:s20], [sflag:$0x7], $0x80, s15, s13, $0xb8;
	[tilespmem:$0x1D780] =	vst v63  }
.Ltmp1:
0xca: {  	_ =	swait.ge [sflag:s12], $0x4000;
	(pc) =	sbr.rel @p1 .LBB2_4-.Ltmp1, $4  }
0xcb: {  	[sflag:s12] =	ssyncset.done $0x0  }
0xcc: {  	s23 =	sadd.s32 s30, s28;
	[sflag:s12] =	ssyncadd.s32 $0xFFFFC000  }
0xcd: {  	[tilespmem:s14], [sflag:$0x3] =	stream.linear.gather [hbm4b:s23+s3], $0x80, $0x38;
	[tilespmem:$0x1D780] =	vst v63  }
0xce: {  	s9 =	sadd.s32 $0x100, s9;
	s30 =	sadd.s32 s30, s26  }
0xcf: {  	[tilespmem:s15], [sflag:$0x3] =	stream.linear.gather [hbm4b:s30+s3], $0x80, $0x38;
	[tilespmem:$0x1D780] =	vst v63  }
0xd0: {  	s8 =	rddreg [dreg:$0x11];
	s9 =	simm.s32 $0x8200  }
0xd1: {  	[tilespmem:s9], [sflag:$0x5] =	stream.linear.gather [hbm4b:s8+s3], $0x10, $0x38;
	[tilespmem:$0x1D780] =	vst v63  }
0xd2: {  	s24 =	rddreg [dreg:$0x12];
	s23 =	simm.s32 $0x8280  }
0xd3: {  	[tilespmem:s23], [sflag:$0x5] =	stream.linear.gather [hbm4b:s24+s3], $0x10, $0x38;
	[tilespmem:$0x1D780] =	vst v63  }
0xd4: {  	_ =	swait.ge [sflag:s18], $0x80  }
0xd5: {  	[sflag:s18] =	ssyncset.done $0x0  }
0xd6: {  	[sflag:s18] =	ssyncadd.s32 $0xFFFFFF80  }
0xd7: {  	_ =	swait.ge [sflag:s18], $0x80  }
0xd8: {  	[sflag:s18] =	ssyncset.done $0x0  }
0xd9: {  	[sflag:s18] =	ssyncadd.s32 $0xFFFFFF80  }
0xda: {  	[tilespmem:s20], [sflag:$0x4] =	stream.indirect.gather [hbm4b:s4+s13], $0x80, s14, s13, $0xb8;
	[tilespmem:$0x1D780] =	vst v63  }
0xdb: {  	_ =	swait.ge [sflag:s21], $0x4000  }
0xdc: {  	[sflag:s21] =	ssyncset.done $0x0  }
0xdd: {  	[sflag:s21] =	ssyncadd.s32 $0xFFFFC000  }
0xde: {  	[spmem:s2] =	stream.indirect.scatter.add.f32 [tilespmem:s17], [sflag:$0x7], $0x80, s13, s13, $0xb8;
	[tilespmem:$0x1D780] =	vst v63  }
0xdf: {  	_ =	swait.ge [sflag:s12], $0x4000  }
0xe0: {  	[sflag:s12] =	ssyncset.done $0x0  }
0xe1: {  	[sflag:s12] =	ssyncadd.s32 $0xFFFFC000  }
0xe2: {  	_ =	swait.ge [sflag:s25], $0x10  }
0xe3: {  	[sflag:s25] =	ssyncset.done $0x0  }
0xe4: {  	[sflag:s25] =	ssyncadd.s32 $0xFFFFFFF0  }
0xe5: {  	_ =	swait.ge [sflag:s25], $0x10  }
0xe6: {  	[sflag:s25] =	ssyncset.done $0x0  }
0xe7: {  	[sflag:s25] =	ssyncadd.s32 $0xFFFFFFF0  }
0xe8: {  	[tilespmem:s1], [sflag:$0x6] =	stream.indirect.gather [hbm4b:s4+s0], $0x80, s9, s0, $0xb8;
	[tilespmem:$0x1D780] =	vst v63  }
0xe9: {  	_ =	swait.ge [sflag:s22], $0x4000  }
0xea: {  	[sflag:s22] =	ssyncset.done $0x0  }
0xeb: {  	[sflag:s22] =	ssyncadd.s32 $0xFFFFC000  }
0xec: {  	[spmem:s2] =	stream.indirect.scatter.add.f32 [tilespmem:s20], [sflag:$0x7], $0x80, s15, s13, $0xb8;
	[tilespmem:$0x1D780] =	vst v63  }
0xed: {  	_ =	swait.ge [sflag:s12], $0x4000  }
0xee: {  	[sflag:s12] =	ssyncset.done $0x0  }
0xef: {  	[sflag:s12] =	ssyncadd.s32 $0xFFFFC000  }
0xf0: {  	_ =	swait.ge [sflag:s19], $0x800  }
0xf1: {  	[sflag:s19] =	ssyncset.done $0x0  }
0xf2: {  	[sflag:s19] =	ssyncadd.s32 $0xFFFFF800  }
0xf3: {  	[spmem:s2] =	stream.indirect.scatter.add.f32 [tilespmem:s1], [sflag:$0x7], $0x80, s23, s0, $0xb8;
	[tilespmem:$0x1D780] =	vst v63  }
0xf4: {  	_ =	swait.ge [sflag:s12], $0x800  }
0xf5: {  	[sflag:s12] =	ssyncset.done $0x0  }
0xf6: {  	[sflag:s12] =	ssyncadd.s32 $0xFFFFF800  }
0xf7: {  	[bflag:$0x0] =	sbarrier.arrive $0xFFFF  }
0xf8: {  	s8 =	rddreg [dreg:$0x15]  }
0xf9: {  	s9 =	simm.s32 @p0 $0x1FC7;
	s23 =	rddreg [dreg:$0x13];
	s8 =	sshrl.u32 @p0 s8, $0x3  }
0xfa: {  	[hbm:s23], [sflag:s9] =	dma.local @p0 [spmem:s8], $0x1900  }
0xfb: {  	s8 =	simm.s32 @p0 $0x7  }
0xfc: {  	s9 =	stileid.u32;
	_ =	swait.ge @p0 [sflag:s8], $0x1900  }
0xfd: {  	s9 =	sshll.u32 @!p0 s9, $0x6;
	[sflag:s8] =	ssyncset.done @p0 $0x0;
	s23 =	rddreg [dreg:$0x5]  }
0xfe: {  	[sflag:s8] =	ssyncadd.s32 @p0 $0xFFFFE700;
	s8 =	sor.u32 @!p0 $0x1C07, s9;
	s9 =	sshrl.u32 @!p0 s10, $0x3  }
0xff: {  	[hbm:s23], [sflag:s8] =	dma.local @!p0 [spmem:s9], $0x2800  }
0x100: {  	s8 =	simm.s32 @!p0 $0x7  }
0x101: {  	_ =	swait.ge @!p0 [sflag:s8], $0x2800  }
0x102: {  	s7 =	sadd.s32 $0x1, s7;
	s30 =	rddreg [dreg:$0x14]  }
0x103: {  	p1 =	sne.s32 s7, s30  }
.Ltmp2:
0x104: {  	_ = 	snop;
	(pc) =	sbr.rel @p1 .LBB2_1-.Ltmp2, $3  }
0x105: {  	_ =	sdelay $0x1  }
0x106: {  	[sflag:s8] =	ssyncset.done @!p0 $0x0  }
0x107: {  	[sflag:s8] =	ssyncadd.s32 @!p0 $0xFFFFD800  }
0x108: {  	_ =	sfence.sel $0x180000  }
0x109: {  	[bflag:$0x0] =	sbarrier.arrive $0xFFFF  }
0x10a: {  	_ =	strace $0x9000004D  }
0x10b: {  	s0 =	stileid.u32;
	[bflag:$0x2] =	sbarrier.arrive $0xFFFF  }
0x10c: {  	p0 =	sne.s32 s0, $0x0;
	s0 =	rddreg [dreg:$0x2]  }
0x10d: {  	s0 =	sadd.s32 @!p0 $0x100000, s0  }
0x10e: {  	[sflag:s0] =	ssyncadd.tile.s32 @!p0 $0x1;
	_ =	shalt  }
.Lfunc_end2:
_tile_overlayer_lowered:
.L_overlay_start_2:
0x10f: {  	(tag) =	ssettag $0x2  }
0x110: {  	s0 =	rddreg [dreg:$0x0];
	s2 =	stileid.u32  }
0x111: {  	s1 =	rddreg [dreg:$0x1];
	p0 =	sne.s32 s2, $0x0  }
0x112: {  	s3 =	rddreg [dreg:$0x2];
	[bflag:$0x3] =	sbarrier.arrive $0xFFFF;
	s2 =	simm.s32 @!p0 $0x1C07  }
0x113: {  	[timem:s3], [sflag:s2] =	dma.local @!p0 [hbm:s0], s1  }
0x114: {  	s0 =	simm.s32 @!p0 $0x7  }
0x115: {  	_ =	swait.ge @!p0 [sflag:s0], s1  }
0x116: {  	s1 =	ssub.s32 @!p0 $0x0, s1;
	[sflag:s0] =	ssyncset.done @!p0 $0x0  }
0x117: {  	[sflag:s0] =	ssyncadd.s32 @!p0 s1  }
0x118: {  	[bflag:$0x3] =	sbarrier.arrive $0xFFFF  }
0x119: {  	_ =	shalt  }

// kernel: kernel.9.cloned.1.call-start
scs
__scs_entry_jumppad:
0x0: {  	(pc) =	sbr.rel $0x88, $3  }
0x1: {  	(tag) =	ssettag $0x0;
	lr =	simm.s32 $0x1  }
0x2: {  	[smem:$0x3F9A] =	sst lr;
	_ =	strace $0xD0000000  }
0x3: {  	_ = 	snop  }
0x4: {  	_ = 	snop  }
0x5: {  	_ = 	snop  }
0x6: {  	_ = 	snop  }
0x7: {  	_ = 	snop  }
__scs_overlays_trampoline_lowered:
0x8: {  	[smem:$0x3FA9] =	sst s0  }
0x9: {  	[smem:$0x3FAA] =	sst s1  }
0xa: {  	[smem:$0x3FAB] =	sst s2  }
0xb: {  	[smem:$0x3FAC] =	sst s3  }
0xc: {  	[smem:$0x3FAD] =	sst s4  }
0xd: {  	[smem:$0x3FAE] =	sst s5  }
0xe: {  	[smem:$0x3FAF] =	sst s6  }
0xf: {  	[smem:$0x3FB0] =	sst s7  }
0x10: {  	[smem:$0x3FB1] =	sst s8  }
0x11: {  	[smem:$0x3FB2] =	sst s9;
	s0 =	simm.s32 @!p0 $0x0  }
0x12: {  	s1 =	sld [smem:$0x3F98];
	s0 =	simm.s32 @p0 $0x1  }
0x13: {  	[smem:$0x3FB3] =	sst s0;
	s0 =	simm.s32 @!p1 $0x0  }
0x14: {  	s2 =	sld [smem:$0x3F97];
	s0 =	simm.s32 @p1 $0x1  }
0x15: {  	[smem:$0x3FB4] =	sst s0;
	s0 =	simm.s32 @!p2 $0x0  }
0x16: {  	s3 =	sld [smem:$0x3FDB];
	s0 =	simm.s32 @p2 $0x1  }
0x17: {  	s4 =	simm.s32 $0x1BF5;
	[smem:$0x3FB6] =	sst s0  }
0x18: {  	s0 =	sld [smem:$0x3F99];
	_ =	swait.ge [sflag:s4], $0x0  }
0x19: {  	s7 =	sld [smem:$0x3F9A]  }
0x1a: {  	s8 =	sadd.s32 $0xFFFFE003, lr  }
0x1b: {  	s9 =	sadd.s32 $0xFFFFFEF7, lr;
	s5 =	simm.s32 $0xFFFFFFFF;
	p2 =	slt.u32 s8, $0xFFFFF086  }
0x1c: {  	p1 =	slt.u32 s9, $0xF7A;
	s5 =	simm.s32 @!p2 $0x0  }
0x1d: {  	s5 =	simm.s32 @p1 $0x1;
	p0 =	seq.s32 s7, s2  }
0x1e: {  	s7 =	smul.u32 @!p0 $0xF7A, s2;
	p2 =	seq.s32 @!p0 s5, $0x0  }
0x1f: {  	s9 =	smul.u32 $0xF7A, s1;
	s8 =	simm.s32 @!p0 $0x1BF5;
	p2 =	por !p2, p0  }
0x20: {  	[sflag:s8] =	ssyncset.s32 @!p0 $0xFFFFF086;
	s6 =	sadd.s32 @!p0 s3, s7;
	s7 =	simm.s32 @!p0 $0x108  }
0x21: {  	s3 =	sadd.s32 s3, s9;
	s6 =	sadd.s32 @!p0 $0x88, s6;
	s7 =	simm.s32 @p2 $0x1082  }
0x22: {  	[simem:s7], [sflag:s8] =	dma.local @!p0 [hbm:s6], $0xF7A  }
0x23: {  	s9 =	sor.u32 $0xD0000000, s2;
	s6 =	simm.s32 $0x108;
	_ =	swait.ge @!p0 [sflag:s8], $0x0  }
0x24: {  	s3 =	sadd.s32 $0x88, s3;
	s6 =	simm.s32 @!p1 $0x1082;
	[sflag:s4] =	ssyncset.s32 $0xFFFFF086  }
0x25: {  	[simem:s6], [sflag:s4] =	dma.local [hbm:s3], $0xF7A  }
0x26: {  	[smem:$0x3F9A] =	sst s1;
	(tag) =	ssettag s2;
	_ =	strace s9  }
0x27: {  	s1 =	sld [smem:$0x3FAA]  }
0x28: {  	s2 =	sld [smem:$0x3FAB]  }
0x29: {  	s4 =	sld [smem:$0x3FAD]  }
0x2a: {  	p0 =	seq.s32 s5, $0x0;
	s5 =	sld [smem:$0x3FAE]  }
0x2b: {  	s6 =	sld [smem:$0x3FAF]  }
0x2c: {  	s7 =	sld [smem:$0x3FB0]  }
0x2d: {  	s3 =	simm.s32 $0x108;
	s8 =	sld [smem:$0x3FB1]  }
0x2e: {  	s3 =	simm.s32 @!p0 $0x1082;
	s9 =	sld [smem:$0x3FB2]  }
0x2f: {  	lr =	sadd.s32 s0, s3;
	s0 =	sld [smem:$0x3FA9]  }
0x30: {  	s3 =	sld [smem:$0x3FAC]  }
0x31: {  	[smem:$0x3FB5] =	sst s10  }
0x32: {  	s10 =	sld [smem:$0x3FB3];
	_ =	sdelay $0x3  }
0x33: {  	p0 =	seq.s32 s10, $0x1;
	s10 =	sld [smem:$0x3FB5];
	_ =	sdelay $0x3  }
0x34: {  	[smem:$0x3FB5] =	sst s10  }
0x35: {  	s10 =	sld [smem:$0x3FB4];
	_ =	sdelay $0x3  }
0x36: {  	p1 =	seq.s32 s10, $0x1;
	s10 =	sld [smem:$0x3FB5];
	_ =	sdelay $0x3  }
0x37: {  	[smem:$0x3FB5] =	sst s10  }
0x38: {  	s10 =	sld [smem:$0x3FB6]  }
0x39: {  	_ = 	snop;
	(pc) =	sbr.ind lr, $3  }
0x3a: {  	_ = 	snop  }
0x3b: {  	_ = 	snop  }
0x3c: {  	p2 =	seq.s32 s10, $0x1;
	s10 =	sld [smem:$0x3FB5]  }
0x3d: {  	_ =	shalt  }
0x3e: {  	_ =	shalt  }
0x3f: {  	_ =	shalt  }
0x40: {  	_ =	shalt  }
0x41: {  	_ =	shalt  }
0x42: {  	_ =	shalt  }
0x43: {  	_ =	shalt  }
0x44: {  	_ =	shalt  }
0x45: {  	_ =	shalt  }
0x46: {  	_ =	shalt  }
0x47: {  	_ =	shalt  }
0x48: {  	_ =	shalt  }
0x49: {  	_ =	shalt  }
0x4a: {  	_ =	shalt  }
0x4b: {  	_ =	shalt  }
0x4c: {  	_ =	shalt  }
0x4d: {  	_ =	shalt  }
0x4e: {  	_ =	shalt  }
0x4f: {  	_ =	shalt  }
0x50: {  	_ =	shalt  }
0x51: {  	_ =	shalt  }
0x52: {  	_ =	shalt  }
0x53: {  	_ =	shalt  }
0x54: {  	_ =	shalt  }
0x55: {  	_ =	shalt  }
0x56: {  	_ =	shalt  }
0x57: {  	_ =	shalt  }
0x58: {  	_ =	shalt  }
0x59: {  	_ =	shalt  }
0x5a: {  	_ =	shalt  }
0x5b: {  	_ =	shalt  }
0x5c: {  	_ =	shalt  }
0x5d: {  	_ =	shalt  }
0x5e: {  	_ =	shalt  }
0x5f: {  	_ =	shalt  }
0x60: {  	_ =	shalt  }
0x61: {  	_ =	shalt  }
0x62: {  	_ =	shalt  }
0x63: {  	_ =	shalt  }
0x64: {  	_ =	shalt  }
0x65: {  	_ =	shalt  }
0x66: {  	_ =	shalt  }
0x67: {  	_ =	shalt  }
0x68: {  	_ =	shalt  }
0x69: {  	_ =	shalt  }
0x6a: {  	_ =	shalt  }
0x6b: {  	_ =	shalt  }
0x6c: {  	_ =	shalt  }
0x6d: {  	_ =	shalt  }
0x6e: {  	_ =	shalt  }
0x6f: {  	_ =	shalt  }
0x70: {  	_ =	shalt  }
0x71: {  	_ =	shalt  }
0x72: {  	_ =	shalt  }
0x73: {  	_ =	shalt  }
0x74: {  	_ =	shalt  }
0x75: {  	_ =	shalt  }
0x76: {  	_ =	shalt  }
0x77: {  	_ =	shalt  }
0x78: {  	_ =	shalt  }
0x79: {  	_ =	shalt  }
0x7a: {  	_ =	shalt  }
0x7b: {  	_ =	shalt  }
0x7c: {  	_ =	shalt  }
0x7d: {  	_ =	shalt  }
0x7e: {  	_ =	shalt  }
0x7f: {  	_ =	shalt  }
0x80: {  	_ =	shalt  }
0x81: {  	_ =	shalt  }
0x82: {  	_ =	shalt  }
0x83: {  	_ =	shalt  }
0x84: {  	_ =	shalt  }
0x85: {  	_ =	shalt  }
0x86: {  	_ =	shalt  }
0x87: {  	_ =	shalt  }
.Lfunc_end0:
.L_simem_size_0:
called_computation_lowered:
.L_overlay_start_0:
0x88: {  	s2 =	sld [smem:$0x3FD9]  }
0x89: {  	s3 =	sld [smem:$0x3FFE];
	_ =	sdelay $0x1  }
0x8a: {  	s1 =	srdreg.scid  }
0x8b: {  	s0 =	sand.u32 $0x1, s1  }
0x8c: {  	s16 =	sshll.u32 s0, $0xA;
	s2 =	sadd.s32 s3, s2  }
0x8d: {  	s2 =	sadd.s32 s2, s16  }
0x8e: {  	[smem:$0x3FC1] =	sst s2  }
0x8f: {  	_ = 	snop  }
0x90: {  	(tm) =	ssettm $0x1  }
0x91: {  	s17 =	sld [smem:$0x3FFB];
	_ =	sdelay $0x3  }
0x92: {  	_ =	strace s17  }
0x93: {  	s2 =	sld [smem:$0x3FFC];
	_ =	sdelay $0x3  }
0x94: {  	_ =	strace s2  }
0x95: {  	s2 =	sld [smem:$0x3FFD];
	_ =	sdelay $0x3  }
0x96: {  	_ =	strace s2  }
0x97: {  	_ =	strace $0x8FFFFFFF  }
0x98: {  	s18 =	sld [smem:$0x3FDB];
	_ =	sdelay $0x1  }
0x99: {  	s19 =	simm.s32 $_scs_section_size  }
0x9a: {  	s4 =	simm.s32 $_size__tile_overlayer_lowered;
	s5 =	simm.s32 $_tile_overlayer_lowered  }
0x9b: {  	s22 =	simm.s32 $0x1BFF;
	s21 =	sshll.u32 s5, $0x1;
	s2 =	sadd.s32 s19, s18  }
0x9c: {  	s6 =	simm.s32 $0x0;
	s20 =	sshll.u32 s4, $0x1;
	s4 =	sadd.s32 s21, s2  }
0x9d: {  	[timem:s6], [sflag:s22] =	dma.local [hbm:s4], s20  }
0x9e: {  	_ =	swait.ge [sflag:s22], s20  }
0x9f: {  	s3 =	ssub.s32 $0x0, s20;
	[sflag:s22] =	ssyncset.done $0x0  }
0xa0: {  	[sflag:s22] =	ssyncadd.s32 s3;
	_ =	sdelay $0x1  }
0xa1: {  	s23 =	simm.s32 $0x1B8B  }
0xa2: {  	_ =	swait.ge [sflag:s23], $0x1  }
0xa3: {  	[sflag:s23] =	ssyncset.done $0x0  }
0xa4: {  	s25 =	simm.s32 $0x1B8E;
	s24 =	sld [smem:$0x3FFE];
	[sflag:s23] =	ssyncadd.s32 $0xFFFFFFFF  }
0xa5: {  	s26 =	simm.s32 $execute0_lowered;
	[smem:$0x3FD2] =	sst s25  }
0xa6: {  	s4 =	sshll.u32 s26, $0x1;
	_ =	strace $0x80000046;
	[dreg:$0x1] =	wrdreg $0xFFFFFFFF  }
0xa7: {  	s28 =	simm.s32 $_size_execute0_lowered;
	s2 =	sadd.s32 s2, s4;
	[dreg:$0x0] =	wrdreg $0x0  }
0xa8: {  	s4 =	sshll.u32 s28, $0x1;
	[dreg:$0x2] =	wrdreg s2  }
0xa9: {  	[dreg:$0x3] =	wrdreg s4  }
0xaa: {  	[dreg:$0x4] =	wrdreg $0xC0  }
0xab: {  	_ =	task [dreg:s6], $0x5FFFF  }
0xac: {  	[dreg:$0x1] =	wrdreg $0xFFFFFFFF  }
0xad: {  	[dreg:$0x0] =	wrdreg $0x60  }
0xae: {  	[dreg:$0x2] =	wrdreg s24  }
0xaf: {  	[dreg:$0x3] =	wrdreg $0x9  }
0xb0: {  	_ =	task.clear_ibuf [dreg:s6], $0x4FFFF;
	_ =	strace $0x90000046  }
0xb1: {  	s29 =	simm.s32 $0x9;
	_ =	strace $0x80000048  }
0xb2: {  	_ =	swait.ge [sflag:s29], $0x1  }
0xb3: {  	[sflag:s29] =	ssyncadd.s32 $0xFFFFFFFF  }
0xb4: {  	_ =	strace $0x90000048  }
0xb5: {  	_ =	sfence  }
0xb6: {  	s30 =	sld [smem:$0x0];
	_ =	sdelay $0x2  }
0xb7: {  	s31 =	sshll.u32 s1, $0xD;
	s1 =	sshrl.u32 s1, $0x2  }
0xb8: {  	s3 =	sand.u32 $0x4000, s31;
	s1 =	sadd.s32 s1, s30  }
0xb9: {  	s0 =	sor.u32 s3, s0;
	s1 =	sshll.u32 s1, $0x11  }
0xba: {  	s0 =	sor.u32 s1, s0  }
0xbb: {  	s0 =	sadd.s32 $0x8F2B, s0  }
0xbc: {  	[sflag:s0] =	ssyncadd.remote.s32 $0x1  }
0xbd: {  	_ =	sfence.sel $0xFFFF  }
0xbe: {  	[dreg:$0x0] =	wrdreg $0xFFFFFFFF;
	(pc) =	sbr.abs _section_cstart, $3  }
0xbf: {  	[dreg:$0x1] =	wrdreg $0xFFFFFFFF  }
0xc0: {  	_ =	task.clear_ibuf [dreg:s6], $0x2FFFF;
	_ =	strace $0x9FFFFFFF  }
0xc1: {  	(tm) =	ssettm $0x7FFFFFFF  }
tec
execute0_lowered:
.L_overlay_start_1:
0x0: {  	(tag) =	ssettag $0x1  }
0x1: {  	s1 =	srdreg.scid;
	s0 =	stileid.u32  }
0x2: {  	s3 =	sand.u32 $0x1, s1;
	s30 =	sshll.u32 s0, $0x1  }
0x3: {  	s4 =	rddreg [dreg:$0x0];
	s2 =	simm.s32 $0x0;
	s5 =	sor.u32 s3, s30  }
0x4: {  	s10 =	simm.s32 $0x1;
	s11 =	simm.s32 $0x800;
	s6 =	smul.u32 $0x2710, s5  }
0x5: {  	s12 =	simm.s32 $0x0;
	[smem:$0x7FF] =	sst s2;
	s5 =	smul.u32 $0x4F0, s5  }
0x6: {  	s1 =	rddreg [dreg:$0x1];
	_ =	strace $0x80000047;
	s3 =	ssub.s32 $0x2, s3  }
0x7: {  	s7 =	sshrl.u32 s3, $0x1;
	s6 =	sshrl.u32 s6, $0x3;
	s5 =	sadd.s32 s5, s4  }
0x8: {  	s31 =	ssub.s32 s3, s7;
	s9 =	sadd.s32 s6, s4;
	s3 =	sadd.s32 $0x16400, s5  }
0x9: {  	s4 =	smax.u32 s31, $0x1;
	s5 =	sadd.s32 $0xC600, s9;
	s6 =	sadd.s32 $0xC6FA, s9  }
0xa: {  	v0 =	vimm.f32 $0.0e+00;
	v1 =	vimm.f32 $1.000000000e+00;
	s7 =	sadd.s32 $0xC7F4, s9;
	s8 =	sadd.s32 $0xC8EE, s9;
	s9 =	sadd.s32 $0xC9E8, s9  }
.LBB2_1:
0xb: {  	s13 =	simm.s32 $0x40;
	s14 =	simm.s32 $0x0  }
.LBB2_2:
0xc: {  	p0 =	sne.s32 s13, $0x9C00;
	[tilespmem:s14+$0x800] =	vst v0;
	s14 =	smov.u32 s13;
	s13 =	sadd.s32 $0x40, s13  }
.Ltmp0:
0xd: {  	(pc) =	sbr.rel @p0 .LBB2_2-.Ltmp0, $2  }
0xe: {  	_ =	sdelay $0x2  }
0xf: {  	s14 =	sshra.s32 s14, $0x2  }
0x10: {  	[tilespmem:s14+$0x800] =	vst v0;
	s13 =	simm.s32 $0x0  }
0x11: {  	[tilespmem:s13], [sflag:$0x1] =	stream.linear.gather [hbm4b:s5+s13], $0x7D0, $0x38;
	[tilespmem:$0x2F80] =	vst v63  }
0x12: {  	_ =	swait.ge [sflag:s10], $0x7D0  }
0x13: {  	[sflag:s10] =	ssyncset.done $0x0  }
0x14: {  	s14 =	simm.s32 $0x0;
	s13 =	simm.s32 $0x40;
	[sflag:s10] =	ssyncadd.s32 $0xFFFFF830  }
.LBB2_4:
0x15: {  	p0 =	sne.s32 s13, $0x1F00;
	v2 =	vld [tilespmem:s14+$0x0];
	_ =	sdelay $0x3  }
.Ltmp1:
0x16: {  	(pc) =	sbr.rel @p0 .LBB2_4-.Ltmp1, $2  }
0x17: {  	_ =	sdelay $0x2  }
0x18: {  	s14 =	sshra.s32 s13, $0x2;
	s13 =	sadd.s32 $0x40, s13;
	[tilespmem:v2+s11+$0x0] =	vst.idx.add.f32.msk $0xffff, v1  }
0x19: {  	v2 =	vld [tilespmem:s14+$0x0];
	_ =	sdelay $0x7  }
0x1a: {  	s13 =	simm.s32 $0x0;
	[tilespmem:v2+s11+$0x0] =	vst.idx.add.f32.msk $0xffff, v1  }
0x1b: {  	[tilespmem:s13], [sflag:$0x1] =	stream.linear.gather [hbm4b:s6+s13], $0x7D0, $0x38;
	[tilespmem:$0x2F80] =	vst v63  }
0x1c: {  	_ =	swait.ge [sflag:s10], $0x7D0  }
0x1d: {  	[sflag:s10] =	ssyncset.done $0x0  }
0x1e: {  	s14 =	simm.s32 $0x0;
	s13 =	simm.s32 $0x40;
	[sflag:s10] =	ssyncadd.s32 $0xFFFFF830  }
.LBB2_6:
0x1f: {  	p0 =	sne.s32 s13, $0x1F00;
	v2 =	vld [tilespmem:s14+$0x0];
	_ =	sdelay $0x3  }
.Ltmp2:
0x20: {  	(pc) =	sbr.rel @p0 .LBB2_6-.Ltmp2, $2  }
0x21: {  	_ =	sdelay $0x2  }
0x22: {  	s14 =	sshra.s32 s13, $0x2;
	s13 =	sadd.s32 $0x40, s13;
	[tilespmem:v2+s11+$0x0] =	vst.idx.add.f32.msk $0xffff, v1  }
0x23: {  	v2 =	vld [tilespmem:s14+$0x0];
	_ =	sdelay $0x7  }
0x24: {  	s13 =	simm.s32 $0x0;
	[tilespmem:v2+s11+$0x0] =	vst.idx.add.f32.msk $0xffff, v1  }
0x25: {  	[tilespmem:s13], [sflag:$0x1] =	stream.linear.gather [hbm4b:s7+s13], $0x7D0, $0x38;
	[tilespmem:$0x2F80] =	vst v63  }
0x26: {  	_ =	swait.ge [sflag:s10], $0x7D0  }
0x27: {  	[sflag:s10] =	ssyncset.done $0x0  }
0x28: {  	s14 =	simm.s32 $0x0;
	s13 =	simm.s32 $0x40;
	[sflag:s10] =	ssyncadd.s32 $0xFFFFF830  }
.LBB2_8:
0x29: {  	p0 =	sne.s32 s13, $0x1F00;
	v2 =	vld [tilespmem:s14+$0x0];
	_ =	sdelay $0x3  }
.Ltmp3:
0x2a: {  	(pc) =	sbr.rel @p0 .LBB2_8-.Ltmp3, $2  }
0x2b: {  	_ =	sdelay $0x2  }
0x2c: {  	s14 =	sshra.s32 s13, $0x2;
	s13 =	sadd.s32 $0x40, s13;
	[tilespmem:v2+s11+$0x0] =	vst.idx.add.f32.msk $0xffff, v1  }
0x2d: {  	v2 =	vld [tilespmem:s14+$0x0];
	_ =	sdelay $0x7  }
0x2e: {  	s13 =	simm.s32 $0x0;
	[tilespmem:v2+s11+$0x0] =	vst.idx.add.f32.msk $0xffff, v1  }
0x2f: {  	[tilespmem:s13], [sflag:$0x1] =	stream.linear.gather [hbm4b:s8+s13], $0x7D0, $0x38;
	[tilespmem:$0x2F80] =	vst v63  }
0x30: {  	_ =	swait.ge [sflag:s10], $0x7D0  }
0x31: {  	[sflag:s10] =	ssyncset.done $0x0  }
0x32: {  	s14 =	simm.s32 $0x0;
	s13 =	simm.s32 $0x40;
	[sflag:s10] =	ssyncadd.s32 $0xFFFFF830  }
.LBB2_10:
0x33: {  	p0 =	sne.s32 s13, $0x1F00;
	v2 =	vld [tilespmem:s14+$0x0];
	_ =	sdelay $0x3  }
.Ltmp4:
0x34: {  	(pc) =	sbr.rel @p0 .LBB2_10-.Ltmp4, $2  }
0x35: {  	_ =	sdelay $0x2  }
0x36: {  	s14 =	sshra.s32 s13, $0x2;
	s13 =	sadd.s32 $0x40, s13;
	[tilespmem:v2+s11+$0x0] =	vst.idx.add.f32.msk $0xffff, v1  }
0x37: {  	v2 =	vld [tilespmem:s14+$0x0];
	_ =	sdelay $0x7  }
0x38: {  	s13 =	simm.s32 $0x0;
	[tilespmem:v2+s11+$0x0] =	vst.idx.add.f32.msk $0xffff, v1  }
0x39: {  	[tilespmem:s13], [sflag:$0x1] =	stream.linear.gather [hbm4b:s9+s13], $0x7D0, $0x38;
	[tilespmem:$0x2F80] =	vst v63  }
0x3a: {  	_ =	swait.ge [sflag:s10], $0x7D0  }
0x3b: {  	[sflag:s10] =	ssyncset.done $0x0  }
0x3c: {  	s14 =	simm.s32 $0x0;
	s13 =	simm.s32 $0x40;
	[sflag:s10] =	ssyncadd.s32 $0xFFFFF830  }
.LBB2_12:
0x3d: {  	p0 =	sne.s32 s13, $0x1F00;
	v2 =	vld [tilespmem:s14+$0x0];
	_ =	sdelay $0x3  }
.Ltmp5:
0x3e: {  	(pc) =	sbr.rel @p0 .LBB2_12-.Ltmp5, $2  }
0x3f: {  	_ =	sdelay $0x2  }
0x40: {  	s14 =	sshra.s32 s13, $0x2;
	s13 =	sadd.s32 $0x40, s13;
	[tilespmem:v2+s11+$0x0] =	vst.idx.add.f32.msk $0xffff, v1  }
0x41: {  	v2 =	vld [tilespmem:s14+$0x0];
	_ =	sdelay $0x5  }
0x42: {  	s12 =	sadd.s32 $0x1, s12  }
0x43: {  	p0 =	sne.s32 s12, s4  }
.Ltmp6:
0x44: {  	[tilespmem:v2+s11+$0x0] =	vst.idx.add.f32.msk $0xffff, v1;
	(pc) =	sbr.rel @p0 .LBB2_1-.Ltmp6, $4  }
0x45: {  	[hbm4b:s3+s2] =	stream.linear.scatter [tilespmem:s11], [sflag:$0x1], $0x2780, $0x38;
	[tilespmem:$0x2F80] =	vst v63  }
0x46: {  	_ =	swait.ge [sflag:s10], $0x2780  }
0x47: {  	[sflag:s10] =	ssyncset.done $0x0  }
0x48: {  	[sflag:s10] =	ssyncadd.s32 $0xFFFFD880  }
0x49: {  	_ =	sfence.sel $0x180000  }
0x4a: {  	[bflag:$0x0] =	sbarrier.arrive $0xFFFF  }
0x4b: {  	p0 =	sne.s32 s0, $0x0;
	_ =	strace $0x90000047  }
0x4c: {  	s0 =	sadd.s32 @!p0 $0x100000, s1;
	[bflag:$0x2] =	sbarrier.arrive $0xFFFF  }
0x4d: {  	[sflag:s0] =	ssyncadd.tile.s32 @!p0 $0x1;
	_ =	shalt  }
.Lfunc_end2:
_tile_overlayer_lowered:
.L_overlay_start_2:
0x4e: {  	(tag) =	ssettag $0x2  }
0x4f: {  	s0 =	rddreg [dreg:$0x0];
	s2 =	stileid.u32  }
0x50: {  	s1 =	rddreg [dreg:$0x1];
	p0 =	sne.s32 s2, $0x0  }
0x51: {  	s3 =	rddreg [dreg:$0x2];
	[bflag:$0x3] =	sbarrier.arrive $0xFFFF;
	s2 =	simm.s32 @!p0 $0x1C01  }
0x52: {  	[timem:s3], [sflag:s2] =	dma.local @!p0 [hbm:s0], s1  }
0x53: {  	s0 =	simm.s32 @!p0 $0x1  }
0x54: {  	_ =	swait.ge @!p0 [sflag:s0], s1  }
0x55: {  	s1 =	ssub.s32 @!p0 $0x0, s1;
	[sflag:s0] =	ssyncset.done @!p0 $0x0  }
0x56: {  	[sflag:s0] =	ssyncadd.s32 @!p0 s1  }
0x57: {  	[bflag:$0x3] =	sbarrier.arrive $0xFFFF  }
0x58: {  	_ =	shalt  }

</sc_bundles>
